<compile_context>
chip_gen: v7x
topology: tpu7x:2x2x1
jax: 0.10.2.dev20260603
libtpu: 0.0.44.dev20260713+nightly
codegen_flags: <defaults>
</compile_context>

<pallas_src>
import functools

import jax
import jax.numpy as jnp
from jax import lax
from jax.experimental import pallas as pl
from jax.experimental.pallas import tpu as pltpu
from jax.experimental.pallas import tpu_sc as plsc

F32 = jnp.float32
H = 128
N_NODES = 10000
N_PAD = 10240
E = 320000
CH = 64
SEG_CT = 320
SEG_IG = 8
E_PAD = 16 * SEG_CT * CH
N_TILES = 32
EL = 100000
E_CHUNK = 128
CTL = 25
EL_PAD = N_TILES * CTL * E_CHUNK

_mesh = plsc.VectorSubcoreMesh(core_axis_name="c", subcore_axis_name="s")



def _seg_body(gidx, sidx, table, zacc, padidx, out_s,
              gv, sv, r0, r1, r2, r3, padv, acc,
              g0, g1, g2, g3, s0, s1, s2, s3):
    cid = lax.axis_index("c")
    sid = lax.axis_index("s")
    base = cid * (16 * SEG_CT) + sid * SEG_CT
    stripe = N_PAD // 16
    pltpu.sync_copy(zacc.at[pl.ds(sid * stripe, stripe)],
                    acc.at[pl.ds(sid * stripe, stripe)])
    pltpu.sync_copy(padidx, padv)
    plsc.subcore_barrier()
    bufs = ((r0, g0, s0), (r1, g1, s1), (r2, g2, s2), (r3, g3, s3))
    for (rb, _, sb) in bufs:
        pltpu.async_copy(rb, acc.at[padv], sb, add=True)

    def group(g, carry):
        pltpu.sync_copy(gidx.at[pl.ds(base + g * SEG_IG, SEG_IG)], gv)
        pltpu.sync_copy(sidx.at[pl.ds(base + g * SEG_IG, SEG_IG)], sv)
        for k in (0, 1):
            rb, gb, sb = bufs[k]
            pltpu.make_async_copy(rb, acc.at[padv], sb).wait()
            pltpu.async_copy(table.at[gv.at[k]], rb, gb)
        for pp in range(4):
            cur = bufs[:2] if pp % 2 == 0 else bufs[2:]
            nxt = bufs[2:] if pp % 2 == 0 else bufs[:2]
            if pp < 3:
                for k in (0, 1):
                    rb, gb, sb = nxt[k]
                    pltpu.make_async_copy(rb, acc.at[padv], sb).wait()
                    pltpu.async_copy(table.at[gv.at[2 * pp + 2 + k]], rb, gb)
            for k in (0, 1):
                rb, gb, sb = cur[k]
                pltpu.make_async_copy(table.at[gv.at[2 * pp + k]],
                                      rb, gb).wait()
                pltpu.async_copy(rb, acc.at[sv.at[2 * pp + k]], sb, add=True)
        return carry
    lax.fori_loop(0, SEG_CT // SEG_IG, group, 0)
    for (rb, _, sb) in bufs:
        pltpu.make_async_copy(rb, acc.at[padv], sb).wait()
    plsc.subcore_barrier()
    obase = (1 - cid) * N_NODES

    @pl.when(sid < 15)
    def _():
        pltpu.sync_copy(acc.at[pl.ds(sid * stripe, stripe)],
                        out_s.at[pl.ds(obase + sid * stripe, stripe)])

    @pl.when(sid == 15)
    def _():
        pltpu.sync_copy(acc.at[pl.ds(15 * stripe, N_NODES - 15 * stripe)],
                        out_s.at[pl.ds(obase + 15 * stripe,
                                       N_NODES - 15 * stripe)])


_seg_call = functools.partial(
    pl.kernel, mesh=_mesh,
    out_type=[jax.ShapeDtypeStruct((2 * N_NODES, H), F32)],
    scratch_types=[
        pltpu.VMEM((SEG_IG, CH), jnp.int32),
        pltpu.VMEM((SEG_IG, CH), jnp.int32),
        pltpu.VMEM((CH, H), F32),
        pltpu.VMEM((CH, H), F32),
        pltpu.VMEM((CH, H), F32),
        pltpu.VMEM((CH, H), F32),
        pltpu.VMEM((CH,), jnp.int32),
        pltpu.VMEM_SHARED((N_PAD, H), F32),
        pltpu.SemaphoreType.DMA,
        pltpu.SemaphoreType.DMA,
        pltpu.SemaphoreType.DMA,
        pltpu.SemaphoreType.DMA,
        pltpu.SemaphoreType.DMA,
        pltpu.SemaphoreType.DMA,
        pltpu.SemaphoreType.DMA,
        pltpu.SemaphoreType.DMA,
    ],
)(_seg_body)


def _cnt_body(sidx, zacc, ones_in, out_c, sv, onesv, acc, sem):
    cid = lax.axis_index("c")
    sid = lax.axis_index("s")
    base = cid * (16 * SEG_CT) + sid * SEG_CT
    stripe = N_PAD // 16
    pltpu.sync_copy(zacc.at[pl.ds(sid * stripe, stripe)],
                    acc.at[pl.ds(sid * stripe, stripe)])
    pltpu.sync_copy(ones_in, onesv)
    plsc.subcore_barrier()

    def group(g, carry):
        pltpu.sync_copy(sidx.at[pl.ds(base + g * SEG_IG, SEG_IG)], sv)

        def issue(j, carry2):
            pltpu.async_copy(onesv, acc.at[sv.at[j]], sem, add=True)
            return carry2
        lax.fori_loop(0, SEG_IG, issue, 0)

        def drain(j, carry2):
            pltpu.make_async_copy(onesv, acc.at[sv.at[j]], sem).wait()
            return carry2
        lax.fori_loop(0, SEG_IG, drain, 0)
        return carry
    lax.fori_loop(0, SEG_CT // SEG_IG, group, 0)
    plsc.subcore_barrier()
    obase = (1 - cid) * N_NODES

    @pl.when(sid < 15)
    def _():
        pltpu.sync_copy(acc.at[pl.ds(sid * stripe, stripe)],
                        out_c.at[pl.ds(obase + sid * stripe, stripe)])

    @pl.when(sid == 15)
    def _():
        pltpu.sync_copy(acc.at[pl.ds(15 * stripe, N_NODES - 15 * stripe)],
                        out_c.at[pl.ds(obase + 15 * stripe,
                                       N_NODES - 15 * stripe)])


_cnt_call = functools.partial(
    pl.kernel, mesh=_mesh,
    out_type=[jax.ShapeDtypeStruct((2 * N_NODES, H), F32)],
    scratch_types=[
        pltpu.VMEM((SEG_IG, CH), jnp.int32),
        pltpu.VMEM((CH, H), F32),
        pltpu.VMEM_SHARED((N_PAD, H), F32),
        pltpu.SemaphoreType.DMA,
    ],
)(_cnt_body)



def _cls_body(aidx, bidx, targ, out, av, bv,
              ar0, br0, ar1, br1, res, sa0, sb0, sa1, sb1):
    cid = lax.axis_index("c")
    sid = lax.axis_index("s")
    wid = cid * 16 + sid
    pltpu.sync_copy(aidx.at[pl.ds(wid * 32, 32)], av)
    pltpu.sync_copy(bidx.at[pl.ds(wid * 32, 32)], bv)
    def chunk(j, carry):
        ca = pltpu.async_copy(targ.at[av.at[j]], ar0, sa0)
        cb = pltpu.async_copy(targ.at[bv.at[j]], br0, sb0)
        ca.wait()
        cb.wait()

        def row(r, c2):
            acc = ar0[r, pl.ds(0, 16)] * br0[r, pl.ds(0, 16)]
            for k in range(1, 8):
                acc = acc + (ar0[r, pl.ds(k * 16, 16)]
                             * br0[r, pl.ds(k * 16, 16)])
            res[r] = acc
            return c2
        lax.fori_loop(0, E_CHUNK, row, 0)
        pltpu.sync_copy(res, out.at[pl.ds(wid * CTL * E_CHUNK + j * E_CHUNK,
                                          E_CHUNK)])
        return carry
    lax.fori_loop(0, CTL, chunk, 0)


_cls_call = functools.partial(
    pl.kernel, mesh=_mesh,
    out_type=[jax.ShapeDtypeStruct((EL_PAD, 16), F32)],
    scratch_types=[
        pltpu.VMEM((32, E_CHUNK), jnp.int32),
        pltpu.VMEM((32, E_CHUNK), jnp.int32),
        pltpu.VMEM((E_CHUNK, H), F32),
        pltpu.VMEM((E_CHUNK, H), F32),
        pltpu.VMEM((E_CHUNK, H), F32),
        pltpu.VMEM((E_CHUNK, H), F32),
        pltpu.VMEM((E_CHUNK, 16), F32),
        pltpu.SemaphoreType.DMA,
        pltpu.SemaphoreType.DMA,
        pltpu.SemaphoreType.DMA,
        pltpu.SemaphoreType.DMA,
    ],
)(_cls_body)


def _cls_reduce(p):
    def body(p_ref, o_ref):
        o_ref[...] = jnp.sum(p_ref[...], axis=1)
    return pl.pallas_call(
        body,
        grid=(100,),
        in_specs=[pl.BlockSpec((1024, 16), lambda i: (i, 0))],
        out_specs=pl.BlockSpec((1024,), lambda i: (i,)),
        out_shape=jax.ShapeDtypeStruct((EL_PAD,), F32),
    )(p)



def _encode(xs, ws, bs, embs):
    def body(x_ref, w_ref, b_ref, e_ref, o_ref):
        o_ref[...] = (jnp.dot(x_ref[...], w_ref[0],
                              preferred_element_type=F32)
                      + b_ref[0] + e_ref[...])
    return pl.pallas_call(
        body,
        grid=(20,),
        in_specs=[pl.BlockSpec((1000, H), lambda i: (i, 0)),
                  pl.BlockSpec((1, H, H), lambda i: (i // 10, 0, 0)),
                  pl.BlockSpec((1, 1, H), lambda i: (i // 10, 0, 0)),
                  pl.BlockSpec((1000, H), lambda i: (i, 0))],
        out_specs=pl.BlockSpec((1000, H), lambda i: (i, 0)),
        out_shape=jax.ShapeDtypeStruct((2 * N_NODES, H), F32),
    )(xs, ws, bs, embs)


def _combine(sums, counts, h_self, wls, bls, wrs, relu):
    def body(s_ref, c_ref, h_ref, wl_ref, b_ref, wr_ref, o_ref):
        c = c_ref[:, 0]
        r = 1.0 / jnp.maximum(c, 1.0)
        agg = s_ref[...] * r[:, None]
        y = (jnp.dot(agg, wl_ref[0], preferred_element_type=F32)
             + b_ref[0]
             + jnp.dot(h_ref[...], wr_ref[0], preferred_element_type=F32))
        o_ref[...] = jnp.maximum(y, 0.0) if relu else y
    return pl.pallas_call(
        body,
        grid=(20,),
        in_specs=[pl.BlockSpec((1000, H), lambda i: (i, 0)),
                  pl.BlockSpec((1000, H), lambda i: (i, 0)),
                  pl.BlockSpec((1000, H), lambda i: (i, 0)),
                  pl.BlockSpec((1, H, H), lambda i: (i // 10, 0, 0)),
                  pl.BlockSpec((1, 1, H), lambda i: (i // 10, 0, 0)),
                  pl.BlockSpec((1, H, H), lambda i: (i // 10, 0, 0))],
        out_specs=pl.BlockSpec((1000, H), lambda i: (i, 0)),
        out_shape=jax.ShapeDtypeStruct((2 * N_NODES, H), F32),
    )(sums, counts, h_self, wls, bls, wrs)



def kernel(x_user, x_movie, user_node_id, movie_node_id, edge_index,
           edge_label_index, W_user_lin, b_user_lin, W_movie_lin, b_movie_lin,
           user_emb, movie_emb, Wl1r, bl1r, Wr1r, Wl1v, bl1v, Wr1v,
           Wl2r, bl2r, Wr2r, Wl2v, bl2v, Wr2v):
    src = edge_index[0]
    dst = edge_index[1]
    padg = jnp.zeros((E_PAD - E,), jnp.int32)
    pads = jnp.full((E_PAD - E,), N_NODES, jnp.int32)
    g1 = jnp.concatenate([src, padg])
    s1 = jnp.concatenate([dst, pads])
    g2 = jnp.concatenate([dst, padg]) + N_NODES
    s2 = jnp.concatenate([src, pads])
    g_all = jnp.concatenate([g1, g2]).reshape(2 * 16 * SEG_CT, CH)
    s_all = jnp.concatenate([s1, s2]).reshape(2 * 16 * SEG_CT, CH)
    padl = jnp.zeros((EL_PAD - EL,), jnp.int32)

    def _lidx(v):
        m = jnp.concatenate([v, padl]).reshape(N_TILES, CTL, E_CHUNK)
        return jnp.pad(m, ((0, 0), (0, 32 - CTL), (0, 0))).reshape(
            N_TILES * 32, E_CHUNK)
    la = _lidx(edge_label_index[0])
    lb = _lidx(edge_label_index[1] + N_NODES)
    zacc = jnp.zeros((N_PAD, H), F32)
    ones_rows = jnp.ones((CH, H), F32)
    padidx = jnp.full((CH,), N_NODES, jnp.int32)

    hcat0 = _encode(
        jnp.concatenate([x_user, x_movie]),
        jnp.stack([W_user_lin.T, W_movie_lin.T]),
        jnp.stack([b_user_lin.reshape(1, H), b_movie_lin.reshape(1, H)]),
        jnp.concatenate([user_emb, movie_emb]))

    (s12,) = _seg_call(g_all, s_all, hcat0, zacc, padidx)
    (c12,) = _cnt_call(s_all, zacc, ones_rows)

    hcat1 = _combine(
        s12, c12, hcat0,
        jnp.stack([Wl1v.T, Wl1r.T]),
        jnp.stack([bl1v.reshape(1, H), bl1r.reshape(1, H)]),
        jnp.stack([Wr1v.T, Wr1r.T]), True)

    (s34,) = _seg_call(g_all, s_all, hcat1, zacc, padidx)

    hcat2 = _combine(
        s34, c12, hcat1,
        jnp.stack([Wl2v.T, Wl2r.T]),
        jnp.stack([bl2v.reshape(1, H), bl2r.reshape(1, H)]),
        jnp.stack([Wr2v.T, Wr2r.T]), False)

    (partials,) = _cls_call(la, lb, hcat2)
    out = _cls_reduce(partials)
    return out[:EL]

# --- scband reference (transcript-rebuilt; emitter-appended) ---
"""Pipeline reference for scband-model-36627481100881 (READ-ONLY COPY).

The authoritative reference and input builder live on the scoring server;
editing this copy changes nothing except your own understanding.
"""

import jax, jax.numpy as jnp
import numpy as np

NU = 10000
NM = 10000
E = 320000
EL = 100000
H = 128
FU = 128
FM = 128


def _seg_mean(msg, idx, n):
    s = jax.ops.segment_sum(msg, idx, num_segments=n)
    c = jax.ops.segment_sum(jnp.ones((msg.shape[0], 1), msg.dtype), idx, num_segments=n)
    return s / jnp.maximum(c, 1.0)


def setup_inputs(seed: int = 0):
    key = jax.random.key(seed)
    ks = jax.random.split(key, 32)

    def g(k, shape, scale=0.05):
        return jax.random.normal(k, shape, dtype=jnp.float32) * scale

    inp = {}
    inp['x_user'] = jax.random.normal(ks[0], (NU, FU), dtype=jnp.float32)
    inp['x_movie'] = jax.random.normal(ks[1], (NM, FM), dtype=jnp.float32)
    inp['user_node_id'] = jnp.arange(NU, dtype=jnp.int32)
    inp['movie_node_id'] = jnp.arange(NM, dtype=jnp.int32)
    inp['edge_index'] = jax.random.randint(ks[2], (2, E), 0, NU, dtype=jnp.int32)
    inp['edge_label_index'] = jax.random.randint(ks[3], (2, EL), 0, NU, dtype=jnp.int32)
    # input projections
    inp['W_user_lin'] = g(ks[4], (H, FU)); inp['b_user_lin'] = jnp.zeros((H,), jnp.float32)
    inp['W_movie_lin'] = g(ks[5], (H, FM)); inp['b_movie_lin'] = jnp.zeros((H,), jnp.float32)
    # node-id embeddings
    inp['user_emb'] = g(ks[6], (NU, H))
    inp['movie_emb'] = g(ks[7], (NM, H))
    # SAGEConv params per hetero edge type: lin_l (neighbor, with bias), lin_r (self, no bias)
    # conv1 'rates' (user->movie), conv1 'rev_rates' (movie->user)
    inp['Wl1r'] = g(ks[8], (H, H)); inp['bl1r'] = jnp.zeros((H,), jnp.float32); inp['Wr1r'] = g(ks[9], (H, H))
    inp['Wl1v'] = g(ks[10], (H, H)); inp['bl1v'] = jnp.zeros((H,), jnp.float32); inp['Wr1v'] = g(ks[11], (H, H))
    # conv2
    inp['Wl2r'] = g(ks[12], (H, H)); inp['bl2r'] = jnp.zeros((H,), jnp.float32); inp['Wr2r'] = g(ks[13], (H, H))
    inp['Wl2v'] = g(ks[14], (H, H)); inp['bl2v'] = jnp.zeros((H,), jnp.float32); inp['Wr2v'] = g(ks[15], (H, H))
    return inp


def reference(x_user, x_movie, user_node_id, movie_node_id, edge_index, edge_label_index,
              W_user_lin, b_user_lin, W_movie_lin, b_movie_lin, user_emb, movie_emb,
              Wl1r, bl1r, Wr1r, Wl1v, bl1v, Wr1v,
              Wl2r, bl2r, Wr2r, Wl2v, bl2v, Wr2v):
    # input encoders: linear(x) + embedding(node_id)
    hu = x_user @ W_user_lin.T + b_user_lin + user_emb[user_node_id]
    hm = x_movie @ W_movie_lin.T + b_movie_lin + movie_emb[movie_node_id]
    src = edge_index[0]  # user indices
    dst = edge_index[1]  # movie indices
    nu = hu.shape[0]; nm = hm.shape[0]
    # hetero SAGEConv layer 1 (mean aggregation)
    agg_m = _seg_mean(hu[src], dst, nm)   # user -> movie ('rates')
    agg_u = _seg_mean(hm[dst], src, nu)   # movie -> user ('rev_rates')
    hm1 = jax.nn.relu(agg_m @ Wl1r.T + bl1r + hm @ Wr1r.T)
    hu1 = jax.nn.relu(agg_u @ Wl1v.T + bl1v + hu @ Wr1v.T)
    # hetero SAGEConv layer 2
    agg_m2 = _seg_mean(hu1[src], dst, nm)
    agg_u2 = _seg_mean(hm1[dst], src, nu)
    hm2 = agg_m2 @ Wl2r.T + bl2r + hm1 @ Wr2r.T
    hu2 = agg_u2 @ Wl2v.T + bl2v + hu1 @ Wr2v.T
    # classifier: per-edge dot product
    ef_u = hu2[edge_label_index[0]]
    ef_m = hm2[edge_label_index[1]]
    return (ef_u * ef_m).sum(axis=-1)

if __name__ == "__main__":
    import jax
    _d = setup_inputs()
    print(jax.jit(kernel)(*tuple(_d.values())))

</pallas_src>

<mosaic_0001>
#map = affine_map<(d0, d1) -> (0, 0)>
#map1 = affine_map<(d0, d1) -> (0)>
module attributes {stable_mosaic.version = 14 : i64} {
  func.func @_seg_body(%arg0: i32, %arg1: i32, %arg2: memref<10240x64xi32, #tpu.memory_space<hbm>>, %arg3: memref<10240x64xi32, #tpu.memory_space<hbm>>, %arg4: memref<20000x128xf32, #tpu.memory_space<hbm>>, %arg5: memref<10240x128xf32, #tpu.memory_space<hbm>>, %arg6: memref<64xi32, #tpu.memory_space<hbm>>, %arg7: memref<20000x128xf32, #tpu.memory_space<hbm>>, %arg8: memref<8x64xi32, #tpu.memory_space<vmem>>, %arg9: memref<8x64xi32, #tpu.memory_space<vmem>>, %arg10: memref<64x128xf32, #tpu.memory_space<vmem>>, %arg11: memref<64x128xf32, #tpu.memory_space<vmem>>, %arg12: memref<64x128xf32, #tpu.memory_space<vmem>>, %arg13: memref<64x128xf32, #tpu.memory_space<vmem>>, %arg14: memref<64xi32, #tpu.memory_space<vmem>>, %arg15: memref<10240x128xf32, #tpu.memory_space<vmem_shared>>, %arg16: memref<!tpu.dma_semaphore, #tpu.memory_space<semaphore_mem>>, %arg17: memref<!tpu.dma_semaphore, #tpu.memory_space<semaphore_mem>>, %arg18: memref<!tpu.dma_semaphore, #tpu.memory_space<semaphore_mem>>, %arg19: memref<!tpu.dma_semaphore, #tpu.memory_space<semaphore_mem>>, %arg20: memref<!tpu.dma_semaphore, #tpu.memory_space<semaphore_mem>>, %arg21: memref<!tpu.dma_semaphore, #tpu.memory_space<semaphore_mem>>, %arg22: memref<!tpu.dma_semaphore, #tpu.memory_space<semaphore_mem>>, %arg23: memref<!tpu.dma_semaphore, #tpu.memory_space<semaphore_mem>>) attributes {dimension_semantics = [#tpu.dimension_semantics<core_parallel>, #tpu.dimension_semantics<subcore_parallel>], iteration_bounds = array<i64: 2, 16>, scalar_prefetch = 0 : i64, scratch_operands = 16 : i64, tpu.core_type = #tpu.core_type<sc_vector_subcore>, window_params = [{transform_indices = #map}, {transform_indices = #map}, {transform_indices = #map}, {transform_indices = #map}, {transform_indices = #map1}, {transform_indices = #map}]} {
    %mul3A = arith.constant 5120 : i32
    %mul3A_0 = arith.muli %arg0, %mul3A : i32
    %mul3A_1 = arith.constant 320 : i32
    %mul3A_2 = arith.muli %arg1, %mul3A_1 : i32
    %add3A = arith.addi %mul3A_0, %mul3A_2 : i32
    %mul3A_3 = arith.constant 640 : i32
    %mul3A_4 = arith.muli %arg1, %mul3A_3 : i32
    %mul3A_5 = arith.constant 640 : i32
    %mul3A_6 = arith.muli %arg1, %mul3A_5 : i32
    "tpu.region"() ({
      %run_scoped3A = tpu.sem_alloc : memref<!tpu.dma_semaphore, #tpu.memory_space<semaphore_mem>>
      %dma_start3A_44 = arith.constant 0 : i32
      %dma_start3A_45 = tpu.memref_slice %arg15[%mul3A_6, %dma_start3A_44] : memref<10240x128xf32, #tpu.memory_space<vmem_shared>> -> memref<640x128xf32, #tpu.memory_space<vmem_shared>>
      %dma_start3A_46 = arith.constant 0 : i32
      %dma_start3A_47 = tpu.memref_slice %arg5[%mul3A_4, %dma_start3A_46] : memref<10240x128xf32, #tpu.memory_space<hbm>> -> memref<640x128xf32, #tpu.memory_space<hbm>>
      tpu.enqueue_dma source(%dma_start3A_47 : memref<640x128xf32, #tpu.memory_space<hbm>>) target(%dma_start3A_45 : memref<640x128xf32, #tpu.memory_space<vmem_shared>>) target_semaphore(%run_scoped3A : memref<!tpu.dma_semaphore, #tpu.memory_space<semaphore_mem>>)
      %dma_wait3A_48 = arith.constant 0 : i32
      %dma_wait3A_49 = tpu.memref_slice %arg15[%mul3A_6, %dma_wait3A_48] : memref<10240x128xf32, #tpu.memory_space<vmem_shared>> -> memref<640x128xf32, #tpu.memory_space<vmem_shared>>
      %dma_wait3A_50 = arith.constant 0 : i32
      %dma_wait3A_51 = tpu.memref_slice %arg5[%mul3A_4, %dma_wait3A_50] : memref<10240x128xf32, #tpu.memory_space<hbm>> -> memref<640x128xf32, #tpu.memory_space<hbm>>
      tpu.wait_dma2 semaphore(%run_scoped3A : memref<!tpu.dma_semaphore, #tpu.memory_space<semaphore_mem>>) src(%dma_wait3A_51 : memref<640x128xf32, #tpu.memory_space<hbm>>) dst(%dma_wait3A_49 : memref<640x128xf32, #tpu.memory_space<vmem_shared>>)
      tpu.yield
    }) : () -> ()
    "tpu.region"() ({
      %run_scoped3A = tpu.sem_alloc : memref<!tpu.dma_semaphore, #tpu.memory_space<semaphore_mem>>
      tpu.enqueue_dma source(%arg6 : memref<64xi32, #tpu.memory_space<hbm>>) target(%arg14 : memref<64xi32, #tpu.memory_space<vmem>>) target_semaphore(%run_scoped3A : memref<!tpu.dma_semaphore, #tpu.memory_space<semaphore_mem>>)
      tpu.wait_dma2 semaphore(%run_scoped3A : memref<!tpu.dma_semaphore, #tpu.memory_space<semaphore_mem>>) src(%arg6 : memref<64xi32, #tpu.memory_space<hbm>>) dst(%arg14 : memref<64xi32, #tpu.memory_space<vmem>>)
      tpu.yield
    }) : () -> ()
    %barrier3A = arith.constant 0 : index
    tpu.barrier barrier_id(%barrier3A)
    %dma_start3A = arith.constant 0 : i32
    %dma_start3A_7 = arith.constant 0 : i32
    %dma_start3A_8 = tpu.memref_slice %arg15[%dma_start3A, %dma_start3A_7] : memref<10240x128xf32, #tpu.memory_space<vmem_shared>> -> memref<10240x128xf32, #tpu.memory_space<vmem_shared>>
    tpu.enqueue_indirect_dma source(%arg10 : memref<64x128xf32, #tpu.memory_space<vmem>>) target(%dma_start3A_8 : memref<10240x128xf32, #tpu.memory_space<vmem_shared>>) offsets(%arg14 : memref<64xi32, #tpu.memory_space<vmem>>) semaphore(%arg20 : memref<!tpu.dma_semaphore, #tpu.memory_space<semaphore_mem>>) {add = true}
    %dma_start3A_9 = arith.constant 0 : i32
    %dma_start3A_10 = arith.constant 0 : i32
    %dma_start3A_11 = tpu.memref_slice %arg15[%dma_start3A_9, %dma_start3A_10] : memref<10240x128xf32, #tpu.memory_space<vmem_shared>> -> memref<10240x128xf32, #tpu.memory_space<vmem_shared>>
    tpu.enqueue_indirect_dma source(%arg11 : memref<64x128xf32, #tpu.memory_space<vmem>>) target(%dma_start3A_11 : memref<10240x128xf32, #tpu.memory_space<vmem_shared>>) offsets(%arg14 : memref<64xi32, #tpu.memory_space<vmem>>) semaphore(%arg21 : memref<!tpu.dma_semaphore, #tpu.memory_space<semaphore_mem>>) {add = true}
    %dma_start3A_12 = arith.constant 0 : i32
    %dma_start3A_13 = arith.constant 0 : i32
    %dma_start3A_14 = tpu.memref_slice %arg15[%dma_start3A_12, %dma_start3A_13] : memref<10240x128xf32, #tpu.memory_space<vmem_shared>> -> memref<10240x128xf32, #tpu.memory_space<vmem_shared>>
    tpu.enqueue_indirect_dma source(%arg12 : memref<64x128xf32, #tpu.memory_space<vmem>>) target(%dma_start3A_14 : memref<10240x128xf32, #tpu.memory_space<vmem_shared>>) offsets(%arg14 : memref<64xi32, #tpu.memory_space<vmem>>) semaphore(%arg22 : memref<!tpu.dma_semaphore, #tpu.memory_space<semaphore_mem>>) {add = true}
    %dma_start3A_15 = arith.constant 0 : i32
    %dma_start3A_16 = arith.constant 0 : i32
    %dma_start3A_17 = tpu.memref_slice %arg15[%dma_start3A_15, %dma_start3A_16] : memref<10240x128xf32, #tpu.memory_space<vmem_shared>> -> memref<10240x128xf32, #tpu.memory_space<vmem_shared>>
    tpu.enqueue_indirect_dma source(%arg13 : memref<64x128xf32, #tpu.memory_space<vmem>>) target(%dma_start3A_17 : memref<10240x128xf32, #tpu.memory_space<vmem_shared>>) offsets(%arg14 : memref<64xi32, #tpu.memory_space<vmem>>) semaphore(%arg23 : memref<!tpu.dma_semaphore, #tpu.memory_space<semaphore_mem>>) {add = true}
    %scan3A = arith.constant 0 : i32
    %scan3A_18 = arith.constant 0 : i32
    %scan3A_19 = arith.constant 40 : i32
    %scan3A_20 = arith.addi %scan3A_18, %scan3A_19 : i32
    %scan3A_21 = arith.constant 1 : i32
    scf.for %scan3A_44 = %scan3A_18 to %scan3A_20 step %scan3A_21  : i32 {
      %mul3A_45 = arith.constant 8 : i32
      %mul3A_46 = arith.muli %scan3A_44, %mul3A_45 : i32
      %add3A_47 = arith.addi %add3A, %mul3A_46 : i32
      "tpu.region"() ({
        %run_scoped3A = tpu.sem_alloc : memref<!tpu.dma_semaphore, #tpu.memory_space<semaphore_mem>>
        %dma_start3A_243 = arith.constant 0 : i32
        %dma_start3A_244 = tpu.memref_slice %arg2[%add3A_47, %dma_start3A_243] : memref<10240x64xi32, #tpu.memory_space<hbm>> -> memref<8x64xi32, #tpu.memory_space<hbm>>
        %dma_start3A_245 = arith.constant 0 : i32
        %dma_start3A_246 = tpu.memref_slice %arg2[%add3A_47, %dma_start3A_245] : memref<10240x64xi32, #tpu.memory_space<hbm>> -> memref<8x64xi32, #tpu.memory_space<hbm>>
        tpu.enqueue_dma source(%dma_start3A_246 : memref<8x64xi32, #tpu.memory_space<hbm>>) target(%arg8 : memref<8x64xi32, #tpu.memory_space<vmem>>) target_semaphore(%run_scoped3A : memref<!tpu.dma_semaphore, #tpu.memory_space<semaphore_mem>>)
        %dma_wait3A_247 = arith.constant 0 : i32
        %dma_wait3A_248 = tpu.memref_slice %arg2[%add3A_47, %dma_wait3A_247] : memref<10240x64xi32, #tpu.memory_space<hbm>> -> memref<8x64xi32, #tpu.memory_space<hbm>>
        %dma_wait3A_249 = arith.constant 0 : i32
        %dma_wait3A_250 = tpu.memref_slice %arg2[%add3A_47, %dma_wait3A_249] : memref<10240x64xi32, #tpu.memory_space<hbm>> -> memref<8x64xi32, #tpu.memory_space<hbm>>
        tpu.wait_dma2 semaphore(%run_scoped3A : memref<!tpu.dma_semaphore, #tpu.memory_space<semaphore_mem>>) src(%dma_wait3A_250 : memref<8x64xi32, #tpu.memory_space<hbm>>) dst(%arg8 : memref<8x64xi32, #tpu.memory_space<vmem>>)
        tpu.yield
      }) : () -> ()
      %mul3A_48 = arith.constant 8 : i32
      %mul3A_49 = arith.muli %scan3A_44, %mul3A_48 : i32
      %add3A_50 = arith.addi %add3A, %mul3A_49 : i32
      "tpu.region"() ({
        %run_scoped3A = tpu.sem_alloc : memref<!tpu.dma_semaphore, #tpu.memory_space<semaphore_mem>>
        %dma_start3A_243 = arith.constant 0 : i32
        %dma_start3A_244 = tpu.memref_slice %arg3[%add3A_50, %dma_start3A_243] : memref<10240x64xi32, #tpu.memory_space<hbm>> -> memref<8x64xi32, #tpu.memory_space<hbm>>
        %dma_start3A_245 = arith.constant 0 : i32
        %dma_start3A_246 = tpu.memref_slice %arg3[%add3A_50, %dma_start3A_245] : memref<10240x64xi32, #tpu.memory_space<hbm>> -> memref<8x64xi32, #tpu.memory_space<hbm>>
        tpu.enqueue_dma source(%dma_start3A_246 : memref<8x64xi32, #tpu.memory_space<hbm>>) target(%arg9 : memref<8x64xi32, #tpu.memory_space<vmem>>) target_semaphore(%run_scoped3A : memref<!tpu.dma_semaphore, #tpu.memory_space<semaphore_mem>>)
        %dma_wait3A_247 = arith.constant 0 : i32
        %dma_wait3A_248 = tpu.memref_slice %arg3[%add3A_50, %dma_wait3A_247] : memref<10240x64xi32, #tpu.memory_space<hbm>> -> memref<8x64xi32, #tpu.memory_space<hbm>>
        %dma_wait3A_249 = arith.constant 0 : i32
        %dma_wait3A_250 = tpu.memref_slice %arg3[%add3A_50, %dma_wait3A_249] : memref<10240x64xi32, #tpu.memory_space<hbm>> -> memref<8x64xi32, #tpu.memory_space<hbm>>
        tpu.wait_dma2 semaphore(%run_scoped3A : memref<!tpu.dma_semaphore, #tpu.memory_space<semaphore_mem>>) src(%dma_wait3A_250 : memref<8x64xi32, #tpu.memory_space<hbm>>) dst(%arg9 : memref<8x64xi32, #tpu.memory_space<vmem>>)
        tpu.yield
      }) : () -> ()
      %dma_wait3A_51 = arith.constant 0 : i32
      %dma_wait3A_52 = arith.constant 0 : i32
      %dma_wait3A_53 = tpu.memref_slice %arg15[%dma_wait3A_51, %dma_wait3A_52] : memref<10240x128xf32, #tpu.memory_space<vmem_shared>> -> memref<10240x128xf32, #tpu.memory_space<vmem_shared>>
      tpu.wait_indirect_dma semaphore(%arg20 : memref<!tpu.dma_semaphore, #tpu.memory_space<semaphore_mem>>) src(%arg10 : memref<64x128xf32, #tpu.memory_space<vmem>>) dst(%dma_wait3A_53 : memref<10240x128xf32, #tpu.memory_space<vmem_shared>>)
      %dma_start3A_54 = arith.constant 0 : i32
      %dma_start3A_55 = arith.constant 0 : i32
      %dma_start3A_56 = tpu.memref_slice %arg8[%dma_start3A_54, %dma_start3A_55] : memref<8x64xi32, #tpu.memory_space<vmem>> -> memref<1x64xi32, #tpu.memory_space<vmem>>
      %dma_start3A_57 = tpu.memref_squeeze %dma_start3A_56 : memref<1x64xi32, #tpu.memory_space<vmem>> -> memref<64xi32, #tpu.memory_space<vmem>>
      %dma_start3A_58 = arith.constant 0 : i32
      %dma_start3A_59 = arith.constant 0 : i32
      %dma_start3A_60 = tpu.memref_slice %arg4[%dma_start3A_58, %dma_start3A_59] : memref<20000x128xf32, #tpu.memory_space<hbm>> -> memref<20000x128xf32, #tpu.memory_space<hbm>>
      tpu.enqueue_indirect_dma source(%dma_start3A_60 : memref<20000x128xf32, #tpu.memory_space<hbm>>) target(%arg10 : memref<64x128xf32, #tpu.memory_space<vmem>>) offsets(%dma_start3A_57 : memref<64xi32, #tpu.memory_space<vmem>>) semaphore(%arg16 : memref<!tpu.dma_semaphore, #tpu.memory_space<semaphore_mem>>)
      %dma_wait3A_61 = arith.constant 0 : i32
      %dma_wait3A_62 = arith.constant 0 : i32
      %dma_wait3A_63 = tpu.memref_slice %arg15[%dma_wait3A_61, %dma_wait3A_62] : memref<10240x128xf32, #tpu.memory_space<vmem_shared>> -> memref<10240x128xf32, #tpu.memory_space<vmem_shared>>
      tpu.wait_indirect_dma semaphore(%arg21 : memref<!tpu.dma_semaphore, #tpu.memory_space<semaphore_mem>>) src(%arg11 : memref<64x128xf32, #tpu.memory_space<vmem>>) dst(%dma_wait3A_63 : memref<10240x128xf32, #tpu.memory_space<vmem_shared>>)
      %dma_start3A_64 = arith.constant 1 : i32
      %dma_start3A_65 = arith.constant 0 : i32
      %dma_start3A_66 = tpu.memref_slice %arg8[%dma_start3A_64, %dma_start3A_65] : memref<8x64xi32, #tpu.memory_space<vmem>> -> memref<1x64xi32, #tpu.memory_space<vmem>>
      %dma_start3A_67 = tpu.memref_squeeze %dma_start3A_66 : memref<1x64xi32, #tpu.memory_space<vmem>> -> memref<64xi32, #tpu.memory_space<vmem>>
      %dma_start3A_68 = arith.constant 0 : i32
      %dma_start3A_69 = arith.constant 0 : i32
      %dma_start3A_70 = tpu.memref_slice %arg4[%dma_start3A_68, %dma_start3A_69] : memref<20000x128xf32, #tpu.memory_space<hbm>> -> memref<20000x128xf32, #tpu.memory_space<hbm>>
      tpu.enqueue_indirect_dma source(%dma_start3A_70 : memref<20000x128xf32, #tpu.memory_space<hbm>>) target(%arg11 : memref<64x128xf32, #tpu.memory_space<vmem>>) offsets(%dma_start3A_67 : memref<64xi32, #tpu.memory_space<vmem>>) semaphore(%arg17 : memref<!tpu.dma_semaphore, #tpu.memory_space<semaphore_mem>>)
      %dma_wait3A_71 = arith.constant 0 : i32
      %dma_wait3A_72 = arith.constant 0 : i32
      %dma_wait3A_73 = tpu.memref_slice %arg15[%dma_wait3A_71, %dma_wait3A_72] : memref<10240x128xf32, #tpu.memory_space<vmem_shared>> -> memref<10240x128xf32, #tpu.memory_space<vmem_shared>>
      tpu.wait_indirect_dma semaphore(%arg22 : memref<!tpu.dma_semaphore, #tpu.memory_space<semaphore_mem>>) src(%arg12 : memref<64x128xf32, #tpu.memory_space<vmem>>) dst(%dma_wait3A_73 : memref<10240x128xf32, #tpu.memory_space<vmem_shared>>)
      %dma_start3A_74 = arith.constant 2 : i32
      %dma_start3A_75 = arith.constant 0 : i32
      %dma_start3A_76 = tpu.memref_slice %arg8[%dma_start3A_74, %dma_start3A_75] : memref<8x64xi32, #tpu.memory_space<vmem>> -> memref<1x64xi32, #tpu.memory_space<vmem>>
      %dma_start3A_77 = tpu.memref_squeeze %dma_start3A_76 : memref<1x64xi32, #tpu.memory_space<vmem>> -> memref<64xi32, #tpu.memory_space<vmem>>
      %dma_start3A_78 = arith.constant 0 : i32
      %dma_start3A_79 = arith.constant 0 : i32
      %dma_start3A_80 = tpu.memref_slice %arg4[%dma_start3A_78, %dma_start3A_79] : memref<20000x128xf32, #tpu.memory_space<hbm>> -> memref<20000x128xf32, #tpu.memory_space<hbm>>
      tpu.enqueue_indirect_dma source(%dma_start3A_80 : memref<20000x128xf32, #tpu.memory_space<hbm>>) target(%arg12 : memref<64x128xf32, #tpu.memory_space<vmem>>) offsets(%dma_start3A_77 : memref<64xi32, #tpu.memory_space<vmem>>) semaphore(%arg18 : memref<!tpu.dma_semaphore, #tpu.memory_space<semaphore_mem>>)
      %dma_wait3A_81 = arith.constant 0 : i32
      %dma_wait3A_82 = arith.constant 0 : i32
      %dma_wait3A_83 = tpu.memref_slice %arg15[%dma_wait3A_81, %dma_wait3A_82] : memref<10240x128xf32, #tpu.memory_space<vmem_shared>> -> memref<10240x128xf32, #tpu.memory_space<vmem_shared>>
      tpu.wait_indirect_dma semaphore(%arg23 : memref<!tpu.dma_semaphore, #tpu.memory_space<semaphore_mem>>) src(%arg13 : memref<64x128xf32, #tpu.memory_space<vmem>>) dst(%dma_wait3A_83 : memref<10240x128xf32, #tpu.memory_space<vmem_shared>>)
      %dma_start3A_84 = arith.constant 3 : i32
      %dma_start3A_85 = arith.constant 0 : i32
      %dma_start3A_86 = tpu.memref_slice %arg8[%dma_start3A_84, %dma_start3A_85] : memref<8x64xi32, #tpu.memory_space<vmem>> -> memref<1x64xi32, #tpu.memory_space<vmem>>
      %dma_start3A_87 = tpu.memref_squeeze %dma_start3A_86 : memref<1x64xi32, #tpu.memory_space<vmem>> -> memref<64xi32, #tpu.memory_space<vmem>>
      %dma_start3A_88 = arith.constant 0 : i32
      %dma_start3A_89 = arith.constant 0 : i32
      %dma_start3A_90 = tpu.memref_slice %arg4[%dma_start3A_88, %dma_start3A_89] : memref<20000x128xf32, #tpu.memory_space<hbm>> -> memref<20000x128xf32, #tpu.memory_space<hbm>>
      tpu.enqueue_indirect_dma source(%dma_start3A_90 : memref<20000x128xf32, #tpu.memory_space<hbm>>) target(%arg13 : memref<64x128xf32, #tpu.memory_space<vmem>>) offsets(%dma_start3A_87 : memref<64xi32, #tpu.memory_space<vmem>>) semaphore(%arg19 : memref<!tpu.dma_semaphore, #tpu.memory_space<semaphore_mem>>)
      %dma_wait3A_91 = arith.constant 0 : i32
      %dma_wait3A_92 = arith.constant 0 : i32
      %dma_wait3A_93 = tpu.memref_slice %arg8[%dma_wait3A_91, %dma_wait3A_92] : memref<8x64xi32, #tpu.memory_space<vmem>> -> memref<1x64xi32, #tpu.memory_space<vmem>>
      %dma_wait3A_94 = tpu.memref_squeeze %dma_wait3A_93 : memref<1x64xi32, #tpu.memory_space<vmem>> -> memref<64xi32, #tpu.memory_space<vmem>>
      %dma_wait3A_95 = arith.constant 0 : i32
      %dma_wait3A_96 = arith.constant 0 : i32
      %dma_wait3A_97 = tpu.memref_slice %arg4[%dma_wait3A_95, %dma_wait3A_96] : memref<20000x128xf32, #tpu.memory_space<hbm>> -> memref<20000x128xf32, #tpu.memory_space<hbm>>
      tpu.wait_indirect_dma semaphore(%arg16 : memref<!tpu.dma_semaphore, #tpu.memory_space<semaphore_mem>>) src(%dma_wait3A_97 : memref<20000x128xf32, #tpu.memory_space<hbm>>) dst(%arg10 : memref<64x128xf32, #tpu.memory_space<vmem>>)
      %dma_start3A_98 = arith.constant 0 : i32
      %dma_start3A_99 = arith.constant 0 : i32
      %dma_start3A_100 = tpu.memref_slice %arg9[%dma_start3A_98, %dma_start3A_99] : memref<8x64xi32, #tpu.memory_space<vmem>> -> memref<1x64xi32, #tpu.memory_space<vmem>>
      %dma_start3A_101 = tpu.memref_squeeze %dma_start3A_100 : memref<1x64xi32, #tpu.memory_space<vmem>> -> memref<64xi32, #tpu.memory_space<vmem>>
      %dma_start3A_102 = arith.constant 0 : i32
      %dma_start3A_103 = arith.constant 0 : i32
      %dma_start3A_104 = tpu.memref_slice %arg15[%dma_start3A_102, %dma_start3A_103] : memref<10240x128xf32, #tpu.memory_space<vmem_shared>> -> memref<10240x128xf32, #tpu.memory_space<vmem_shared>>
      tpu.enqueue_indirect_dma source(%arg10 : memref<64x128xf32, #tpu.memory_space<vmem>>) target(%dma_start3A_104 : memref<10240x128xf32, #tpu.memory_space<vmem_shared>>) offsets(%dma_start3A_101 : memref<64xi32, #tpu.memory_space<vmem>>) semaphore(%arg20 : memref<!tpu.dma_semaphore, #tpu.memory_space<semaphore_mem>>) {add = true}
      %dma_wait3A_105 = arith.constant 1 : i32
      %dma_wait3A_106 = arith.constant 0 : i32
      %dma_wait3A_107 = tpu.memref_slice %arg8[%dma_wait3A_105, %dma_wait3A_106] : memref<8x64xi32, #tpu.memory_space<vmem>> -> memref<1x64xi32, #tpu.memory_space<vmem>>
      %dma_wait3A_108 = tpu.memref_squeeze %dma_wait3A_107 : memref<1x64xi32, #tpu.memory_space<vmem>> -> memref<64xi32, #tpu.memory_space<vmem>>
      %dma_wait3A_109 = arith.constant 0 : i32
      %dma_wait3A_110 = arith.constant 0 : i32
      %dma_wait3A_111 = tpu.memref_slice %arg4[%dma_wait3A_109, %dma_wait3A_110] : memref<20000x128xf32, #tpu.memory_space<hbm>> -> memref<20000x128xf32, #tpu.memory_space<hbm>>
      tpu.wait_indirect_dma semaphore(%arg17 : memref<!tpu.dma_semaphore, #tpu.memory_space<semaphore_mem>>) src(%dma_wait3A_111 : memref<20000x128xf32, #tpu.memory_space<hbm>>) dst(%arg11 : memref<64x128xf32, #tpu.memory_space<vmem>>)
      %dma_start3A_112 = arith.constant 1 : i32
      %dma_start3A_113 = arith.constant 0 : i32
      %dma_start3A_114 = tpu.memref_slice %arg9[%dma_start3A_112, %dma_start3A_113] : memref<8x64xi32, #tpu.memory_space<vmem>> -> memref<1x64xi32, #tpu.memory_space<vmem>>
      %dma_start3A_115 = tpu.memref_squeeze %dma_start3A_114 : memref<1x64xi32, #tpu.memory_space<vmem>> -> memref<64xi32, #tpu.memory_space<vmem>>
      %dma_start3A_116 = arith.constant 0 : i32
      %dma_start3A_117 = arith.constant 0 : i32
      %dma_start3A_118 = tpu.memref_slice %arg15[%dma_start3A_116, %dma_start3A_117] : memref<10240x128xf32, #tpu.memory_space<vmem_shared>> -> memref<10240x128xf32, #tpu.memory_space<vmem_shared>>
      tpu.enqueue_indirect_dma source(%arg11 : memref<64x128xf32, #tpu.memory_space<vmem>>) target(%dma_start3A_118 : memref<10240x128xf32, #tpu.memory_space<vmem_shared>>) offsets(%dma_start3A_115 : memref<64xi32, #tpu.memory_space<vmem>>) semaphore(%arg21 : memref<!tpu.dma_semaphore, #tpu.memory_space<semaphore_mem>>) {add = true}
      %dma_wait3A_119 = arith.constant 0 : i32
      %dma_wait3A_120 = arith.constant 0 : i32
      %dma_wait3A_121 = tpu.memref_slice %arg15[%dma_wait3A_119, %dma_wait3A_120] : memref<10240x128xf32, #tpu.memory_space<vmem_shared>> -> memref<10240x128xf32, #tpu.memory_space<vmem_shared>>
      tpu.wait_indirect_dma semaphore(%arg20 : memref<!tpu.dma_semaphore, #tpu.memory_space<semaphore_mem>>) src(%arg10 : memref<64x128xf32, #tpu.memory_space<vmem>>) dst(%dma_wait3A_121 : memref<10240x128xf32, #tpu.memory_space<vmem_shared>>)
      %dma_start3A_122 = arith.constant 4 : i32
      %dma_start3A_123 = arith.constant 0 : i32
      %dma_start3A_124 = tpu.memref_slice %arg8[%dma_start3A_122, %dma_start3A_123] : memref<8x64xi32, #tpu.memory_space<vmem>> -> memref<1x64xi32, #tpu.memory_space<vmem>>
      %dma_start3A_125 = tpu.memref_squeeze %dma_start3A_124 : memref<1x64xi32, #tpu.memory_space<vmem>> -> memref<64xi32, #tpu.memory_space<vmem>>
      %dma_start3A_126 = arith.constant 0 : i32
      %dma_start3A_127 = arith.constant 0 : i32
      %dma_start3A_128 = tpu.memref_slice %arg4[%dma_start3A_126, %dma_start3A_127] : memref<20000x128xf32, #tpu.memory_space<hbm>> -> memref<20000x128xf32, #tpu.memory_space<hbm>>
      tpu.enqueue_indirect_dma source(%dma_start3A_128 : memref<20000x128xf32, #tpu.memory_space<hbm>>) target(%arg10 : memref<64x128xf32, #tpu.memory_space<vmem>>) offsets(%dma_start3A_125 : memref<64xi32, #tpu.memory_space<vmem>>) semaphore(%arg16 : memref<!tpu.dma_semaphore, #tpu.memory_space<semaphore_mem>>)
      %dma_wait3A_129 = arith.constant 0 : i32
      %dma_wait3A_130 = arith.constant 0 : i32
      %dma_wait3A_131 = tpu.memref_slice %arg15[%dma_wait3A_129, %dma_wait3A_130] : memref<10240x128xf32, #tpu.memory_space<vmem_shared>> -> memref<10240x128xf32, #tpu.memory_space<vmem_shared>>
      tpu.wait_indirect_dma semaphore(%arg21 : memref<!tpu.dma_semaphore, #tpu.memory_space<semaphore_mem>>) src(%arg11 : memref<64x128xf32, #tpu.memory_space<vmem>>) dst(%dma_wait3A_131 : memref<10240x128xf32, #tpu.memory_space<vmem_shared>>)
      %dma_start3A_132 = arith.constant 5 : i32
      %dma_start3A_133 = arith.constant 0 : i32
      %dma_start3A_134 = tpu.memref_slice %arg8[%dma_start3A_132, %dma_start3A_133] : memref<8x64xi32, #tpu.memory_space<vmem>> -> memref<1x64xi32, #tpu.memory_space<vmem>>
      %dma_start3A_135 = tpu.memref_squeeze %dma_start3A_134 : memref<1x64xi32, #tpu.memory_space<vmem>> -> memref<64xi32, #tpu.memory_space<vmem>>
      %dma_start3A_136 = arith.constant 0 : i32
      %dma_start3A_137 = arith.constant 0 : i32
      %dma_start3A_138 = tpu.memref_slice %arg4[%dma_start3A_136, %dma_start3A_137] : memref<20000x128xf32, #tpu.memory_space<hbm>> -> memref<20000x128xf32, #tpu.memory_space<hbm>>
      tpu.enqueue_indirect_dma source(%dma_start3A_138 : memref<20000x128xf32, #tpu.memory_space<hbm>>) target(%arg11 : memref<64x128xf32, #tpu.memory_space<vmem>>) offsets(%dma_start3A_135 : memref<64xi32, #tpu.memory_space<vmem>>) semaphore(%arg17 : memref<!tpu.dma_semaphore, #tpu.memory_space<semaphore_mem>>)
      %dma_wait3A_139 = arith.constant 2 : i32
      %dma_wait3A_140 = arith.constant 0 : i32
      %dma_wait3A_141 = tpu.memref_slice %arg8[%dma_wait3A_139, %dma_wait3A_140] : memref<8x64xi32, #tpu.memory_space<vmem>> -> memref<1x64xi32, #tpu.memory_space<vmem>>
      %dma_wait3A_142 = tpu.memref_squeeze %dma_wait3A_141 : memref<1x64xi32, #tpu.memory_space<vmem>> -> memref<64xi32, #tpu.memory_space<vmem>>
      %dma_wait3A_143 = arith.constant 0 : i32
      %dma_wait3A_144 = arith.constant 0 : i32
      %dma_wait3A_145 = tpu.memref_slice %arg4[%dma_wait3A_143, %dma_wait3A_144] : memref<20000x128xf32, #tpu.memory_space<hbm>> -> memref<20000x128xf32, #tpu.memory_space<hbm>>
      tpu.wait_indirect_dma semaphore(%arg18 : memref<!tpu.dma_semaphore, #tpu.memory_space<semaphore_mem>>) src(%dma_wait3A_145 : memref<20000x128xf32, #tpu.memory_space<hbm>>) dst(%arg12 : memref<64x128xf32, #tpu.memory_space<vmem>>)
      %dma_start3A_146 = arith.constant 2 : i32
      %dma_start3A_147 = arith.constant 0 : i32
      %dma_start3A_148 = tpu.memref_slice %arg9[%dma_start3A_146, %dma_start3A_147] : memref<8x64xi32, #tpu.memory_space<vmem>> -> memref<1x64xi32, #tpu.memory_space<vmem>>
      %dma_start3A_149 = tpu.memref_squeeze %dma_start3A_148 : memref<1x64xi32, #tpu.memory_space<vmem>> -> memref<64xi32, #tpu.memory_space<vmem>>
      %dma_start3A_150 = arith.constant 0 : i32
      %dma_start3A_151 = arith.constant 0 : i32
      %dma_start3A_152 = tpu.memref_slice %arg15[%dma_start3A_150, %dma_start3A_151] : memref<10240x128xf32, #tpu.memory_space<vmem_shared>> -> memref<10240x128xf32, #tpu.memory_space<vmem_shared>>
      tpu.enqueue_indirect_dma source(%arg12 : memref<64x128xf32, #tpu.memory_space<vmem>>) target(%dma_start3A_152 : memref<10240x128xf32, #tpu.memory_space<vmem_shared>>) offsets(%dma_start3A_149 : memref<64xi32, #tpu.memory_space<vmem>>) semaphore(%arg22 : memref<!tpu.dma_semaphore, #tpu.memory_space<semaphore_mem>>) {add = true}
      %dma_wait3A_153 = arith.constant 3 : i32
      %dma_wait3A_154 = arith.constant 0 : i32
      %dma_wait3A_155 = tpu.memref_slice %arg8[%dma_wait3A_153, %dma_wait3A_154] : memref<8x64xi32, #tpu.memory_space<vmem>> -> memref<1x64xi32, #tpu.memory_space<vmem>>
      %dma_wait3A_156 = tpu.memref_squeeze %dma_wait3A_155 : memref<1x64xi32, #tpu.memory_space<vmem>> -> memref<64xi32, #tpu.memory_space<vmem>>
      %dma_wait3A_157 = arith.constant 0 : i32
      %dma_wait3A_158 = arith.constant 0 : i32
      %dma_wait3A_159 = tpu.memref_slice %arg4[%dma_wait3A_157, %dma_wait3A_158] : memref<20000x128xf32, #tpu.memory_space<hbm>> -> memref<20000x128xf32, #tpu.memory_space<hbm>>
      tpu.wait_indirect_dma semaphore(%arg19 : memref<!tpu.dma_semaphore, #tpu.memory_space<semaphore_mem>>) src(%dma_wait3A_159 : memref<20000x128xf32, #tpu.memory_space<hbm>>) dst(%arg13 : memref<64x128xf32, #tpu.memory_space<vmem>>)
      %dma_start3A_160 = arith.constant 3 : i32
      %dma_start3A_161 = arith.constant 0 : i32
      %dma_start3A_162 = tpu.memref_slice %arg9[%dma_start3A_160, %dma_start3A_161] : memref<8x64xi32, #tpu.memory_space<vmem>> -> memref<1x64xi32, #tpu.memory_space<vmem>>
      %dma_start3A_163 = tpu.memref_squeeze %dma_start3A_162 : memref<1x64xi32, #tpu.memory_space<vmem>> -> memref<64xi32, #tpu.memory_space<vmem>>
      %dma_start3A_164 = arith.constant 0 : i32
      %dma_start3A_165 = arith.constant 0 : i32
      %dma_start3A_166 = tpu.memref_slice %arg15[%dma_start3A_164, %dma_start3A_165] : memref<10240x128xf32, #tpu.memory_space<vmem_shared>> -> memref<10240x128xf32, #tpu.memory_space<vmem_shared>>
      tpu.enqueue_indirect_dma source(%arg13 : memref<64x128xf32, #tpu.memory_space<vmem>>) target(%dma_start3A_166 : memref<10240x128xf32, #tpu.memory_space<vmem_shared>>) offsets(%dma_start3A_163 : memref<64xi32, #tpu.memory_space<vmem>>) semaphore(%arg23 : memref<!tpu.dma_semaphore, #tpu.memory_space<semaphore_mem>>) {add = true}
      %dma_wait3A_167 = arith.constant 0 : i32
      %dma_wait3A_168 = arith.constant 0 : i32
      %dma_wait3A_169 = tpu.memref_slice %arg15[%dma_wait3A_167, %dma_wait3A_168] : memref<10240x128xf32, #tpu.memory_space<vmem_shared>> -> memref<10240x128xf32, #tpu.memory_space<vmem_shared>>
      tpu.wait_indirect_dma semaphore(%arg22 : memref<!tpu.dma_semaphore, #tpu.memory_space<semaphore_mem>>) src(%arg12 : memref<64x128xf32, #tpu.memory_space<vmem>>) dst(%dma_wait3A_169 : memref<10240x128xf32, #tpu.memory_space<vmem_shared>>)
      %dma_start3A_170 = arith.constant 6 : i32
      %dma_start3A_171 = arith.constant 0 : i32
      %dma_start3A_172 = tpu.memref_slice %arg8[%dma_start3A_170, %dma_start3A_171] : memref<8x64xi32, #tpu.memory_space<vmem>> -> memref<1x64xi32, #tpu.memory_space<vmem>>
      %dma_start3A_173 = tpu.memref_squeeze %dma_start3A_172 : memref<1x64xi32, #tpu.memory_space<vmem>> -> memref<64xi32, #tpu.memory_space<vmem>>
      %dma_start3A_174 = arith.constant 0 : i32
      %dma_start3A_175 = arith.constant 0 : i32
      %dma_start3A_176 = tpu.memref_slice %arg4[%dma_start3A_174, %dma_start3A_175] : memref<20000x128xf32, #tpu.memory_space<hbm>> -> memref<20000x128xf32, #tpu.memory_space<hbm>>
      tpu.enqueue_indirect_dma source(%dma_start3A_176 : memref<20000x128xf32, #tpu.memory_space<hbm>>) target(%arg12 : memref<64x128xf32, #tpu.memory_space<vmem>>) offsets(%dma_start3A_173 : memref<64xi32, #tpu.memory_space<vmem>>) semaphore(%arg18 : memref<!tpu.dma_semaphore, #tpu.memory_space<semaphore_mem>>)
      %dma_wait3A_177 = arith.constant 0 : i32
      %dma_wait3A_178 = arith.constant 0 : i32
      %dma_wait3A_179 = tpu.memref_slice %arg15[%dma_wait3A_177, %dma_wait3A_178] : memref<10240x128xf32, #tpu.memory_space<vmem_shared>> -> memref<10240x128xf32, #tpu.memory_space<vmem_shared>>
      tpu.wait_indirect_dma semaphore(%arg23 : memref<!tpu.dma_semaphore, #tpu.memory_space<semaphore_mem>>) src(%arg13 : memref<64x128xf32, #tpu.memory_space<vmem>>) dst(%dma_wait3A_179 : memref<10240x128xf32, #tpu.memory_space<vmem_shared>>)
      %dma_start3A_180 = arith.constant 7 : i32
      %dma_start3A_181 = arith.constant 0 : i32
      %dma_start3A_182 = tpu.memref_slice %arg8[%dma_start3A_180, %dma_start3A_181] : memref<8x64xi32, #tpu.memory_space<vmem>> -> memref<1x64xi32, #tpu.memory_space<vmem>>
      %dma_start3A_183 = tpu.memref_squeeze %dma_start3A_182 : memref<1x64xi32, #tpu.memory_space<vmem>> -> memref<64xi32, #tpu.memory_space<vmem>>
      %dma_start3A_184 = arith.constant 0 : i32
      %dma_start3A_185 = arith.constant 0 : i32
      %dma_start3A_186 = tpu.memref_slice %arg4[%dma_start3A_184, %dma_start3A_185] : memref<20000x128xf32, #tpu.memory_space<hbm>> -> memref<20000x128xf32, #tpu.memory_space<hbm>>
      tpu.enqueue_indirect_dma source(%dma_start3A_186 : memref<20000x128xf32, #tpu.memory_space<hbm>>) target(%arg13 : memref<64x128xf32, #tpu.memory_space<vmem>>) offsets(%dma_start3A_183 : memref<64xi32, #tpu.memory_space<vmem>>) semaphore(%arg19 : memref<!tpu.dma_semaphore, #tpu.memory_space<semaphore_mem>>)
      %dma_wait3A_187 = arith.constant 4 : i32
      %dma_wait3A_188 = arith.constant 0 : i32
      %dma_wait3A_189 = tpu.memref_slice %arg8[%dma_wait3A_187, %dma_wait3A_188] : memref<8x64xi32, #tpu.memory_space<vmem>> -> memref<1x64xi32, #tpu.memory_space<vmem>>
      %dma_wait3A_190 = tpu.memref_squeeze %dma_wait3A_189 : memref<1x64xi32, #tpu.memory_space<vmem>> -> memref<64xi32, #tpu.memory_space<vmem>>
      %dma_wait3A_191 = arith.constant 0 : i32
      %dma_wait3A_192 = arith.constant 0 : i32
      %dma_wait3A_193 = tpu.memref_slice %arg4[%dma_wait3A_191, %dma_wait3A_192] : memref<20000x128xf32, #tpu.memory_space<hbm>> -> memref<20000x128xf32, #tpu.memory_space<hbm>>
      tpu.wait_indirect_dma semaphore(%arg16 : memref<!tpu.dma_semaphore, #tpu.memory_space<semaphore_mem>>) src(%dma_wait3A_193 : memref<20000x128xf32, #tpu.memory_space<hbm>>) dst(%arg10 : memref<64x128xf32, #tpu.memory_space<vmem>>)
      %dma_start3A_194 = arith.constant 4 : i32
      %dma_start3A_195 = arith.constant 0 : i32
      %dma_start3A_196 = tpu.memref_slice %arg9[%dma_start3A_194, %dma_start3A_195] : memref<8x64xi32, #tpu.memory_space<vmem>> -> memref<1x64xi32, #tpu.memory_space<vmem>>
      %dma_start3A_197 = tpu.memref_squeeze %dma_start3A_196 : memref<1x64xi32, #tpu.memory_space<vmem>> -> memref<64xi32, #tpu.memory_space<vmem>>
      %dma_start3A_198 = arith.constant 0 : i32
      %dma_start3A_199 = arith.constant 0 : i32
      %dma_start3A_200 = tpu.memref_slice %arg15[%dma_start3A_198, %dma_start3A_199] : memref<10240x128xf32, #tpu.memory_space<vmem_shared>> -> memref<10240x128xf32, #tpu.memory_space<vmem_shared>>
      tpu.enqueue_indirect_dma source(%arg10 : memref<64x128xf32, #tpu.memory_space<vmem>>) target(%dma_start3A_200 : memref<10240x128xf32, #tpu.memory_space<vmem_shared>>) offsets(%dma_start3A_197 : memref<64xi32, #tpu.memory_space<vmem>>) semaphore(%arg20 : memref<!tpu.dma_semaphore, #tpu.memory_space<semaphore_mem>>) {add = true}
      %dma_wait3A_201 = arith.constant 5 : i32
      %dma_wait3A_202 = arith.constant 0 : i32
      %dma_wait3A_203 = tpu.memref_slice %arg8[%dma_wait3A_201, %dma_wait3A_202] : memref<8x64xi32, #tpu.memory_space<vmem>> -> memref<1x64xi32, #tpu.memory_space<vmem>>
      %dma_wait3A_204 = tpu.memref_squeeze %dma_wait3A_203 : memref<1x64xi32, #tpu.memory_space<vmem>> -> memref<64xi32, #tpu.memory_space<vmem>>
      %dma_wait3A_205 = arith.constant 0 : i32
      %dma_wait3A_206 = arith.constant 0 : i32
      %dma_wait3A_207 = tpu.memref_slice %arg4[%dma_wait3A_205, %dma_wait3A_206] : memref<20000x128xf32, #tpu.memory_space<hbm>> -> memref<20000x128xf32, #tpu.memory_space<hbm>>
      tpu.wait_indirect_dma semaphore(%arg17 : memref<!tpu.dma_semaphore, #tpu.memory_space<semaphore_mem>>) src(%dma_wait3A_207 : memref<20000x128xf32, #tpu.memory_space<hbm>>) dst(%arg11 : memref<64x128xf32, #tpu.memory_space<vmem>>)
      %dma_start3A_208 = arith.constant 5 : i32
      %dma_start3A_209 = arith.constant 0 : i32
      %dma_start3A_210 = tpu.memref_slice %arg9[%dma_start3A_208, %dma_start3A_209] : memref<8x64xi32, #tpu.memory_space<vmem>> -> memref<1x64xi32, #tpu.memory_space<vmem>>
      %dma_start3A_211 = tpu.memref_squeeze %dma_start3A_210 : memref<1x64xi32, #tpu.memory_space<vmem>> -> memref<64xi32, #tpu.memory_space<vmem>>
      %dma_start3A_212 = arith.constant 0 : i32
      %dma_start3A_213 = arith.constant 0 : i32
      %dma_start3A_214 = tpu.memref_slice %arg15[%dma_start3A_212, %dma_start3A_213] : memref<10240x128xf32, #tpu.memory_space<vmem_shared>> -> memref<10240x128xf32, #tpu.memory_space<vmem_shared>>
      tpu.enqueue_indirect_dma source(%arg11 : memref<64x128xf32, #tpu.memory_space<vmem>>) target(%dma_start3A_214 : memref<10240x128xf32, #tpu.memory_space<vmem_shared>>) offsets(%dma_start3A_211 : memref<64xi32, #tpu.memory_space<vmem>>) semaphore(%arg21 : memref<!tpu.dma_semaphore, #tpu.memory_space<semaphore_mem>>) {add = true}
      %dma_wait3A_215 = arith.constant 6 : i32
      %dma_wait3A_216 = arith.constant 0 : i32
      %dma_wait3A_217 = tpu.memref_slice %arg8[%dma_wait3A_215, %dma_wait3A_216] : memref<8x64xi32, #tpu.memory_space<vmem>> -> memref<1x64xi32, #tpu.memory_space<vmem>>
      %dma_wait3A_218 = tpu.memref_squeeze %dma_wait3A_217 : memref<1x64xi32, #tpu.memory_space<vmem>> -> memref<64xi32, #tpu.memory_space<vmem>>
      %dma_wait3A_219 = arith.constant 0 : i32
      %dma_wait3A_220 = arith.constant 0 : i32
      %dma_wait3A_221 = tpu.memref_slice %arg4[%dma_wait3A_219, %dma_wait3A_220] : memref<20000x128xf32, #tpu.memory_space<hbm>> -> memref<20000x128xf32, #tpu.memory_space<hbm>>
      tpu.wait_indirect_dma semaphore(%arg18 : memref<!tpu.dma_semaphore, #tpu.memory_space<semaphore_mem>>) src(%dma_wait3A_221 : memref<20000x128xf32, #tpu.memory_space<hbm>>) dst(%arg12 : memref<64x128xf32, #tpu.memory_space<vmem>>)
      %dma_start3A_222 = arith.constant 6 : i32
      %dma_start3A_223 = arith.constant 0 : i32
      %dma_start3A_224 = tpu.memref_slice %arg9[%dma_start3A_222, %dma_start3A_223] : memref<8x64xi32, #tpu.memory_space<vmem>> -> memref<1x64xi32, #tpu.memory_space<vmem>>
      %dma_start3A_225 = tpu.memref_squeeze %dma_start3A_224 : memref<1x64xi32, #tpu.memory_space<vmem>> -> memref<64xi32, #tpu.memory_space<vmem>>
      %dma_start3A_226 = arith.constant 0 : i32
      %dma_start3A_227 = arith.constant 0 : i32
      %dma_start3A_228 = tpu.memref_slice %arg15[%dma_start3A_226, %dma_start3A_227] : memref<10240x128xf32, #tpu.memory_space<vmem_shared>> -> memref<10240x128xf32, #tpu.memory_space<vmem_shared>>
      tpu.enqueue_indirect_dma source(%arg12 : memref<64x128xf32, #tpu.memory_space<vmem>>) target(%dma_start3A_228 : memref<10240x128xf32, #tpu.memory_space<vmem_shared>>) offsets(%dma_start3A_225 : memref<64xi32, #tpu.memory_space<vmem>>) semaphore(%arg22 : memref<!tpu.dma_semaphore, #tpu.memory_space<semaphore_mem>>) {add = true}
      %dma_wait3A_229 = arith.constant 7 : i32
      %dma_wait3A_230 = arith.constant 0 : i32
      %dma_wait3A_231 = tpu.memref_slice %arg8[%dma_wait3A_229, %dma_wait3A_230] : memref<8x64xi32, #tpu.memory_space<vmem>> -> memref<1x64xi32, #tpu.memory_space<vmem>>
      %dma_wait3A_232 = tpu.memref_squeeze %dma_wait3A_231 : memref<1x64xi32, #tpu.memory_space<vmem>> -> memref<64xi32, #tpu.memory_space<vmem>>
      %dma_wait3A_233 = arith.constant 0 : i32
      %dma_wait3A_234 = arith.constant 0 : i32
      %dma_wait3A_235 = tpu.memref_slice %arg4[%dma_wait3A_233, %dma_wait3A_234] : memref<20000x128xf32, #tpu.memory_space<hbm>> -> memref<20000x128xf32, #tpu.memory_space<hbm>>
      tpu.wait_indirect_dma semaphore(%arg19 : memref<!tpu.dma_semaphore, #tpu.memory_space<semaphore_mem>>) src(%dma_wait3A_235 : memref<20000x128xf32, #tpu.memory_space<hbm>>) dst(%arg13 : memref<64x128xf32, #tpu.memory_space<vmem>>)
      %dma_start3A_236 = arith.constant 7 : i32
      %dma_start3A_237 = arith.constant 0 : i32
      %dma_start3A_238 = tpu.memref_slice %arg9[%dma_start3A_236, %dma_start3A_237] : memref<8x64xi32, #tpu.memory_space<vmem>> -> memref<1x64xi32, #tpu.memory_space<vmem>>
      %dma_start3A_239 = tpu.memref_squeeze %dma_start3A_238 : memref<1x64xi32, #tpu.memory_space<vmem>> -> memref<64xi32, #tpu.memory_space<vmem>>
      %dma_start3A_240 = arith.constant 0 : i32
      %dma_start3A_241 = arith.constant 0 : i32
      %dma_start3A_242 = tpu.memref_slice %arg15[%dma_start3A_240, %dma_start3A_241] : memref<10240x128xf32, #tpu.memory_space<vmem_shared>> -> memref<10240x128xf32, #tpu.memory_space<vmem_shared>>
      tpu.enqueue_indirect_dma source(%arg13 : memref<64x128xf32, #tpu.memory_space<vmem>>) target(%dma_start3A_242 : memref<10240x128xf32, #tpu.memory_space<vmem_shared>>) offsets(%dma_start3A_239 : memref<64xi32, #tpu.memory_space<vmem>>) semaphore(%arg23 : memref<!tpu.dma_semaphore, #tpu.memory_space<semaphore_mem>>) {add = true}
    }
    %scan3A_22 = arith.constant 40 : i32
    %dma_wait3A = arith.constant 0 : i32
    %dma_wait3A_23 = arith.constant 0 : i32
    %dma_wait3A_24 = tpu.memref_slice %arg15[%dma_wait3A, %dma_wait3A_23] : memref<10240x128xf32, #tpu.memory_space<vmem_shared>> -> memref<10240x128xf32, #tpu.memory_space<vmem_shared>>
    tpu.wait_indirect_dma semaphore(%arg20 : memref<!tpu.dma_semaphore, #tpu.memory_space<semaphore_mem>>) src(%arg10 : memref<64x128xf32, #tpu.memory_space<vmem>>) dst(%dma_wait3A_24 : memref<10240x128xf32, #tpu.memory_space<vmem_shared>>)
    %dma_wait3A_25 = arith.constant 0 : i32
    %dma_wait3A_26 = arith.constant 0 : i32
    %dma_wait3A_27 = tpu.memref_slice %arg15[%dma_wait3A_25, %dma_wait3A_26] : memref<10240x128xf32, #tpu.memory_space<vmem_shared>> -> memref<10240x128xf32, #tpu.memory_space<vmem_shared>>
    tpu.wait_indirect_dma semaphore(%arg21 : memref<!tpu.dma_semaphore, #tpu.memory_space<semaphore_mem>>) src(%arg11 : memref<64x128xf32, #tpu.memory_space<vmem>>) dst(%dma_wait3A_27 : memref<10240x128xf32, #tpu.memory_space<vmem_shared>>)
    %dma_wait3A_28 = arith.constant 0 : i32
    %dma_wait3A_29 = arith.constant 0 : i32
    %dma_wait3A_30 = tpu.memref_slice %arg15[%dma_wait3A_28, %dma_wait3A_29] : memref<10240x128xf32, #tpu.memory_space<vmem_shared>> -> memref<10240x128xf32, #tpu.memory_space<vmem_shared>>
    tpu.wait_indirect_dma semaphore(%arg22 : memref<!tpu.dma_semaphore, #tpu.memory_space<semaphore_mem>>) src(%arg12 : memref<64x128xf32, #tpu.memory_space<vmem>>) dst(%dma_wait3A_30 : memref<10240x128xf32, #tpu.memory_space<vmem_shared>>)
    %dma_wait3A_31 = arith.constant 0 : i32
    %dma_wait3A_32 = arith.constant 0 : i32
    %dma_wait3A_33 = tpu.memref_slice %arg15[%dma_wait3A_31, %dma_wait3A_32] : memref<10240x128xf32, #tpu.memory_space<vmem_shared>> -> memref<10240x128xf32, #tpu.memory_space<vmem_shared>>
    tpu.wait_indirect_dma semaphore(%arg23 : memref<!tpu.dma_semaphore, #tpu.memory_space<semaphore_mem>>) src(%arg13 : memref<64x128xf32, #tpu.memory_space<vmem>>) dst(%dma_wait3A_33 : memref<10240x128xf32, #tpu.memory_space<vmem_shared>>)
    %barrier3A_34 = arith.constant 0 : index
    tpu.barrier barrier_id(%barrier3A_34)
    %sub3A = arith.constant 1 : i32
    %sub3A_35 = arith.subi %sub3A, %arg0 : i32
    %mul3A_36 = arith.constant 10000 : i32
    %mul3A_37 = arith.muli %sub3A_35, %mul3A_36 : i32
    %lt3A = arith.constant 15 : i32
    %lt3A_38 = arith.cmpi slt, %arg1, %lt3A : i32
    %convert_element_type3A = arith.extui %lt3A_38 : i1 to i32
    %cond3A = arith.constant 0 : i32
    %cond3A_39 = arith.cmpi ne, %convert_element_type3A, %cond3A : i32
    scf.if %cond3A_39 {
      %mul3A_44 = arith.constant 640 : i32
      %mul3A_45 = arith.muli %arg1, %mul3A_44 : i32
      %mul3A_46 = arith.constant 640 : i32
      %mul3A_47 = arith.muli %arg1, %mul3A_46 : i32
      %add3A_48 = arith.addi %mul3A_37, %mul3A_47 : i32
      "tpu.region"() ({
        %run_scoped3A = tpu.sem_alloc : memref<!tpu.dma_semaphore, #tpu.memory_space<semaphore_mem>>
        %dma_start3A_49 = arith.constant 0 : i32
        %dma_start3A_50 = tpu.memref_slice %arg7[%add3A_48, %dma_start3A_49] : memref<20000x128xf32, #tpu.memory_space<hbm>> -> memref<640x128xf32, #tpu.memory_space<hbm>>
        %dma_start3A_51 = arith.constant 0 : i32
        %dma_start3A_52 = tpu.memref_slice %arg15[%mul3A_45, %dma_start3A_51] : memref<10240x128xf32, #tpu.memory_space<vmem_shared>> -> memref<640x128xf32, #tpu.memory_space<vmem_shared>>
        tpu.enqueue_dma source(%dma_start3A_52 : memref<640x128xf32, #tpu.memory_space<vmem_shared>>) target(%dma_start3A_50 : memref<640x128xf32, #tpu.memory_space<hbm>>) target_semaphore(%run_scoped3A : memref<!tpu.dma_semaphore, #tpu.memory_space<semaphore_mem>>)
        %dma_wait3A_53 = arith.constant 0 : i32
        %dma_wait3A_54 = tpu.memref_slice %arg7[%add3A_48, %dma_wait3A_53] : memref<20000x128xf32, #tpu.memory_space<hbm>> -> memref<640x128xf32, #tpu.memory_space<hbm>>
        %dma_wait3A_55 = arith.constant 0 : i32
        %dma_wait3A_56 = tpu.memref_slice %arg15[%mul3A_45, %dma_wait3A_55] : memref<10240x128xf32, #tpu.memory_space<vmem_shared>> -> memref<640x128xf32, #tpu.memory_space<vmem_shared>>
        tpu.wait_dma2 semaphore(%run_scoped3A : memref<!tpu.dma_semaphore, #tpu.memory_space<semaphore_mem>>) src(%dma_wait3A_56 : memref<640x128xf32, #tpu.memory_space<vmem_shared>>) dst(%dma_wait3A_54 : memref<640x128xf32, #tpu.memory_space<hbm>>)
        tpu.yield
      }) : () -> ()
    } else {
    }
    %eq3A = arith.constant 15 : i32
    %eq3A_40 = arith.cmpi eq, %arg1, %eq3A : i32
    %convert_element_type3A_41 = arith.extui %eq3A_40 : i1 to i32
    %cond3A_42 = arith.constant 0 : i32
    %cond3A_43 = arith.cmpi ne, %convert_element_type3A_41, %cond3A_42 : i32
    scf.if %cond3A_43 {
      %add3A_44 = arith.constant 9600 : i32
      %add3A_45 = arith.addi %mul3A_37, %add3A_44 : i32
      "tpu.region"() ({
        %run_scoped3A = tpu.sem_alloc : memref<!tpu.dma_semaphore, #tpu.memory_space<semaphore_mem>>
        %dma_start3A_46 = arith.constant 0 : i32
        %dma_start3A_47 = tpu.memref_slice %arg7[%add3A_45, %dma_start3A_46] : memref<20000x128xf32, #tpu.memory_space<hbm>> -> memref<400x128xf32, #tpu.memory_space<hbm>>
        %dma_start3A_48 = arith.constant 9600 : i32
        %dma_start3A_49 = arith.constant 0 : i32
        %dma_start3A_50 = tpu.memref_slice %arg15[%dma_start3A_48, %dma_start3A_49] : memref<10240x128xf32, #tpu.memory_space<vmem_shared>> -> memref<400x128xf32, #tpu.memory_space<vmem_shared>>
        tpu.enqueue_dma source(%dma_start3A_50 : memref<400x128xf32, #tpu.memory_space<vmem_shared>>) target(%dma_start3A_47 : memref<400x128xf32, #tpu.memory_space<hbm>>) target_semaphore(%run_scoped3A : memref<!tpu.dma_semaphore, #tpu.memory_space<semaphore_mem>>)
        %dma_wait3A_51 = arith.constant 0 : i32
        %dma_wait3A_52 = tpu.memref_slice %arg7[%add3A_45, %dma_wait3A_51] : memref<20000x128xf32, #tpu.memory_space<hbm>> -> memref<400x128xf32, #tpu.memory_space<hbm>>
        %dma_wait3A_53 = arith.constant 9600 : i32
        %dma_wait3A_54 = arith.constant 0 : i32
        %dma_wait3A_55 = tpu.memref_slice %arg15[%dma_wait3A_53, %dma_wait3A_54] : memref<10240x128xf32, #tpu.memory_space<vmem_shared>> -> memref<400x128xf32, #tpu.memory_space<vmem_shared>>
        tpu.wait_dma2 semaphore(%run_scoped3A : memref<!tpu.dma_semaphore, #tpu.memory_space<semaphore_mem>>) src(%dma_wait3A_55 : memref<400x128xf32, #tpu.memory_space<vmem_shared>>) dst(%dma_wait3A_52 : memref<400x128xf32, #tpu.memory_space<hbm>>)
        tpu.yield
      }) : () -> ()
    } else {
    }
    return
  }
}

#map = affine_map<(d0, d1) -> (0, 0)>
module attributes {stable_mosaic.version = 14 : i64} {
  func.func @_cnt_body(%arg0: i32, %arg1: i32, %arg2: memref<10240x64xi32, #tpu.memory_space<hbm>>, %arg3: memref<10240x128xf32, #tpu.memory_space<hbm>>, %arg4: memref<64x128xf32, #tpu.memory_space<hbm>>, %arg5: memref<20000x128xf32, #tpu.memory_space<hbm>>, %arg6: memref<8x64xi32, #tpu.memory_space<vmem>>, %arg7: memref<64x128xf32, #tpu.memory_space<vmem>>, %arg8: memref<10240x128xf32, #tpu.memory_space<vmem_shared>>, %arg9: memref<!tpu.dma_semaphore, #tpu.memory_space<semaphore_mem>>) attributes {dimension_semantics = [#tpu.dimension_semantics<core_parallel>, #tpu.dimension_semantics<subcore_parallel>], iteration_bounds = array<i64: 2, 16>, scalar_prefetch = 0 : i64, scratch_operands = 4 : i64, tpu.core_type = #tpu.core_type<sc_vector_subcore>, window_params = [{transform_indices = #map}, {transform_indices = #map}, {transform_indices = #map}, {transform_indices = #map}]} {
    %mul3A = arith.constant 5120 : i32
    %mul3A_0 = arith.muli %arg0, %mul3A : i32
    %mul3A_1 = arith.constant 320 : i32
    %mul3A_2 = arith.muli %arg1, %mul3A_1 : i32
    %add3A = arith.addi %mul3A_0, %mul3A_2 : i32
    %mul3A_3 = arith.constant 640 : i32
    %mul3A_4 = arith.muli %arg1, %mul3A_3 : i32
    %mul3A_5 = arith.constant 640 : i32
    %mul3A_6 = arith.muli %arg1, %mul3A_5 : i32
    "tpu.region"() ({
      %run_scoped3A = tpu.sem_alloc : memref<!tpu.dma_semaphore, #tpu.memory_space<semaphore_mem>>
      %dma_start3A = arith.constant 0 : i32
      %dma_start3A_22 = tpu.memref_slice %arg8[%mul3A_6, %dma_start3A] : memref<10240x128xf32, #tpu.memory_space<vmem_shared>> -> memref<640x128xf32, #tpu.memory_space<vmem_shared>>
      %dma_start3A_23 = arith.constant 0 : i32
      %dma_start3A_24 = tpu.memref_slice %arg3[%mul3A_4, %dma_start3A_23] : memref<10240x128xf32, #tpu.memory_space<hbm>> -> memref<640x128xf32, #tpu.memory_space<hbm>>
      tpu.enqueue_dma source(%dma_start3A_24 : memref<640x128xf32, #tpu.memory_space<hbm>>) target(%dma_start3A_22 : memref<640x128xf32, #tpu.memory_space<vmem_shared>>) target_semaphore(%run_scoped3A : memref<!tpu.dma_semaphore, #tpu.memory_space<semaphore_mem>>)
      %dma_wait3A = arith.constant 0 : i32
      %dma_wait3A_25 = tpu.memref_slice %arg8[%mul3A_6, %dma_wait3A] : memref<10240x128xf32, #tpu.memory_space<vmem_shared>> -> memref<640x128xf32, #tpu.memory_space<vmem_shared>>
      %dma_wait3A_26 = arith.constant 0 : i32
      %dma_wait3A_27 = tpu.memref_slice %arg3[%mul3A_4, %dma_wait3A_26] : memref<10240x128xf32, #tpu.memory_space<hbm>> -> memref<640x128xf32, #tpu.memory_space<hbm>>
      tpu.wait_dma2 semaphore(%run_scoped3A : memref<!tpu.dma_semaphore, #tpu.memory_space<semaphore_mem>>) src(%dma_wait3A_27 : memref<640x128xf32, #tpu.memory_space<hbm>>) dst(%dma_wait3A_25 : memref<640x128xf32, #tpu.memory_space<vmem_shared>>)
      tpu.yield
    }) : () -> ()
    "tpu.region"() ({
      %run_scoped3A = tpu.sem_alloc : memref<!tpu.dma_semaphore, #tpu.memory_space<semaphore_mem>>
      tpu.enqueue_dma source(%arg4 : memref<64x128xf32, #tpu.memory_space<hbm>>) target(%arg7 : memref<64x128xf32, #tpu.memory_space<vmem>>) target_semaphore(%run_scoped3A : memref<!tpu.dma_semaphore, #tpu.memory_space<semaphore_mem>>)
      tpu.wait_dma2 semaphore(%run_scoped3A : memref<!tpu.dma_semaphore, #tpu.memory_space<semaphore_mem>>) src(%arg4 : memref<64x128xf32, #tpu.memory_space<hbm>>) dst(%arg7 : memref<64x128xf32, #tpu.memory_space<vmem>>)
      tpu.yield
    }) : () -> ()
    %barrier3A = arith.constant 0 : index
    tpu.barrier barrier_id(%barrier3A)
    %scan3A = arith.constant 0 : i32
    %scan3A_7 = arith.constant 0 : i32
    %scan3A_8 = arith.constant 40 : i32
    %scan3A_9 = arith.addi %scan3A_7, %scan3A_8 : i32
    %scan3A_10 = arith.constant 1 : i32
    scf.for %scan3A_22 = %scan3A_7 to %scan3A_9 step %scan3A_10  : i32 {
      %mul3A_23 = arith.constant 8 : i32
      %mul3A_24 = arith.muli %scan3A_22, %mul3A_23 : i32
      %add3A_25 = arith.addi %add3A, %mul3A_24 : i32
      "tpu.region"() ({
        %run_scoped3A = tpu.sem_alloc : memref<!tpu.dma_semaphore, #tpu.memory_space<semaphore_mem>>
        %dma_start3A = arith.constant 0 : i32
        %dma_start3A_38 = tpu.memref_slice %arg2[%add3A_25, %dma_start3A] : memref<10240x64xi32, #tpu.memory_space<hbm>> -> memref<8x64xi32, #tpu.memory_space<hbm>>
        %dma_start3A_39 = arith.constant 0 : i32
        %dma_start3A_40 = tpu.memref_slice %arg2[%add3A_25, %dma_start3A_39] : memref<10240x64xi32, #tpu.memory_space<hbm>> -> memref<8x64xi32, #tpu.memory_space<hbm>>
        tpu.enqueue_dma source(%dma_start3A_40 : memref<8x64xi32, #tpu.memory_space<hbm>>) target(%arg6 : memref<8x64xi32, #tpu.memory_space<vmem>>) target_semaphore(%run_scoped3A : memref<!tpu.dma_semaphore, #tpu.memory_space<semaphore_mem>>)
        %dma_wait3A = arith.constant 0 : i32
        %dma_wait3A_41 = tpu.memref_slice %arg2[%add3A_25, %dma_wait3A] : memref<10240x64xi32, #tpu.memory_space<hbm>> -> memref<8x64xi32, #tpu.memory_space<hbm>>
        %dma_wait3A_42 = arith.constant 0 : i32
        %dma_wait3A_43 = tpu.memref_slice %arg2[%add3A_25, %dma_wait3A_42] : memref<10240x64xi32, #tpu.memory_space<hbm>> -> memref<8x64xi32, #tpu.memory_space<hbm>>
        tpu.wait_dma2 semaphore(%run_scoped3A : memref<!tpu.dma_semaphore, #tpu.memory_space<semaphore_mem>>) src(%dma_wait3A_43 : memref<8x64xi32, #tpu.memory_space<hbm>>) dst(%arg6 : memref<8x64xi32, #tpu.memory_space<vmem>>)
        tpu.yield
      }) : () -> ()
      %scan3A_26 = arith.constant 0 : i32
      %scan3A_27 = arith.constant 0 : i32
      %scan3A_28 = arith.constant 8 : i32
      %scan3A_29 = arith.addi %scan3A_27, %scan3A_28 : i32
      %scan3A_30 = arith.constant 1 : i32
      scf.for %scan3A_38 = %scan3A_27 to %scan3A_29 step %scan3A_30  : i32 {
        %dma_start3A = arith.constant 0 : i32
        %dma_start3A_39 = tpu.memref_slice %arg6[%scan3A_38, %dma_start3A] : memref<8x64xi32, #tpu.memory_space<vmem>> -> memref<1x64xi32, #tpu.memory_space<vmem>>
        %dma_start3A_40 = tpu.memref_squeeze %dma_start3A_39 : memref<1x64xi32, #tpu.memory_space<vmem>> -> memref<64xi32, #tpu.memory_space<vmem>>
        %dma_start3A_41 = arith.constant 0 : i32
        %dma_start3A_42 = arith.constant 0 : i32
        %dma_start3A_43 = tpu.memref_slice %arg8[%dma_start3A_41, %dma_start3A_42] : memref<10240x128xf32, #tpu.memory_space<vmem_shared>> -> memref<10240x128xf32, #tpu.memory_space<vmem_shared>>
        tpu.enqueue_indirect_dma source(%arg7 : memref<64x128xf32, #tpu.memory_space<vmem>>) target(%dma_start3A_43 : memref<10240x128xf32, #tpu.memory_space<vmem_shared>>) offsets(%dma_start3A_40 : memref<64xi32, #tpu.memory_space<vmem>>) semaphore(%arg9 : memref<!tpu.dma_semaphore, #tpu.memory_space<semaphore_mem>>) {add = true}
      }
      %scan3A_31 = arith.constant 8 : i32
      %scan3A_32 = arith.constant 0 : i32
      %scan3A_33 = arith.constant 0 : i32
      %scan3A_34 = arith.constant 8 : i32
      %scan3A_35 = arith.addi %scan3A_33, %scan3A_34 : i32
      %scan3A_36 = arith.constant 1 : i32
      scf.for %scan3A_38 = %scan3A_33 to %scan3A_35 step %scan3A_36  : i32 {
        %dma_wait3A = arith.constant 0 : i32
        %dma_wait3A_39 = tpu.memref_slice %arg6[%scan3A_38, %dma_wait3A] : memref<8x64xi32, #tpu.memory_space<vmem>> -> memref<1x64xi32, #tpu.memory_space<vmem>>
        %dma_wait3A_40 = tpu.memref_squeeze %dma_wait3A_39 : memref<1x64xi32, #tpu.memory_space<vmem>> -> memref<64xi32, #tpu.memory_space<vmem>>
        %dma_wait3A_41 = arith.constant 0 : i32
        %dma_wait3A_42 = arith.constant 0 : i32
        %dma_wait3A_43 = tpu.memref_slice %arg8[%dma_wait3A_41, %dma_wait3A_42] : memref<10240x128xf32, #tpu.memory_space<vmem_shared>> -> memref<10240x128xf32, #tpu.memory_space<vmem_shared>>
        tpu.wait_indirect_dma semaphore(%arg9 : memref<!tpu.dma_semaphore, #tpu.memory_space<semaphore_mem>>) src(%arg7 : memref<64x128xf32, #tpu.memory_space<vmem>>) dst(%dma_wait3A_43 : memref<10240x128xf32, #tpu.memory_space<vmem_shared>>)
      }
      %scan3A_37 = arith.constant 8 : i32
    }
    %scan3A_11 = arith.constant 40 : i32
    %barrier3A_12 = arith.constant 0 : index
    tpu.barrier barrier_id(%barrier3A_12)
    %sub3A = arith.constant 1 : i32
    %sub3A_13 = arith.subi %sub3A, %arg0 : i32
    %mul3A_14 = arith.constant 10000 : i32
    %mul3A_15 = arith.muli %sub3A_13, %mul3A_14 : i32
    %lt3A = arith.constant 15 : i32
    %lt3A_16 = arith.cmpi slt, %arg1, %lt3A : i32
    %convert_element_type3A = arith.extui %lt3A_16 : i1 to i32
    %cond3A = arith.constant 0 : i32
    %cond3A_17 = arith.cmpi ne, %convert_element_type3A, %cond3A : i32
    scf.if %cond3A_17 {
      %mul3A_22 = arith.constant 640 : i32
      %mul3A_23 = arith.muli %arg1, %mul3A_22 : i32
      %mul3A_24 = arith.constant 640 : i32
      %mul3A_25 = arith.muli %arg1, %mul3A_24 : i32
      %add3A_26 = arith.addi %mul3A_15, %mul3A_25 : i32
      "tpu.region"() ({
        %run_scoped3A = tpu.sem_alloc : memref<!tpu.dma_semaphore, #tpu.memory_space<semaphore_mem>>
        %dma_start3A = arith.constant 0 : i32
        %dma_start3A_27 = tpu.memref_slice %arg5[%add3A_26, %dma_start3A] : memref<20000x128xf32, #tpu.memory_space<hbm>> -> memref<640x128xf32, #tpu.memory_space<hbm>>
        %dma_start3A_28 = arith.constant 0 : i32
        %dma_start3A_29 = tpu.memref_slice %arg8[%mul3A_23, %dma_start3A_28] : memref<10240x128xf32, #tpu.memory_space<vmem_shared>> -> memref<640x128xf32, #tpu.memory_space<vmem_shared>>
        tpu.enqueue_dma source(%dma_start3A_29 : memref<640x128xf32, #tpu.memory_space<vmem_shared>>) target(%dma_start3A_27 : memref<640x128xf32, #tpu.memory_space<hbm>>) target_semaphore(%run_scoped3A : memref<!tpu.dma_semaphore, #tpu.memory_space<semaphore_mem>>)
        %dma_wait3A = arith.constant 0 : i32
        %dma_wait3A_30 = tpu.memref_slice %arg5[%add3A_26, %dma_wait3A] : memref<20000x128xf32, #tpu.memory_space<hbm>> -> memref<640x128xf32, #tpu.memory_space<hbm>>
        %dma_wait3A_31 = arith.constant 0 : i32
        %dma_wait3A_32 = tpu.memref_slice %arg8[%mul3A_23, %dma_wait3A_31] : memref<10240x128xf32, #tpu.memory_space<vmem_shared>> -> memref<640x128xf32, #tpu.memory_space<vmem_shared>>
        tpu.wait_dma2 semaphore(%run_scoped3A : memref<!tpu.dma_semaphore, #tpu.memory_space<semaphore_mem>>) src(%dma_wait3A_32 : memref<640x128xf32, #tpu.memory_space<vmem_shared>>) dst(%dma_wait3A_30 : memref<640x128xf32, #tpu.memory_space<hbm>>)
        tpu.yield
      }) : () -> ()
    } else {
    }
    %eq3A = arith.constant 15 : i32
    %eq3A_18 = arith.cmpi eq, %arg1, %eq3A : i32
    %convert_element_type3A_19 = arith.extui %eq3A_18 : i1 to i32
    %cond3A_20 = arith.constant 0 : i32
    %cond3A_21 = arith.cmpi ne, %convert_element_type3A_19, %cond3A_20 : i32
    scf.if %cond3A_21 {
      %add3A_22 = arith.constant 9600 : i32
      %add3A_23 = arith.addi %mul3A_15, %add3A_22 : i32
      "tpu.region"() ({
        %run_scoped3A = tpu.sem_alloc : memref<!tpu.dma_semaphore, #tpu.memory_space<semaphore_mem>>
        %dma_start3A = arith.constant 0 : i32
        %dma_start3A_24 = tpu.memref_slice %arg5[%add3A_23, %dma_start3A] : memref<20000x128xf32, #tpu.memory_space<hbm>> -> memref<400x128xf32, #tpu.memory_space<hbm>>
        %dma_start3A_25 = arith.constant 9600 : i32
        %dma_start3A_26 = arith.constant 0 : i32
        %dma_start3A_27 = tpu.memref_slice %arg8[%dma_start3A_25, %dma_start3A_26] : memref<10240x128xf32, #tpu.memory_space<vmem_shared>> -> memref<400x128xf32, #tpu.memory_space<vmem_shared>>
        tpu.enqueue_dma source(%dma_start3A_27 : memref<400x128xf32, #tpu.memory_space<vmem_shared>>) target(%dma_start3A_24 : memref<400x128xf32, #tpu.memory_space<hbm>>) target_semaphore(%run_scoped3A : memref<!tpu.dma_semaphore, #tpu.memory_space<semaphore_mem>>)
        %dma_wait3A = arith.constant 0 : i32
        %dma_wait3A_28 = tpu.memref_slice %arg5[%add3A_23, %dma_wait3A] : memref<20000x128xf32, #tpu.memory_space<hbm>> -> memref<400x128xf32, #tpu.memory_space<hbm>>
        %dma_wait3A_29 = arith.constant 9600 : i32
        %dma_wait3A_30 = arith.constant 0 : i32
        %dma_wait3A_31 = tpu.memref_slice %arg8[%dma_wait3A_29, %dma_wait3A_30] : memref<10240x128xf32, #tpu.memory_space<vmem_shared>> -> memref<400x128xf32, #tpu.memory_space<vmem_shared>>
        tpu.wait_dma2 semaphore(%run_scoped3A : memref<!tpu.dma_semaphore, #tpu.memory_space<semaphore_mem>>) src(%dma_wait3A_31 : memref<400x128xf32, #tpu.memory_space<vmem_shared>>) dst(%dma_wait3A_28 : memref<400x128xf32, #tpu.memory_space<hbm>>)
        tpu.yield
      }) : () -> ()
    } else {
    }
    return
  }
}

#map = affine_map<(d0, d1) -> (0, 0)>
module attributes {stable_mosaic.version = 14 : i64} {
  func.func @_cls_body(%arg0: i32, %arg1: i32, %arg2: memref<1024x128xi32, #tpu.memory_space<hbm>>, %arg3: memref<1024x128xi32, #tpu.memory_space<hbm>>, %arg4: memref<20000x128xf32, #tpu.memory_space<hbm>>, %arg5: memref<102400x16xf32, #tpu.memory_space<hbm>>, %arg6: memref<32x128xi32, #tpu.memory_space<vmem>>, %arg7: memref<32x128xi32, #tpu.memory_space<vmem>>, %arg8: memref<128x128xf32, #tpu.memory_space<vmem>>, %arg9: memref<128x128xf32, #tpu.memory_space<vmem>>, %arg10: memref<128x128xf32, #tpu.memory_space<vmem>>, %arg11: memref<128x128xf32, #tpu.memory_space<vmem>>, %arg12: memref<128x16xf32, #tpu.memory_space<vmem>>, %arg13: memref<!tpu.dma_semaphore, #tpu.memory_space<semaphore_mem>>, %arg14: memref<!tpu.dma_semaphore, #tpu.memory_space<semaphore_mem>>, %arg15: memref<!tpu.dma_semaphore, #tpu.memory_space<semaphore_mem>>, %arg16: memref<!tpu.dma_semaphore, #tpu.memory_space<semaphore_mem>>) attributes {dimension_semantics = [#tpu.dimension_semantics<core_parallel>, #tpu.dimension_semantics<subcore_parallel>], iteration_bounds = array<i64: 2, 16>, scalar_prefetch = 0 : i64, scratch_operands = 11 : i64, tpu.core_type = #tpu.core_type<sc_vector_subcore>, window_params = [{transform_indices = #map}, {transform_indices = #map}, {transform_indices = #map}, {transform_indices = #map}]} {
    %mul3A = arith.constant 16 : i32
    %mul3A_0 = arith.muli %arg0, %mul3A : i32
    %add3A = arith.addi %mul3A_0, %arg1 : i32
    %mul3A_1 = arith.constant 32 : i32
    %mul3A_2 = arith.muli %add3A, %mul3A_1 : i32
    "tpu.region"() ({
      %run_scoped3A = tpu.sem_alloc : memref<!tpu.dma_semaphore, #tpu.memory_space<semaphore_mem>>
      %dma_start3A = arith.constant 0 : i32
      %dma_start3A_10 = tpu.memref_slice %arg2[%mul3A_2, %dma_start3A] : memref<1024x128xi32, #tpu.memory_space<hbm>> -> memref<32x128xi32, #tpu.memory_space<hbm>>
      %dma_start3A_11 = arith.constant 0 : i32
      %dma_start3A_12 = tpu.memref_slice %arg2[%mul3A_2, %dma_start3A_11] : memref<1024x128xi32, #tpu.memory_space<hbm>> -> memref<32x128xi32, #tpu.memory_space<hbm>>
      tpu.enqueue_dma source(%dma_start3A_12 : memref<32x128xi32, #tpu.memory_space<hbm>>) target(%arg6 : memref<32x128xi32, #tpu.memory_space<vmem>>) target_semaphore(%run_scoped3A : memref<!tpu.dma_semaphore, #tpu.memory_space<semaphore_mem>>)
      %dma_wait3A = arith.constant 0 : i32
      %dma_wait3A_13 = tpu.memref_slice %arg2[%mul3A_2, %dma_wait3A] : memref<1024x128xi32, #tpu.memory_space<hbm>> -> memref<32x128xi32, #tpu.memory_space<hbm>>
      %dma_wait3A_14 = arith.constant 0 : i32
      %dma_wait3A_15 = tpu.memref_slice %arg2[%mul3A_2, %dma_wait3A_14] : memref<1024x128xi32, #tpu.memory_space<hbm>> -> memref<32x128xi32, #tpu.memory_space<hbm>>
      tpu.wait_dma2 semaphore(%run_scoped3A : memref<!tpu.dma_semaphore, #tpu.memory_space<semaphore_mem>>) src(%dma_wait3A_15 : memref<32x128xi32, #tpu.memory_space<hbm>>) dst(%arg6 : memref<32x128xi32, #tpu.memory_space<vmem>>)
      tpu.yield
    }) : () -> ()
    %mul3A_3 = arith.constant 32 : i32
    %mul3A_4 = arith.muli %add3A, %mul3A_3 : i32
    "tpu.region"() ({
      %run_scoped3A = tpu.sem_alloc : memref<!tpu.dma_semaphore, #tpu.memory_space<semaphore_mem>>
      %dma_start3A = arith.constant 0 : i32
      %dma_start3A_10 = tpu.memref_slice %arg3[%mul3A_4, %dma_start3A] : memref<1024x128xi32, #tpu.memory_space<hbm>> -> memref<32x128xi32, #tpu.memory_space<hbm>>
      %dma_start3A_11 = arith.constant 0 : i32
      %dma_start3A_12 = tpu.memref_slice %arg3[%mul3A_4, %dma_start3A_11] : memref<1024x128xi32, #tpu.memory_space<hbm>> -> memref<32x128xi32, #tpu.memory_space<hbm>>
      tpu.enqueue_dma source(%dma_start3A_12 : memref<32x128xi32, #tpu.memory_space<hbm>>) target(%arg7 : memref<32x128xi32, #tpu.memory_space<vmem>>) target_semaphore(%run_scoped3A : memref<!tpu.dma_semaphore, #tpu.memory_space<semaphore_mem>>)
      %dma_wait3A = arith.constant 0 : i32
      %dma_wait3A_13 = tpu.memref_slice %arg3[%mul3A_4, %dma_wait3A] : memref<1024x128xi32, #tpu.memory_space<hbm>> -> memref<32x128xi32, #tpu.memory_space<hbm>>
      %dma_wait3A_14 = arith.constant 0 : i32
      %dma_wait3A_15 = tpu.memref_slice %arg3[%mul3A_4, %dma_wait3A_14] : memref<1024x128xi32, #tpu.memory_space<hbm>> -> memref<32x128xi32, #tpu.memory_space<hbm>>
      tpu.wait_dma2 semaphore(%run_scoped3A : memref<!tpu.dma_semaphore, #tpu.memory_space<semaphore_mem>>) src(%dma_wait3A_15 : memref<32x128xi32, #tpu.memory_space<hbm>>) dst(%arg7 : memref<32x128xi32, #tpu.memory_space<vmem>>)
      tpu.yield
    }) : () -> ()
    %scan3A = arith.constant 0 : i32
    %scan3A_5 = arith.constant 0 : i32
    %scan3A_6 = arith.constant 25 : i32
    %scan3A_7 = arith.addi %scan3A_5, %scan3A_6 : i32
    %scan3A_8 = arith.constant 1 : i32
    scf.for %scan3A_10 = %scan3A_5 to %scan3A_7 step %scan3A_8  : i32 {
      %dma_start3A = arith.constant 0 : i32
      %dma_start3A_11 = tpu.memref_slice %arg6[%scan3A_10, %dma_start3A] : memref<32x128xi32, #tpu.memory_space<vmem>> -> memref<1x128xi32, #tpu.memory_space<vmem>>
      %dma_start3A_12 = tpu.memref_squeeze %dma_start3A_11 : memref<1x128xi32, #tpu.memory_space<vmem>> -> memref<128xi32, #tpu.memory_space<vmem>>
      %dma_start3A_13 = arith.constant 0 : i32
      %dma_start3A_14 = arith.constant 0 : i32
      %dma_start3A_15 = tpu.memref_slice %arg4[%dma_start3A_13, %dma_start3A_14] : memref<20000x128xf32, #tpu.memory_space<hbm>> -> memref<20000x128xf32, #tpu.memory_space<hbm>>
      tpu.enqueue_indirect_dma source(%dma_start3A_15 : memref<20000x128xf32, #tpu.memory_space<hbm>>) target(%arg8 : memref<128x128xf32, #tpu.memory_space<vmem>>) offsets(%dma_start3A_12 : memref<128xi32, #tpu.memory_space<vmem>>) semaphore(%arg13 : memref<!tpu.dma_semaphore, #tpu.memory_space<semaphore_mem>>)
      %dma_start3A_16 = arith.constant 0 : i32
      %dma_start3A_17 = tpu.memref_slice %arg7[%scan3A_10, %dma_start3A_16] : memref<32x128xi32, #tpu.memory_space<vmem>> -> memref<1x128xi32, #tpu.memory_space<vmem>>
      %dma_start3A_18 = tpu.memref_squeeze %dma_start3A_17 : memref<1x128xi32, #tpu.memory_space<vmem>> -> memref<128xi32, #tpu.memory_space<vmem>>
      %dma_start3A_19 = arith.constant 0 : i32
      %dma_start3A_20 = arith.constant 0 : i32
      %dma_start3A_21 = tpu.memref_slice %arg4[%dma_start3A_19, %dma_start3A_20] : memref<20000x128xf32, #tpu.memory_space<hbm>> -> memref<20000x128xf32, #tpu.memory_space<hbm>>
      tpu.enqueue_indirect_dma source(%dma_start3A_21 : memref<20000x128xf32, #tpu.memory_space<hbm>>) target(%arg9 : memref<128x128xf32, #tpu.memory_space<vmem>>) offsets(%dma_start3A_18 : memref<128xi32, #tpu.memory_space<vmem>>) semaphore(%arg14 : memref<!tpu.dma_semaphore, #tpu.memory_space<semaphore_mem>>)
      %dma_wait3A = arith.constant 0 : i32
      %dma_wait3A_22 = tpu.memref_slice %arg6[%scan3A_10, %dma_wait3A] : memref<32x128xi32, #tpu.memory_space<vmem>> -> memref<1x128xi32, #tpu.memory_space<vmem>>
      %dma_wait3A_23 = tpu.memref_squeeze %dma_wait3A_22 : memref<1x128xi32, #tpu.memory_space<vmem>> -> memref<128xi32, #tpu.memory_space<vmem>>
      %dma_wait3A_24 = arith.constant 0 : i32
      %dma_wait3A_25 = arith.constant 0 : i32
      %dma_wait3A_26 = tpu.memref_slice %arg4[%dma_wait3A_24, %dma_wait3A_25] : memref<20000x128xf32, #tpu.memory_space<hbm>> -> memref<20000x128xf32, #tpu.memory_space<hbm>>
      tpu.wait_indirect_dma semaphore(%arg13 : memref<!tpu.dma_semaphore, #tpu.memory_space<semaphore_mem>>) src(%dma_wait3A_26 : memref<20000x128xf32, #tpu.memory_space<hbm>>) dst(%arg8 : memref<128x128xf32, #tpu.memory_space<vmem>>)
      %dma_wait3A_27 = arith.constant 0 : i32
      %dma_wait3A_28 = tpu.memref_slice %arg7[%scan3A_10, %dma_wait3A_27] : memref<32x128xi32, #tpu.memory_space<vmem>> -> memref<1x128xi32, #tpu.memory_space<vmem>>
      %dma_wait3A_29 = tpu.memref_squeeze %dma_wait3A_28 : memref<1x128xi32, #tpu.memory_space<vmem>> -> memref<128xi32, #tpu.memory_space<vmem>>
      %dma_wait3A_30 = arith.constant 0 : i32
      %dma_wait3A_31 = arith.constant 0 : i32
      %dma_wait3A_32 = tpu.memref_slice %arg4[%dma_wait3A_30, %dma_wait3A_31] : memref<20000x128xf32, #tpu.memory_space<hbm>> -> memref<20000x128xf32, #tpu.memory_space<hbm>>
      tpu.wait_indirect_dma semaphore(%arg14 : memref<!tpu.dma_semaphore, #tpu.memory_space<semaphore_mem>>) src(%dma_wait3A_32 : memref<20000x128xf32, #tpu.memory_space<hbm>>) dst(%arg9 : memref<128x128xf32, #tpu.memory_space<vmem>>)
      %scan3A_33 = arith.constant 0 : i32
      %scan3A_34 = arith.constant 0 : i32
      %scan3A_35 = arith.constant 128 : i32
      %scan3A_36 = arith.addi %scan3A_34, %scan3A_35 : i32
      %scan3A_37 = arith.constant 1 : i32
      scf.for %scan3A_46 = %scan3A_34 to %scan3A_36 step %scan3A_37  : i32 {
        %get3A = arith.index_cast %scan3A_46 : i32 to index
        %get3A_47 = arith.constant 0 : index
        %get3A_48 = tpu.vector_load %arg8[%get3A, %get3A_47] {strides = array<i32>} : memref<128x128xf32, #tpu.memory_space<vmem>>, vector<1x16xf32>,
        %get3A_49 = vector.shape_cast %get3A_48 : vector<1x16xf32> to vector<16xf32>
        %get3A_50 = arith.index_cast %scan3A_46 : i32 to index
        %get3A_51 = arith.constant 0 : index
        %get3A_52 = tpu.vector_load %arg9[%get3A_50, %get3A_51] {strides = array<i32>} : memref<128x128xf32, #tpu.memory_space<vmem>>, vector<1x16xf32>,
        %get3A_53 = vector.shape_cast %get3A_52 : vector<1x16xf32> to vector<16xf32>
        %mul3A_54 = arith.mulf %get3A_49, %get3A_53 : vector<16xf32>
        %get3A_55 = arith.index_cast %scan3A_46 : i32 to index
        %get3A_56 = arith.constant 16 : index
        %get3A_57 = tpu.vector_load %arg8[%get3A_55, %get3A_56] {strides = array<i32>} : memref<128x128xf32, #tpu.memory_space<vmem>>, vector<1x16xf32>,
        %get3A_58 = vector.shape_cast %get3A_57 : vector<1x16xf32> to vector<16xf32>
        %get3A_59 = arith.index_cast %scan3A_46 : i32 to index
        %get3A_60 = arith.constant 16 : index
        %get3A_61 = tpu.vector_load %arg9[%get3A_59, %get3A_60] {strides = array<i32>} : memref<128x128xf32, #tpu.memory_space<vmem>>, vector<1x16xf32>,
        %get3A_62 = vector.shape_cast %get3A_61 : vector<1x16xf32> to vector<16xf32>
        %mul3A_63 = arith.mulf %get3A_58, %get3A_62 : vector<16xf32>
        %add3A_64 = arith.addf %mul3A_54, %mul3A_63 : vector<16xf32>
        %get3A_65 = arith.index_cast %scan3A_46 : i32 to index
        %get3A_66 = arith.constant 32 : index
        %get3A_67 = tpu.vector_load %arg8[%get3A_65, %get3A_66] {strides = array<i32>} : memref<128x128xf32, #tpu.memory_space<vmem>>, vector<1x16xf32>,
        %get3A_68 = vector.shape_cast %get3A_67 : vector<1x16xf32> to vector<16xf32>
        %get3A_69 = arith.index_cast %scan3A_46 : i32 to index
        %get3A_70 = arith.constant 32 : index
        %get3A_71 = tpu.vector_load %arg9[%get3A_69, %get3A_70] {strides = array<i32>} : memref<128x128xf32, #tpu.memory_space<vmem>>, vector<1x16xf32>,
        %get3A_72 = vector.shape_cast %get3A_71 : vector<1x16xf32> to vector<16xf32>
        %mul3A_73 = arith.mulf %get3A_68, %get3A_72 : vector<16xf32>
        %add3A_74 = arith.addf %add3A_64, %mul3A_73 : vector<16xf32>
        %get3A_75 = arith.index_cast %scan3A_46 : i32 to index
        %get3A_76 = arith.constant 48 : index
        %get3A_77 = tpu.vector_load %arg8[%get3A_75, %get3A_76] {strides = array<i32>} : memref<128x128xf32, #tpu.memory_space<vmem>>, vector<1x16xf32>,
        %get3A_78 = vector.shape_cast %get3A_77 : vector<1x16xf32> to vector<16xf32>
        %get3A_79 = arith.index_cast %scan3A_46 : i32 to index
        %get3A_80 = arith.constant 48 : index
        %get3A_81 = tpu.vector_load %arg9[%get3A_79, %get3A_80] {strides = array<i32>} : memref<128x128xf32, #tpu.memory_space<vmem>>, vector<1x16xf32>,
        %get3A_82 = vector.shape_cast %get3A_81 : vector<1x16xf32> to vector<16xf32>
        %mul3A_83 = arith.mulf %get3A_78, %get3A_82 : vector<16xf32>
        %add3A_84 = arith.addf %add3A_74, %mul3A_83 : vector<16xf32>
        %get3A_85 = arith.index_cast %scan3A_46 : i32 to index
        %get3A_86 = arith.constant 64 : index
        %get3A_87 = tpu.vector_load %arg8[%get3A_85, %get3A_86] {strides = array<i32>} : memref<128x128xf32, #tpu.memory_space<vmem>>, vector<1x16xf32>,
        %get3A_88 = vector.shape_cast %get3A_87 : vector<1x16xf32> to vector<16xf32>
        %get3A_89 = arith.index_cast %scan3A_46 : i32 to index
        %get3A_90 = arith.constant 64 : index
        %get3A_91 = tpu.vector_load %arg9[%get3A_89, %get3A_90] {strides = array<i32>} : memref<128x128xf32, #tpu.memory_space<vmem>>, vector<1x16xf32>,
        %get3A_92 = vector.shape_cast %get3A_91 : vector<1x16xf32> to vector<16xf32>
        %mul3A_93 = arith.mulf %get3A_88, %get3A_92 : vector<16xf32>
        %add3A_94 = arith.addf %add3A_84, %mul3A_93 : vector<16xf32>
        %get3A_95 = arith.index_cast %scan3A_46 : i32 to index
        %get3A_96 = arith.constant 80 : index
        %get3A_97 = tpu.vector_load %arg8[%get3A_95, %get3A_96] {strides = array<i32>} : memref<128x128xf32, #tpu.memory_space<vmem>>, vector<1x16xf32>,
        %get3A_98 = vector.shape_cast %get3A_97 : vector<1x16xf32> to vector<16xf32>
        %get3A_99 = arith.index_cast %scan3A_46 : i32 to index
        %get3A_100 = arith.constant 80 : index
        %get3A_101 = tpu.vector_load %arg9[%get3A_99, %get3A_100] {strides = array<i32>} : memref<128x128xf32, #tpu.memory_space<vmem>>, vector<1x16xf32>,
        %get3A_102 = vector.shape_cast %get3A_101 : vector<1x16xf32> to vector<16xf32>
        %mul3A_103 = arith.mulf %get3A_98, %get3A_102 : vector<16xf32>
        %add3A_104 = arith.addf %add3A_94, %mul3A_103 : vector<16xf32>
        %get3A_105 = arith.index_cast %scan3A_46 : i32 to index
        %get3A_106 = arith.constant 96 : index
        %get3A_107 = tpu.vector_load %arg8[%get3A_105, %get3A_106] {strides = array<i32>} : memref<128x128xf32, #tpu.memory_space<vmem>>, vector<1x16xf32>,
        %get3A_108 = vector.shape_cast %get3A_107 : vector<1x16xf32> to vector<16xf32>
        %get3A_109 = arith.index_cast %scan3A_46 : i32 to index
        %get3A_110 = arith.constant 96 : index
        %get3A_111 = tpu.vector_load %arg9[%get3A_109, %get3A_110] {strides = array<i32>} : memref<128x128xf32, #tpu.memory_space<vmem>>, vector<1x16xf32>,
        %get3A_112 = vector.shape_cast %get3A_111 : vector<1x16xf32> to vector<16xf32>
        %mul3A_113 = arith.mulf %get3A_108, %get3A_112 : vector<16xf32>
        %add3A_114 = arith.addf %add3A_104, %mul3A_113 : vector<16xf32>
        %get3A_115 = arith.index_cast %scan3A_46 : i32 to index
        %get3A_116 = arith.constant 112 : index
        %get3A_117 = tpu.vector_load %arg8[%get3A_115, %get3A_116] {strides = array<i32>} : memref<128x128xf32, #tpu.memory_space<vmem>>, vector<1x16xf32>,
        %get3A_118 = vector.shape_cast %get3A_117 : vector<1x16xf32> to vector<16xf32>
        %get3A_119 = arith.index_cast %scan3A_46 : i32 to index
        %get3A_120 = arith.constant 112 : index
        %get3A_121 = tpu.vector_load %arg9[%get3A_119, %get3A_120] {strides = array<i32>} : memref<128x128xf32, #tpu.memory_space<vmem>>, vector<1x16xf32>,
        %get3A_122 = vector.shape_cast %get3A_121 : vector<1x16xf32> to vector<16xf32>
        %mul3A_123 = arith.mulf %get3A_118, %get3A_122 : vector<16xf32>
        %add3A_124 = arith.addf %add3A_114, %mul3A_123 : vector<16xf32>
        %swap3A = arith.index_cast %scan3A_46 : i32 to index
        %swap3A_125 = arith.constant 0 : index
        %swap3A_126 = tpu.vector_load %arg12[%swap3A, %swap3A_125] {strides = array<i32>} : memref<128x16xf32, #tpu.memory_space<vmem>>, vector<1x16xf32>,
        %swap3A_127 = vector.shape_cast %swap3A_126 : vector<1x16xf32> to vector<16xf32>
        %swap3A_128 = vector.shape_cast %add3A_124 : vector<16xf32> to vector<1x16xf32>
        tpu.vector_store %arg12[%swap3A, %swap3A_125], %swap3A_128 {strides = array<i32>} : memref<128x16xf32, #tpu.memory_space<vmem>>, vector<1x16xf32>,
      }
      %scan3A_38 = arith.constant 128 : i32
      %mul3A_39 = arith.constant 25 : i32
      %mul3A_40 = arith.muli %add3A, %mul3A_39 : i32
      %mul3A_41 = arith.constant 128 : i32
      %mul3A_42 = arith.muli %mul3A_40, %mul3A_41 : i32
      %mul3A_43 = arith.constant 128 : i32
      %mul3A_44 = arith.muli %scan3A_10, %mul3A_43 : i32
      %add3A_45 = arith.addi %mul3A_42, %mul3A_44 : i32
      "tpu.region"() ({
        %run_scoped3A = tpu.sem_alloc : memref<!tpu.dma_semaphore, #tpu.memory_space<semaphore_mem>>
        %dma_start3A_46 = arith.constant 0 : i32
        %dma_start3A_47 = tpu.memref_slice %arg5[%add3A_45, %dma_start3A_46] : memref<102400x16xf32, #tpu.memory_space<hbm>> -> memref<128x16xf32, #tpu.memory_space<hbm>>
        %dma_start3A_48 = arith.constant 0 : i32
        %dma_start3A_49 = tpu.memref_slice %arg5[%add3A_45, %dma_start3A_48] : memref<102400x16xf32, #tpu.memory_space<hbm>> -> memref<128x16xf32, #tpu.memory_space<hbm>>
        tpu.enqueue_dma source(%arg12 : memref<128x16xf32, #tpu.memory_space<vmem>>) target(%dma_start3A_49 : memref<128x16xf32, #tpu.memory_space<hbm>>) target_semaphore(%run_scoped3A : memref<!tpu.dma_semaphore, #tpu.memory_space<semaphore_mem>>)
        %dma_wait3A_50 = arith.constant 0 : i32
        %dma_wait3A_51 = tpu.memref_slice %arg5[%add3A_45, %dma_wait3A_50] : memref<102400x16xf32, #tpu.memory_space<hbm>> -> memref<128x16xf32, #tpu.memory_space<hbm>>
        %dma_wait3A_52 = arith.constant 0 : i32
        %dma_wait3A_53 = tpu.memref_slice %arg5[%add3A_45, %dma_wait3A_52] : memref<102400x16xf32, #tpu.memory_space<hbm>> -> memref<128x16xf32, #tpu.memory_space<hbm>>
        tpu.wait_dma2 semaphore(%run_scoped3A : memref<!tpu.dma_semaphore, #tpu.memory_space<semaphore_mem>>) src(%arg12 : memref<128x16xf32, #tpu.memory_space<vmem>>) dst(%dma_wait3A_53 : memref<128x16xf32, #tpu.memory_space<hbm>>)
        tpu.yield
      }) : () -> ()
    }
    %scan3A_9 = arith.constant 25 : i32
    return
  }
}

#map = affine_map<(d0, d1) -> (0, 0)>
#map1 = affine_map<(d0, d1) -> (0)>
module attributes {stable_mosaic.version = 14 : i64} {
  func.func @_seg_body(%arg0: i32, %arg1: i32, %arg2: memref<10240x64xi32, #tpu.memory_space<hbm>>, %arg3: memref<10240x64xi32, #tpu.memory_space<hbm>>, %arg4: memref<20000x128xf32, #tpu.memory_space<hbm>>, %arg5: memref<10240x128xf32, #tpu.memory_space<hbm>>, %arg6: memref<64xi32, #tpu.memory_space<hbm>>, %arg7: memref<20000x128xf32, #tpu.memory_space<hbm>>, %arg8: memref<8x64xi32, #tpu.memory_space<vmem>>, %arg9: memref<8x64xi32, #tpu.memory_space<vmem>>, %arg10: memref<64x128xf32, #tpu.memory_space<vmem>>, %arg11: memref<64x128xf32, #tpu.memory_space<vmem>>, %arg12: memref<64x128xf32, #tpu.memory_space<vmem>>, %arg13: memref<64x128xf32, #tpu.memory_space<vmem>>, %arg14: memref<64xi32, #tpu.memory_space<vmem>>, %arg15: memref<10240x128xf32, #tpu.memory_space<vmem_shared>>, %arg16: memref<!tpu.dma_semaphore, #tpu.memory_space<semaphore_mem>>, %arg17: memref<!tpu.dma_semaphore, #tpu.memory_space<semaphore_mem>>, %arg18: memref<!tpu.dma_semaphore, #tpu.memory_space<semaphore_mem>>, %arg19: memref<!tpu.dma_semaphore, #tpu.memory_space<semaphore_mem>>, %arg20: memref<!tpu.dma_semaphore, #tpu.memory_space<semaphore_mem>>, %arg21: memref<!tpu.dma_semaphore, #tpu.memory_space<semaphore_mem>>, %arg22: memref<!tpu.dma_semaphore, #tpu.memory_space<semaphore_mem>>, %arg23: memref<!tpu.dma_semaphore, #tpu.memory_space<semaphore_mem>>) attributes {dimension_semantics = [#tpu.dimension_semantics<core_parallel>, #tpu.dimension_semantics<subcore_parallel>], iteration_bounds = array<i64: 2, 16>, scalar_prefetch = 0 : i64, scratch_operands = 16 : i64, tpu.core_type = #tpu.core_type<sc_vector_subcore>, window_params = [{transform_indices = #map}, {transform_indices = #map}, {transform_indices = #map}, {transform_indices = #map}, {transform_indices = #map1}, {transform_indices = #map}]} {
    %mul3A = arith.constant 5120 : i32
    %mul3A_0 = arith.muli %arg0, %mul3A : i32
    %mul3A_1 = arith.constant 320 : i32
    %mul3A_2 = arith.muli %arg1, %mul3A_1 : i32
    %add3A = arith.addi %mul3A_0, %mul3A_2 : i32
    %mul3A_3 = arith.constant 640 : i32
    %mul3A_4 = arith.muli %arg1, %mul3A_3 : i32
    %mul3A_5 = arith.constant 640 : i32
    %mul3A_6 = arith.muli %arg1, %mul3A_5 : i32
    "tpu.region"() ({
      %run_scoped3A = tpu.sem_alloc : memref<!tpu.dma_semaphore, #tpu.memory_space<semaphore_mem>>
      %dma_start3A_44 = arith.constant 0 : i32
      %dma_start3A_45 = tpu.memref_slice %arg15[%mul3A_6, %dma_start3A_44] : memref<10240x128xf32, #tpu.memory_space<vmem_shared>> -> memref<640x128xf32, #tpu.memory_space<vmem_shared>>
      %dma_start3A_46 = arith.constant 0 : i32
      %dma_start3A_47 = tpu.memref_slice %arg5[%mul3A_4, %dma_start3A_46] : memref<10240x128xf32, #tpu.memory_space<hbm>> -> memref<640x128xf32, #tpu.memory_space<hbm>>
      tpu.enqueue_dma source(%dma_start3A_47 : memref<640x128xf32, #tpu.memory_space<hbm>>) target(%dma_start3A_45 : memref<640x128xf32, #tpu.memory_space<vmem_shared>>) target_semaphore(%run_scoped3A : memref<!tpu.dma_semaphore, #tpu.memory_space<semaphore_mem>>)
      %dma_wait3A_48 = arith.constant 0 : i32
      %dma_wait3A_49 = tpu.memref_slice %arg15[%mul3A_6, %dma_wait3A_48] : memref<10240x128xf32, #tpu.memory_space<vmem_shared>> -> memref<640x128xf32, #tpu.memory_space<vmem_shared>>
      %dma_wait3A_50 = arith.constant 0 : i32
      %dma_wait3A_51 = tpu.memref_slice %arg5[%mul3A_4, %dma_wait3A_50] : memref<10240x128xf32, #tpu.memory_space<hbm>> -> memref<640x128xf32, #tpu.memory_space<hbm>>
      tpu.wait_dma2 semaphore(%run_scoped3A : memref<!tpu.dma_semaphore, #tpu.memory_space<semaphore_mem>>) src(%dma_wait3A_51 : memref<640x128xf32, #tpu.memory_space<hbm>>) dst(%dma_wait3A_49 : memref<640x128xf32, #tpu.memory_space<vmem_shared>>)
      tpu.yield
    }) : () -> ()
    "tpu.region"() ({
      %run_scoped3A = tpu.sem_alloc : memref<!tpu.dma_semaphore, #tpu.memory_space<semaphore_mem>>
      tpu.enqueue_dma source(%arg6 : memref<64xi32, #tpu.memory_space<hbm>>) target(%arg14 : memref<64xi32, #tpu.memory_space<vmem>>) target_semaphore(%run_scoped3A : memref<!tpu.dma_semaphore, #tpu.memory_space<semaphore_mem>>)
      tpu.wait_dma2 semaphore(%run_scoped3A : memref<!tpu.dma_semaphore, #tpu.memory_space<semaphore_mem>>) src(%arg6 : memref<64xi32, #tpu.memory_space<hbm>>) dst(%arg14 : memref<64xi32, #tpu.memory_space<vmem>>)
      tpu.yield
    }) : () -> ()
    %barrier3A = arith.constant 0 : index
    tpu.barrier barrier_id(%barrier3A)
    %dma_start3A = arith.constant 0 : i32
    %dma_start3A_7 = arith.constant 0 : i32
    %dma_start3A_8 = tpu.memref_slice %arg15[%dma_start3A, %dma_start3A_7] : memref<10240x128xf32, #tpu.memory_space<vmem_shared>> -> memref<10240x128xf32, #tpu.memory_space<vmem_shared>>
    tpu.enqueue_indirect_dma source(%arg10 : memref<64x128xf32, #tpu.memory_space<vmem>>) target(%dma_start3A_8 : memref<10240x128xf32, #tpu.memory_space<vmem_shared>>) offsets(%arg14 : memref<64xi32, #tpu.memory_space<vmem>>) semaphore(%arg20 : memref<!tpu.dma_semaphore, #tpu.memory_space<semaphore_mem>>) {add = true}
    %dma_start3A_9 = arith.constant 0 : i32
    %dma_start3A_10 = arith.constant 0 : i32
    %dma_start3A_11 = tpu.memref_slice %arg15[%dma_start3A_9, %dma_start3A_10] : memref<10240x128xf32, #tpu.memory_space<vmem_shared>> -> memref<10240x128xf32, #tpu.memory_space<vmem_shared>>
    tpu.enqueue_indirect_dma source(%arg11 : memref<64x128xf32, #tpu.memory_space<vmem>>) target(%dma_start3A_11 : memref<10240x128xf32, #tpu.memory_space<vmem_shared>>) offsets(%arg14 : memref<64xi32, #tpu.memory_space<vmem>>) semaphore(%arg21 : memref<!tpu.dma_semaphore, #tpu.memory_space<semaphore_mem>>) {add = true}
    %dma_start3A_12 = arith.constant 0 : i32
    %dma_start3A_13 = arith.constant 0 : i32
    %dma_start3A_14 = tpu.memref_slice %arg15[%dma_start3A_12, %dma_start3A_13] : memref<10240x128xf32, #tpu.memory_space<vmem_shared>> -> memref<10240x128xf32, #tpu.memory_space<vmem_shared>>
    tpu.enqueue_indirect_dma source(%arg12 : memref<64x128xf32, #tpu.memory_space<vmem>>) target(%dma_start3A_14 : memref<10240x128xf32, #tpu.memory_space<vmem_shared>>) offsets(%arg14 : memref<64xi32, #tpu.memory_space<vmem>>) semaphore(%arg22 : memref<!tpu.dma_semaphore, #tpu.memory_space<semaphore_mem>>) {add = true}
    %dma_start3A_15 = arith.constant 0 : i32
    %dma_start3A_16 = arith.constant 0 : i32
    %dma_start3A_17 = tpu.memref_slice %arg15[%dma_start3A_15, %dma_start3A_16] : memref<10240x128xf32, #tpu.memory_space<vmem_shared>> -> memref<10240x128xf32, #tpu.memory_space<vmem_shared>>
    tpu.enqueue_indirect_dma source(%arg13 : memref<64x128xf32, #tpu.memory_space<vmem>>) target(%dma_start3A_17 : memref<10240x128xf32, #tpu.memory_space<vmem_shared>>) offsets(%arg14 : memref<64xi32, #tpu.memory_space<vmem>>) semaphore(%arg23 : memref<!tpu.dma_semaphore, #tpu.memory_space<semaphore_mem>>) {add = true}
    %scan3A = arith.constant 0 : i32
    %scan3A_18 = arith.constant 0 : i32
    %scan3A_19 = arith.constant 40 : i32
    %scan3A_20 = arith.addi %scan3A_18, %scan3A_19 : i32
    %scan3A_21 = arith.constant 1 : i32
    scf.for %scan3A_44 = %scan3A_18 to %scan3A_20 step %scan3A_21  : i32 {
      %mul3A_45 = arith.constant 8 : i32
      %mul3A_46 = arith.muli %scan3A_44, %mul3A_45 : i32
      %add3A_47 = arith.addi %add3A, %mul3A_46 : i32
      "tpu.region"() ({
        %run_scoped3A = tpu.sem_alloc : memref<!tpu.dma_semaphore, #tpu.memory_space<semaphore_mem>>
        %dma_start3A_243 = arith.constant 0 : i32
        %dma_start3A_244 = tpu.memref_slice %arg2[%add3A_47, %dma_start3A_243] : memref<10240x64xi32, #tpu.memory_space<hbm>> -> memref<8x64xi32, #tpu.memory_space<hbm>>
        %dma_start3A_245 = arith.constant 0 : i32
        %dma_start3A_246 = tpu.memref_slice %arg2[%add3A_47, %dma_start3A_245] : memref<10240x64xi32, #tpu.memory_space<hbm>> -> memref<8x64xi32, #tpu.memory_space<hbm>>
        tpu.enqueue_dma source(%dma_start3A_246 : memref<8x64xi32, #tpu.memory_space<hbm>>) target(%arg8 : memref<8x64xi32, #tpu.memory_space<vmem>>) target_semaphore(%run_scoped3A : memref<!tpu.dma_semaphore, #tpu.memory_space<semaphore_mem>>)
        %dma_wait3A_247 = arith.constant 0 : i32
        %dma_wait3A_248 = tpu.memref_slice %arg2[%add3A_47, %dma_wait3A_247] : memref<10240x64xi32, #tpu.memory_space<hbm>> -> memref<8x64xi32, #tpu.memory_space<hbm>>
        %dma_wait3A_249 = arith.constant 0 : i32
        %dma_wait3A_250 = tpu.memref_slice %arg2[%add3A_47, %dma_wait3A_249] : memref<10240x64xi32, #tpu.memory_space<hbm>> -> memref<8x64xi32, #tpu.memory_space<hbm>>
        tpu.wait_dma2 semaphore(%run_scoped3A : memref<!tpu.dma_semaphore, #tpu.memory_space<semaphore_mem>>) src(%dma_wait3A_250 : memref<8x64xi32, #tpu.memory_space<hbm>>) dst(%arg8 : memref<8x64xi32, #tpu.memory_space<vmem>>)
        tpu.yield
      }) : () -> ()
      %mul3A_48 = arith.constant 8 : i32
      %mul3A_49 = arith.muli %scan3A_44, %mul3A_48 : i32
      %add3A_50 = arith.addi %add3A, %mul3A_49 : i32
      "tpu.region"() ({
        %run_scoped3A = tpu.sem_alloc : memref<!tpu.dma_semaphore, #tpu.memory_space<semaphore_mem>>
        %dma_start3A_243 = arith.constant 0 : i32
        %dma_start3A_244 = tpu.memref_slice %arg3[%add3A_50, %dma_start3A_243] : memref<10240x64xi32, #tpu.memory_space<hbm>> -> memref<8x64xi32, #tpu.memory_space<hbm>>
        %dma_start3A_245 = arith.constant 0 : i32
        %dma_start3A_246 = tpu.memref_slice %arg3[%add3A_50, %dma_start3A_245] : memref<10240x64xi32, #tpu.memory_space<hbm>> -> memref<8x64xi32, #tpu.memory_space<hbm>>
        tpu.enqueue_dma source(%dma_start3A_246 : memref<8x64xi32, #tpu.memory_space<hbm>>) target(%arg9 : memref<8x64xi32, #tpu.memory_space<vmem>>) target_semaphore(%run_scoped3A : memref<!tpu.dma_semaphore, #tpu.memory_space<semaphore_mem>>)
        %dma_wait3A_247 = arith.constant 0 : i32
        %dma_wait3A_248 = tpu.memref_slice %arg3[%add3A_50, %dma_wait3A_247] : memref<10240x64xi32, #tpu.memory_space<hbm>> -> memref<8x64xi32, #tpu.memory_space<hbm>>
        %dma_wait3A_249 = arith.constant 0 : i32
        %dma_wait3A_250 = tpu.memref_slice %arg3[%add3A_50, %dma_wait3A_249] : memref<10240x64xi32, #tpu.memory_space<hbm>> -> memref<8x64xi32, #tpu.memory_space<hbm>>
        tpu.wait_dma2 semaphore(%run_scoped3A : memref<!tpu.dma_semaphore, #tpu.memory_space<semaphore_mem>>) src(%dma_wait3A_250 : memref<8x64xi32, #tpu.memory_space<hbm>>) dst(%arg9 : memref<8x64xi32, #tpu.memory_space<vmem>>)
        tpu.yield
      }) : () -> ()
      %dma_wait3A_51 = arith.constant 0 : i32
      %dma_wait3A_52 = arith.constant 0 : i32
      %dma_wait3A_53 = tpu.memref_slice %arg15[%dma_wait3A_51, %dma_wait3A_52] : memref<10240x128xf32, #tpu.memory_space<vmem_shared>> -> memref<10240x128xf32, #tpu.memory_space<vmem_shared>>
      tpu.wait_indirect_dma semaphore(%arg20 : memref<!tpu.dma_semaphore, #tpu.memory_space<semaphore_mem>>) src(%arg10 : memref<64x128xf32, #tpu.memory_space<vmem>>) dst(%dma_wait3A_53 : memref<10240x128xf32, #tpu.memory_space<vmem_shared>>)
      %dma_start3A_54 = arith.constant 0 : i32
      %dma_start3A_55 = arith.constant 0 : i32
      %dma_start3A_56 = tpu.memref_slice %arg8[%dma_start3A_54, %dma_start3A_55] : memref<8x64xi32, #tpu.memory_space<vmem>> -> memref<1x64xi32, #tpu.memory_space<vmem>>
      %dma_start3A_57 = tpu.memref_squeeze %dma_start3A_56 : memref<1x64xi32, #tpu.memory_space<vmem>> -> memref<64xi32, #tpu.memory_space<vmem>>
      %dma_start3A_58 = arith.constant 0 : i32
      %dma_start3A_59 = arith.constant 0 : i32
      %dma_start3A_60 = tpu.memref_slice %arg4[%dma_start3A_58, %dma_start3A_59] : memref<20000x128xf32, #tpu.memory_space<hbm>> -> memref<20000x128xf32, #tpu.memory_space<hbm>>
      tpu.enqueue_indirect_dma source(%dma_start3A_60 : memref<20000x128xf32, #tpu.memory_space<hbm>>) target(%arg10 : memref<64x128xf32, #tpu.memory_space<vmem>>) offsets(%dma_start3A_57 : memref<64xi32, #tpu.memory_space<vmem>>) semaphore(%arg16 : memref<!tpu.dma_semaphore, #tpu.memory_space<semaphore_mem>>)
      %dma_wait3A_61 = arith.constant 0 : i32
      %dma_wait3A_62 = arith.constant 0 : i32
      %dma_wait3A_63 = tpu.memref_slice %arg15[%dma_wait3A_61, %dma_wait3A_62] : memref<10240x128xf32, #tpu.memory_space<vmem_shared>> -> memref<10240x128xf32, #tpu.memory_space<vmem_shared>>
      tpu.wait_indirect_dma semaphore(%arg21 : memref<!tpu.dma_semaphore, #tpu.memory_space<semaphore_mem>>) src(%arg11 : memref<64x128xf32, #tpu.memory_space<vmem>>) dst(%dma_wait3A_63 : memref<10240x128xf32, #tpu.memory_space<vmem_shared>>)
      %dma_start3A_64 = arith.constant 1 : i32
      %dma_start3A_65 = arith.constant 0 : i32
      %dma_start3A_66 = tpu.memref_slice %arg8[%dma_start3A_64, %dma_start3A_65] : memref<8x64xi32, #tpu.memory_space<vmem>> -> memref<1x64xi32, #tpu.memory_space<vmem>>
      %dma_start3A_67 = tpu.memref_squeeze %dma_start3A_66 : memref<1x64xi32, #tpu.memory_space<vmem>> -> memref<64xi32, #tpu.memory_space<vmem>>
      %dma_start3A_68 = arith.constant 0 : i32
      %dma_start3A_69 = arith.constant 0 : i32
      %dma_start3A_70 = tpu.memref_slice %arg4[%dma_start3A_68, %dma_start3A_69] : memref<20000x128xf32, #tpu.memory_space<hbm>> -> memref<20000x128xf32, #tpu.memory_space<hbm>>
      tpu.enqueue_indirect_dma source(%dma_start3A_70 : memref<20000x128xf32, #tpu.memory_space<hbm>>) target(%arg11 : memref<64x128xf32, #tpu.memory_space<vmem>>) offsets(%dma_start3A_67 : memref<64xi32, #tpu.memory_space<vmem>>) semaphore(%arg17 : memref<!tpu.dma_semaphore, #tpu.memory_space<semaphore_mem>>)
      %dma_wait3A_71 = arith.constant 0 : i32
      %dma_wait3A_72 = arith.constant 0 : i32
      %dma_wait3A_73 = tpu.memref_slice %arg15[%dma_wait3A_71, %dma_wait3A_72] : memref<10240x128xf32, #tpu.memory_space<vmem_shared>> -> memref<10240x128xf32, #tpu.memory_space<vmem_shared>>
      tpu.wait_indirect_dma semaphore(%arg22 : memref<!tpu.dma_semaphore, #tpu.memory_space<semaphore_mem>>) src(%arg12 : memref<64x128xf32, #tpu.memory_space<vmem>>) dst(%dma_wait3A_73 : memref<10240x128xf32, #tpu.memory_space<vmem_shared>>)
      %dma_start3A_74 = arith.constant 2 : i32
      %dma_start3A_75 = arith.constant 0 : i32
      %dma_start3A_76 = tpu.memref_slice %arg8[%dma_start3A_74, %dma_start3A_75] : memref<8x64xi32, #tpu.memory_space<vmem>> -> memref<1x64xi32, #tpu.memory_space<vmem>>
      %dma_start3A_77 = tpu.memref_squeeze %dma_start3A_76 : memref<1x64xi32, #tpu.memory_space<vmem>> -> memref<64xi32, #tpu.memory_space<vmem>>
      %dma_start3A_78 = arith.constant 0 : i32
      %dma_start3A_79 = arith.constant 0 : i32
      %dma_start3A_80 = tpu.memref_slice %arg4[%dma_start3A_78, %dma_start3A_79] : memref<20000x128xf32, #tpu.memory_space<hbm>> -> memref<20000x128xf32, #tpu.memory_space<hbm>>
      tpu.enqueue_indirect_dma source(%dma_start3A_80 : memref<20000x128xf32, #tpu.memory_space<hbm>>) target(%arg12 : memref<64x128xf32, #tpu.memory_space<vmem>>) offsets(%dma_start3A_77 : memref<64xi32, #tpu.memory_space<vmem>>) semaphore(%arg18 : memref<!tpu.dma_semaphore, #tpu.memory_space<semaphore_mem>>)
      %dma_wait3A_81 = arith.constant 0 : i32
      %dma_wait3A_82 = arith.constant 0 : i32
      %dma_wait3A_83 = tpu.memref_slice %arg15[%dma_wait3A_81, %dma_wait3A_82] : memref<10240x128xf32, #tpu.memory_space<vmem_shared>> -> memref<10240x128xf32, #tpu.memory_space<vmem_shared>>
      tpu.wait_indirect_dma semaphore(%arg23 : memref<!tpu.dma_semaphore, #tpu.memory_space<semaphore_mem>>) src(%arg13 : memref<64x128xf32, #tpu.memory_space<vmem>>) dst(%dma_wait3A_83 : memref<10240x128xf32, #tpu.memory_space<vmem_shared>>)
      %dma_start3A_84 = arith.constant 3 : i32
      %dma_start3A_85 = arith.constant 0 : i32
      %dma_start3A_86 = tpu.memref_slice %arg8[%dma_start3A_84, %dma_start3A_85] : memref<8x64xi32, #tpu.memory_space<vmem>> -> memref<1x64xi32, #tpu.memory_space<vmem>>
      %dma_start3A_87 = tpu.memref_squeeze %dma_start3A_86 : memref<1x64xi32, #tpu.memory_space<vmem>> -> memref<64xi32, #tpu.memory_space<vmem>>
      %dma_start3A_88 = arith.constant 0 : i32
      %dma_start3A_89 = arith.constant 0 : i32
      %dma_start3A_90 = tpu.memref_slice %arg4[%dma_start3A_88, %dma_start3A_89] : memref<20000x128xf32, #tpu.memory_space<hbm>> -> memref<20000x128xf32, #tpu.memory_space<hbm>>
      tpu.enqueue_indirect_dma source(%dma_start3A_90 : memref<20000x128xf32, #tpu.memory_space<hbm>>) target(%arg13 : memref<64x128xf32, #tpu.memory_space<vmem>>) offsets(%dma_start3A_87 : memref<64xi32, #tpu.memory_space<vmem>>) semaphore(%arg19 : memref<!tpu.dma_semaphore, #tpu.memory_space<semaphore_mem>>)
      %dma_wait3A_91 = arith.constant 0 : i32
      %dma_wait3A_92 = arith.constant 0 : i32
      %dma_wait3A_93 = tpu.memref_slice %arg8[%dma_wait3A_91, %dma_wait3A_92] : memref<8x64xi32, #tpu.memory_space<vmem>> -> memref<1x64xi32, #tpu.memory_space<vmem>>
      %dma_wait3A_94 = tpu.memref_squeeze %dma_wait3A_93 : memref<1x64xi32, #tpu.memory_space<vmem>> -> memref<64xi32, #tpu.memory_space<vmem>>
      %dma_wait3A_95 = arith.constant 0 : i32
      %dma_wait3A_96 = arith.constant 0 : i32
      %dma_wait3A_97 = tpu.memref_slice %arg4[%dma_wait3A_95, %dma_wait3A_96] : memref<20000x128xf32, #tpu.memory_space<hbm>> -> memref<20000x128xf32, #tpu.memory_space<hbm>>
      tpu.wait_indirect_dma semaphore(%arg16 : memref<!tpu.dma_semaphore, #tpu.memory_space<semaphore_mem>>) src(%dma_wait3A_97 : memref<20000x128xf32, #tpu.memory_space<hbm>>) dst(%arg10 : memref<64x128xf32, #tpu.memory_space<vmem>>)
      %dma_start3A_98 = arith.constant 0 : i32
      %dma_start3A_99 = arith.constant 0 : i32
      %dma_start3A_100 = tpu.memref_slice %arg9[%dma_start3A_98, %dma_start3A_99] : memref<8x64xi32, #tpu.memory_space<vmem>> -> memref<1x64xi32, #tpu.memory_space<vmem>>
      %dma_start3A_101 = tpu.memref_squeeze %dma_start3A_100 : memref<1x64xi32, #tpu.memory_space<vmem>> -> memref<64xi32, #tpu.memory_space<vmem>>
      %dma_start3A_102 = arith.constant 0 : i32
      %dma_start3A_103 = arith.constant 0 : i32
      %dma_start3A_104 = tpu.memref_slice %arg15[%dma_start3A_102, %dma_start3A_103] : memref<10240x128xf32, #tpu.memory_space<vmem_shared>> -> memref<10240x128xf32, #tpu.memory_space<vmem_shared>>
      tpu.enqueue_indirect_dma source(%arg10 : memref<64x128xf32, #tpu.memory_space<vmem>>) target(%dma_start3A_104 : memref<10240x128xf32, #tpu.memory_space<vmem_shared>>) offsets(%dma_start3A_101 : memref<64xi32, #tpu.memory_space<vmem>>) semaphore(%arg20 : memref<!tpu.dma_semaphore, #tpu.memory_space<semaphore_mem>>) {add = true}
      %dma_wait3A_105 = arith.constant 1 : i32
      %dma_wait3A_106 = arith.constant 0 : i32
      %dma_wait3A_107 = tpu.memref_slice %arg8[%dma_wait3A_105, %dma_wait3A_106] : memref<8x64xi32, #tpu.memory_space<vmem>> -> memref<1x64xi32, #tpu.memory_space<vmem>>
      %dma_wait3A_108 = tpu.memref_squeeze %dma_wait3A_107 : memref<1x64xi32, #tpu.memory_space<vmem>> -> memref<64xi32, #tpu.memory_space<vmem>>
      %dma_wait3A_109 = arith.constant 0 : i32
      %dma_wait3A_110 = arith.constant 0 : i32
      %dma_wait3A_111 = tpu.memref_slice %arg4[%dma_wait3A_109, %dma_wait3A_110] : memref<20000x128xf32, #tpu.memory_space<hbm>> -> memref<20000x128xf32, #tpu.memory_space<hbm>>
      tpu.wait_indirect_dma semaphore(%arg17 : memref<!tpu.dma_semaphore, #tpu.memory_space<semaphore_mem>>) src(%dma_wait3A_111 : memref<20000x128xf32, #tpu.memory_space<hbm>>) dst(%arg11 : memref<64x128xf32, #tpu.memory_space<vmem>>)
      %dma_start3A_112 = arith.constant 1 : i32
      %dma_start3A_113 = arith.constant 0 : i32
      %dma_start3A_114 = tpu.memref_slice %arg9[%dma_start3A_112, %dma_start3A_113] : memref<8x64xi32, #tpu.memory_space<vmem>> -> memref<1x64xi32, #tpu.memory_space<vmem>>
      %dma_start3A_115 = tpu.memref_squeeze %dma_start3A_114 : memref<1x64xi32, #tpu.memory_space<vmem>> -> memref<64xi32, #tpu.memory_space<vmem>>
      %dma_start3A_116 = arith.constant 0 : i32
      %dma_start3A_117 = arith.constant 0 : i32
      %dma_start3A_118 = tpu.memref_slice %arg15[%dma_start3A_116, %dma_start3A_117] : memref<10240x128xf32, #tpu.memory_space<vmem_shared>> -> memref<10240x128xf32, #tpu.memory_space<vmem_shared>>
      tpu.enqueue_indirect_dma source(%arg11 : memref<64x128xf32, #tpu.memory_space<vmem>>) target(%dma_start3A_118 : memref<10240x128xf32, #tpu.memory_space<vmem_shared>>) offsets(%dma_start3A_115 : memref<64xi32, #tpu.memory_space<vmem>>) semaphore(%arg21 : memref<!tpu.dma_semaphore, #tpu.memory_space<semaphore_mem>>) {add = true}
      %dma_wait3A_119 = arith.constant 0 : i32
      %dma_wait3A_120 = arith.constant 0 : i32
      %dma_wait3A_121 = tpu.memref_slice %arg15[%dma_wait3A_119, %dma_wait3A_120] : memref<10240x128xf32, #tpu.memory_space<vmem_shared>> -> memref<10240x128xf32, #tpu.memory_space<vmem_shared>>
      tpu.wait_indirect_dma semaphore(%arg20 : memref<!tpu.dma_semaphore, #tpu.memory_space<semaphore_mem>>) src(%arg10 : memref<64x128xf32, #tpu.memory_space<vmem>>) dst(%dma_wait3A_121 : memref<10240x128xf32, #tpu.memory_space<vmem_shared>>)
      %dma_start3A_122 = arith.constant 4 : i32
      %dma_start3A_123 = arith.constant 0 : i32
      %dma_start3A_124 = tpu.memref_slice %arg8[%dma_start3A_122, %dma_start3A_123] : memref<8x64xi32, #tpu.memory_space<vmem>> -> memref<1x64xi32, #tpu.memory_space<vmem>>
      %dma_start3A_125 = tpu.memref_squeeze %dma_start3A_124 : memref<1x64xi32, #tpu.memory_space<vmem>> -> memref<64xi32, #tpu.memory_space<vmem>>
      %dma_start3A_126 = arith.constant 0 : i32
      %dma_start3A_127 = arith.constant 0 : i32
      %dma_start3A_128 = tpu.memref_slice %arg4[%dma_start3A_126, %dma_start3A_127] : memref<20000x128xf32, #tpu.memory_space<hbm>> -> memref<20000x128xf32, #tpu.memory_space<hbm>>
      tpu.enqueue_indirect_dma source(%dma_start3A_128 : memref<20000x128xf32, #tpu.memory_space<hbm>>) target(%arg10 : memref<64x128xf32, #tpu.memory_space<vmem>>) offsets(%dma_start3A_125 : memref<64xi32, #tpu.memory_space<vmem>>) semaphore(%arg16 : memref<!tpu.dma_semaphore, #tpu.memory_space<semaphore_mem>>)
      %dma_wait3A_129 = arith.constant 0 : i32
      %dma_wait3A_130 = arith.constant 0 : i32
      %dma_wait3A_131 = tpu.memref_slice %arg15[%dma_wait3A_129, %dma_wait3A_130] : memref<10240x128xf32, #tpu.memory_space<vmem_shared>> -> memref<10240x128xf32, #tpu.memory_space<vmem_shared>>
      tpu.wait_indirect_dma semaphore(%arg21 : memref<!tpu.dma_semaphore, #tpu.memory_space<semaphore_mem>>) src(%arg11 : memref<64x128xf32, #tpu.memory_space<vmem>>) dst(%dma_wait3A_131 : memref<10240x128xf32, #tpu.memory_space<vmem_shared>>)
      %dma_start3A_132 = arith.constant 5 : i32
      %dma_start3A_133 = arith.constant 0 : i32
      %dma_start3A_134 = tpu.memref_slice %arg8[%dma_start3A_132, %dma_start3A_133] : memref<8x64xi32, #tpu.memory_space<vmem>> -> memref<1x64xi32, #tpu.memory_space<vmem>>
      %dma_start3A_135 = tpu.memref_squeeze %dma_start3A_134 : memref<1x64xi32, #tpu.memory_space<vmem>> -> memref<64xi32, #tpu.memory_space<vmem>>
      %dma_start3A_136 = arith.constant 0 : i32
      %dma_start3A_137 = arith.constant 0 : i32
      %dma_start3A_138 = tpu.memref_slice %arg4[%dma_start3A_136, %dma_start3A_137] : memref<20000x128xf32, #tpu.memory_space<hbm>> -> memref<20000x128xf32, #tpu.memory_space<hbm>>
      tpu.enqueue_indirect_dma source(%dma_start3A_138 : memref<20000x128xf32, #tpu.memory_space<hbm>>) target(%arg11 : memref<64x128xf32, #tpu.memory_space<vmem>>) offsets(%dma_start3A_135 : memref<64xi32, #tpu.memory_space<vmem>>) semaphore(%arg17 : memref<!tpu.dma_semaphore, #tpu.memory_space<semaphore_mem>>)
      %dma_wait3A_139 = arith.constant 2 : i32
      %dma_wait3A_140 = arith.constant 0 : i32
      %dma_wait3A_141 = tpu.memref_slice %arg8[%dma_wait3A_139, %dma_wait3A_140] : memref<8x64xi32, #tpu.memory_space<vmem>> -> memref<1x64xi32, #tpu.memory_space<vmem>>
      %dma_wait3A_142 = tpu.memref_squeeze %dma_wait3A_141 : memref<1x64xi32, #tpu.memory_space<vmem>> -> memref<64xi32, #tpu.memory_space<vmem>>
      %dma_wait3A_143 = arith.constant 0 : i32
      %dma_wait3A_144 = arith.constant 0 : i32
      %dma_wait3A_145 = tpu.memref_slice %arg4[%dma_wait3A_143, %dma_wait3A_144] : memref<20000x128xf32, #tpu.memory_space<hbm>> -> memref<20000x128xf32, #tpu.memory_space<hbm>>
      tpu.wait_indirect_dma semaphore(%arg18 : memref<!tpu.dma_semaphore, #tpu.memory_space<semaphore_mem>>) src(%dma_wait3A_145 : memref<20000x128xf32, #tpu.memory_space<hbm>>) dst(%arg12 : memref<64x128xf32, #tpu.memory_space<vmem>>)
      %dma_start3A_146 = arith.constant 2 : i32
      %dma_start3A_147 = arith.constant 0 : i32
      %dma_start3A_148 = tpu.memref_slice %arg9[%dma_start3A_146, %dma_start3A_147] : memref<8x64xi32, #tpu.memory_space<vmem>> -> memref<1x64xi32, #tpu.memory_space<vmem>>
      %dma_start3A_149 = tpu.memref_squeeze %dma_start3A_148 : memref<1x64xi32, #tpu.memory_space<vmem>> -> memref<64xi32, #tpu.memory_space<vmem>>
      %dma_start3A_150 = arith.constant 0 : i32
      %dma_start3A_151 = arith.constant 0 : i32
      %dma_start3A_152 = tpu.memref_slice %arg15[%dma_start3A_150, %dma_start3A_151] : memref<10240x128xf32, #tpu.memory_space<vmem_shared>> -> memref<10240x128xf32, #tpu.memory_space<vmem_shared>>
      tpu.enqueue_indirect_dma source(%arg12 : memref<64x128xf32, #tpu.memory_space<vmem>>) target(%dma_start3A_152 : memref<10240x128xf32, #tpu.memory_space<vmem_shared>>) offsets(%dma_start3A_149 : memref<64xi32, #tpu.memory_space<vmem>>) semaphore(%arg22 : memref<!tpu.dma_semaphore, #tpu.memory_space<semaphore_mem>>) {add = true}
      %dma_wait3A_153 = arith.constant 3 : i32
      %dma_wait3A_154 = arith.constant 0 : i32
      %dma_wait3A_155 = tpu.memref_slice %arg8[%dma_wait3A_153, %dma_wait3A_154] : memref<8x64xi32, #tpu.memory_space<vmem>> -> memref<1x64xi32, #tpu.memory_space<vmem>>
      %dma_wait3A_156 = tpu.memref_squeeze %dma_wait3A_155 : memref<1x64xi32, #tpu.memory_space<vmem>> -> memref<64xi32, #tpu.memory_space<vmem>>
      %dma_wait3A_157 = arith.constant 0 : i32
      %dma_wait3A_158 = arith.constant 0 : i32
      %dma_wait3A_159 = tpu.memref_slice %arg4[%dma_wait3A_157, %dma_wait3A_158] : memref<20000x128xf32, #tpu.memory_space<hbm>> -> memref<20000x128xf32, #tpu.memory_space<hbm>>
      tpu.wait_indirect_dma semaphore(%arg19 : memref<!tpu.dma_semaphore, #tpu.memory_space<semaphore_mem>>) src(%dma_wait3A_159 : memref<20000x128xf32, #tpu.memory_space<hbm>>) dst(%arg13 : memref<64x128xf32, #tpu.memory_space<vmem>>)
      %dma_start3A_160 = arith.constant 3 : i32
      %dma_start3A_161 = arith.constant 0 : i32
      %dma_start3A_162 = tpu.memref_slice %arg9[%dma_start3A_160, %dma_start3A_161] : memref<8x64xi32, #tpu.memory_space<vmem>> -> memref<1x64xi32, #tpu.memory_space<vmem>>
      %dma_start3A_163 = tpu.memref_squeeze %dma_start3A_162 : memref<1x64xi32, #tpu.memory_space<vmem>> -> memref<64xi32, #tpu.memory_space<vmem>>
      %dma_start3A_164 = arith.constant 0 : i32
      %dma_start3A_165 = arith.constant 0 : i32
      %dma_start3A_166 = tpu.memref_slice %arg15[%dma_start3A_164, %dma_start3A_165] : memref<10240x128xf32, #tpu.memory_space<vmem_shared>> -> memref<10240x128xf32, #tpu.memory_space<vmem_shared>>
      tpu.enqueue_indirect_dma source(%arg13 : memref<64x128xf32, #tpu.memory_space<vmem>>) target(%dma_start3A_166 : memref<10240x128xf32, #tpu.memory_space<vmem_shared>>) offsets(%dma_start3A_163 : memref<64xi32, #tpu.memory_space<vmem>>) semaphore(%arg23 : memref<!tpu.dma_semaphore, #tpu.memory_space<semaphore_mem>>) {add = true}
      %dma_wait3A_167 = arith.constant 0 : i32
      %dma_wait3A_168 = arith.constant 0 : i32
      %dma_wait3A_169 = tpu.memref_slice %arg15[%dma_wait3A_167, %dma_wait3A_168] : memref<10240x128xf32, #tpu.memory_space<vmem_shared>> -> memref<10240x128xf32, #tpu.memory_space<vmem_shared>>
      tpu.wait_indirect_dma semaphore(%arg22 : memref<!tpu.dma_semaphore, #tpu.memory_space<semaphore_mem>>) src(%arg12 : memref<64x128xf32, #tpu.memory_space<vmem>>) dst(%dma_wait3A_169 : memref<10240x128xf32, #tpu.memory_space<vmem_shared>>)
      %dma_start3A_170 = arith.constant 6 : i32
      %dma_start3A_171 = arith.constant 0 : i32
      %dma_start3A_172 = tpu.memref_slice %arg8[%dma_start3A_170, %dma_start3A_171] : memref<8x64xi32, #tpu.memory_space<vmem>> -> memref<1x64xi32, #tpu.memory_space<vmem>>
      %dma_start3A_173 = tpu.memref_squeeze %dma_start3A_172 : memref<1x64xi32, #tpu.memory_space<vmem>> -> memref<64xi32, #tpu.memory_space<vmem>>
      %dma_start3A_174 = arith.constant 0 : i32
      %dma_start3A_175 = arith.constant 0 : i32
      %dma_start3A_176 = tpu.memref_slice %arg4[%dma_start3A_174, %dma_start3A_175] : memref<20000x128xf32, #tpu.memory_space<hbm>> -> memref<20000x128xf32, #tpu.memory_space<hbm>>
      tpu.enqueue_indirect_dma source(%dma_start3A_176 : memref<20000x128xf32, #tpu.memory_space<hbm>>) target(%arg12 : memref<64x128xf32, #tpu.memory_space<vmem>>) offsets(%dma_start3A_173 : memref<64xi32, #tpu.memory_space<vmem>>) semaphore(%arg18 : memref<!tpu.dma_semaphore, #tpu.memory_space<semaphore_mem>>)
      %dma_wait3A_177 = arith.constant 0 : i32
      %dma_wait3A_178 = arith.constant 0 : i32
      %dma_wait3A_179 = tpu.memref_slice %arg15[%dma_wait3A_177, %dma_wait3A_178] : memref<10240x128xf32, #tpu.memory_space<vmem_shared>> -> memref<10240x128xf32, #tpu.memory_space<vmem_shared>>
      tpu.wait_indirect_dma semaphore(%arg23 : memref<!tpu.dma_semaphore, #tpu.memory_space<semaphore_mem>>) src(%arg13 : memref<64x128xf32, #tpu.memory_space<vmem>>) dst(%dma_wait3A_179 : memref<10240x128xf32, #tpu.memory_space<vmem_shared>>)
      %dma_start3A_180 = arith.constant 7 : i32
      %dma_start3A_181 = arith.constant 0 : i32
      %dma_start3A_182 = tpu.memref_slice %arg8[%dma_start3A_180, %dma_start3A_181] : memref<8x64xi32, #tpu.memory_space<vmem>> -> memref<1x64xi32, #tpu.memory_space<vmem>>
      %dma_start3A_183 = tpu.memref_squeeze %dma_start3A_182 : memref<1x64xi32, #tpu.memory_space<vmem>> -> memref<64xi32, #tpu.memory_space<vmem>>
      %dma_start3A_184 = arith.constant 0 : i32
      %dma_start3A_185 = arith.constant 0 : i32
      %dma_start3A_186 = tpu.memref_slice %arg4[%dma_start3A_184, %dma_start3A_185] : memref<20000x128xf32, #tpu.memory_space<hbm>> -> memref<20000x128xf32, #tpu.memory_space<hbm>>
      tpu.enqueue_indirect_dma source(%dma_start3A_186 : memref<20000x128xf32, #tpu.memory_space<hbm>>) target(%arg13 : memref<64x128xf32, #tpu.memory_space<vmem>>) offsets(%dma_start3A_183 : memref<64xi32, #tpu.memory_space<vmem>>) semaphore(%arg19 : memref<!tpu.dma_semaphore, #tpu.memory_space<semaphore_mem>>)
      %dma_wait3A_187 = arith.constant 4 : i32
      %dma_wait3A_188 = arith.constant 0 : i32
      %dma_wait3A_189 = tpu.memref_slice %arg8[%dma_wait3A_187, %dma_wait3A_188] : memref<8x64xi32, #tpu.memory_space<vmem>> -> memref<1x64xi32, #tpu.memory_space<vmem>>
      %dma_wait3A_190 = tpu.memref_squeeze %dma_wait3A_189 : memref<1x64xi32, #tpu.memory_space<vmem>> -> memref<64xi32, #tpu.memory_space<vmem>>
      %dma_wait3A_191 = arith.constant 0 : i32
      %dma_wait3A_192 = arith.constant 0 : i32
      %dma_wait3A_193 = tpu.memref_slice %arg4[%dma_wait3A_191, %dma_wait3A_192] : memref<20000x128xf32, #tpu.memory_space<hbm>> -> memref<20000x128xf32, #tpu.memory_space<hbm>>
      tpu.wait_indirect_dma semaphore(%arg16 : memref<!tpu.dma_semaphore, #tpu.memory_space<semaphore_mem>>) src(%dma_wait3A_193 : memref<20000x128xf32, #tpu.memory_space<hbm>>) dst(%arg10 : memref<64x128xf32, #tpu.memory_space<vmem>>)
      %dma_start3A_194 = arith.constant 4 : i32
      %dma_start3A_195 = arith.constant 0 : i32
      %dma_start3A_196 = tpu.memref_slice %arg9[%dma_start3A_194, %dma_start3A_195] : memref<8x64xi32, #tpu.memory_space<vmem>> -> memref<1x64xi32, #tpu.memory_space<vmem>>
      %dma_start3A_197 = tpu.memref_squeeze %dma_start3A_196 : memref<1x64xi32, #tpu.memory_space<vmem>> -> memref<64xi32, #tpu.memory_space<vmem>>
      %dma_start3A_198 = arith.constant 0 : i32
      %dma_start3A_199 = arith.constant 0 : i32
      %dma_start3A_200 = tpu.memref_slice %arg15[%dma_start3A_198, %dma_start3A_199] : memref<10240x128xf32, #tpu.memory_space<vmem_shared>> -> memref<10240x128xf32, #tpu.memory_space<vmem_shared>>
      tpu.enqueue_indirect_dma source(%arg10 : memref<64x128xf32, #tpu.memory_space<vmem>>) target(%dma_start3A_200 : memref<10240x128xf32, #tpu.memory_space<vmem_shared>>) offsets(%dma_start3A_197 : memref<64xi32, #tpu.memory_space<vmem>>) semaphore(%arg20 : memref<!tpu.dma_semaphore, #tpu.memory_space<semaphore_mem>>) {add = true}
      %dma_wait3A_201 = arith.constant 5 : i32
      %dma_wait3A_202 = arith.constant 0 : i32
      %dma_wait3A_203 = tpu.memref_slice %arg8[%dma_wait3A_201, %dma_wait3A_202] : memref<8x64xi32, #tpu.memory_space<vmem>> -> memref<1x64xi32, #tpu.memory_space<vmem>>
      %dma_wait3A_204 = tpu.memref_squeeze %dma_wait3A_203 : memref<1x64xi32, #tpu.memory_space<vmem>> -> memref<64xi32, #tpu.memory_space<vmem>>
      %dma_wait3A_205 = arith.constant 0 : i32
      %dma_wait3A_206 = arith.constant 0 : i32
      %dma_wait3A_207 = tpu.memref_slice %arg4[%dma_wait3A_205, %dma_wait3A_206] : memref<20000x128xf32, #tpu.memory_space<hbm>> -> memref<20000x128xf32, #tpu.memory_space<hbm>>
      tpu.wait_indirect_dma semaphore(%arg17 : memref<!tpu.dma_semaphore, #tpu.memory_space<semaphore_mem>>) src(%dma_wait3A_207 : memref<20000x128xf32, #tpu.memory_space<hbm>>) dst(%arg11 : memref<64x128xf32, #tpu.memory_space<vmem>>)
      %dma_start3A_208 = arith.constant 5 : i32
      %dma_start3A_209 = arith.constant 0 : i32
      %dma_start3A_210 = tpu.memref_slice %arg9[%dma_start3A_208, %dma_start3A_209] : memref<8x64xi32, #tpu.memory_space<vmem>> -> memref<1x64xi32, #tpu.memory_space<vmem>>
      %dma_start3A_211 = tpu.memref_squeeze %dma_start3A_210 : memref<1x64xi32, #tpu.memory_space<vmem>> -> memref<64xi32, #tpu.memory_space<vmem>>
      %dma_start3A_212 = arith.constant 0 : i32
      %dma_start3A_213 = arith.constant 0 : i32
      %dma_start3A_214 = tpu.memref_slice %arg15[%dma_start3A_212, %dma_start3A_213] : memref<10240x128xf32, #tpu.memory_space<vmem_shared>> -> memref<10240x128xf32, #tpu.memory_space<vmem_shared>>
      tpu.enqueue_indirect_dma source(%arg11 : memref<64x128xf32, #tpu.memory_space<vmem>>) target(%dma_start3A_214 : memref<10240x128xf32, #tpu.memory_space<vmem_shared>>) offsets(%dma_start3A_211 : memref<64xi32, #tpu.memory_space<vmem>>) semaphore(%arg21 : memref<!tpu.dma_semaphore, #tpu.memory_space<semaphore_mem>>) {add = true}
      %dma_wait3A_215 = arith.constant 6 : i32
      %dma_wait3A_216 = arith.constant 0 : i32
      %dma_wait3A_217 = tpu.memref_slice %arg8[%dma_wait3A_215, %dma_wait3A_216] : memref<8x64xi32, #tpu.memory_space<vmem>> -> memref<1x64xi32, #tpu.memory_space<vmem>>
      %dma_wait3A_218 = tpu.memref_squeeze %dma_wait3A_217 : memref<1x64xi32, #tpu.memory_space<vmem>> -> memref<64xi32, #tpu.memory_space<vmem>>
      %dma_wait3A_219 = arith.constant 0 : i32
      %dma_wait3A_220 = arith.constant 0 : i32
      %dma_wait3A_221 = tpu.memref_slice %arg4[%dma_wait3A_219, %dma_wait3A_220] : memref<20000x128xf32, #tpu.memory_space<hbm>> -> memref<20000x128xf32, #tpu.memory_space<hbm>>
      tpu.wait_indirect_dma semaphore(%arg18 : memref<!tpu.dma_semaphore, #tpu.memory_space<semaphore_mem>>) src(%dma_wait3A_221 : memref<20000x128xf32, #tpu.memory_space<hbm>>) dst(%arg12 : memref<64x128xf32, #tpu.memory_space<vmem>>)
      %dma_start3A_222 = arith.constant 6 : i32
      %dma_start3A_223 = arith.constant 0 : i32
      %dma_start3A_224 = tpu.memref_slice %arg9[%dma_start3A_222, %dma_start3A_223] : memref<8x64xi32, #tpu.memory_space<vmem>> -> memref<1x64xi32, #tpu.memory_space<vmem>>
      %dma_start3A_225 = tpu.memref_squeeze %dma_start3A_224 : memref<1x64xi32, #tpu.memory_space<vmem>> -> memref<64xi32, #tpu.memory_space<vmem>>
      %dma_start3A_226 = arith.constant 0 : i32
      %dma_start3A_227 = arith.constant 0 : i32
      %dma_start3A_228 = tpu.memref_slice %arg15[%dma_start3A_226, %dma_start3A_227] : memref<10240x128xf32, #tpu.memory_space<vmem_shared>> -> memref<10240x128xf32, #tpu.memory_space<vmem_shared>>
      tpu.enqueue_indirect_dma source(%arg12 : memref<64x128xf32, #tpu.memory_space<vmem>>) target(%dma_start3A_228 : memref<10240x128xf32, #tpu.memory_space<vmem_shared>>) offsets(%dma_start3A_225 : memref<64xi32, #tpu.memory_space<vmem>>) semaphore(%arg22 : memref<!tpu.dma_semaphore, #tpu.memory_space<semaphore_mem>>) {add = true}
      %dma_wait3A_229 = arith.constant 7 : i32
      %dma_wait3A_230 = arith.constant 0 : i32
      %dma_wait3A_231 = tpu.memref_slice %arg8[%dma_wait3A_229, %dma_wait3A_230] : memref<8x64xi32, #tpu.memory_space<vmem>> -> memref<1x64xi32, #tpu.memory_space<vmem>>
      %dma_wait3A_232 = tpu.memref_squeeze %dma_wait3A_231 : memref<1x64xi32, #tpu.memory_space<vmem>> -> memref<64xi32, #tpu.memory_space<vmem>>
      %dma_wait3A_233 = arith.constant 0 : i32
      %dma_wait3A_234 = arith.constant 0 : i32
      %dma_wait3A_235 = tpu.memref_slice %arg4[%dma_wait3A_233, %dma_wait3A_234] : memref<20000x128xf32, #tpu.memory_space<hbm>> -> memref<20000x128xf32, #tpu.memory_space<hbm>>
      tpu.wait_indirect_dma semaphore(%arg19 : memref<!tpu.dma_semaphore, #tpu.memory_space<semaphore_mem>>) src(%dma_wait3A_235 : memref<20000x128xf32, #tpu.memory_space<hbm>>) dst(%arg13 : memref<64x128xf32, #tpu.memory_space<vmem>>)
      %dma_start3A_236 = arith.constant 7 : i32
      %dma_start3A_237 = arith.constant 0 : i32
      %dma_start3A_238 = tpu.memref_slice %arg9[%dma_start3A_236, %dma_start3A_237] : memref<8x64xi32, #tpu.memory_space<vmem>> -> memref<1x64xi32, #tpu.memory_space<vmem>>
      %dma_start3A_239 = tpu.memref_squeeze %dma_start3A_238 : memref<1x64xi32, #tpu.memory_space<vmem>> -> memref<64xi32, #tpu.memory_space<vmem>>
      %dma_start3A_240 = arith.constant 0 : i32
      %dma_start3A_241 = arith.constant 0 : i32
      %dma_start3A_242 = tpu.memref_slice %arg15[%dma_start3A_240, %dma_start3A_241] : memref<10240x128xf32, #tpu.memory_space<vmem_shared>> -> memref<10240x128xf32, #tpu.memory_space<vmem_shared>>
      tpu.enqueue_indirect_dma source(%arg13 : memref<64x128xf32, #tpu.memory_space<vmem>>) target(%dma_start3A_242 : memref<10240x128xf32, #tpu.memory_space<vmem_shared>>) offsets(%dma_start3A_239 : memref<64xi32, #tpu.memory_space<vmem>>) semaphore(%arg23 : memref<!tpu.dma_semaphore, #tpu.memory_space<semaphore_mem>>) {add = true}
    }
    %scan3A_22 = arith.constant 40 : i32
    %dma_wait3A = arith.constant 0 : i32
    %dma_wait3A_23 = arith.constant 0 : i32
    %dma_wait3A_24 = tpu.memref_slice %arg15[%dma_wait3A, %dma_wait3A_23] : memref<10240x128xf32, #tpu.memory_space<vmem_shared>> -> memref<10240x128xf32, #tpu.memory_space<vmem_shared>>
    tpu.wait_indirect_dma semaphore(%arg20 : memref<!tpu.dma_semaphore, #tpu.memory_space<semaphore_mem>>) src(%arg10 : memref<64x128xf32, #tpu.memory_space<vmem>>) dst(%dma_wait3A_24 : memref<10240x128xf32, #tpu.memory_space<vmem_shared>>)
    %dma_wait3A_25 = arith.constant 0 : i32
    %dma_wait3A_26 = arith.constant 0 : i32
    %dma_wait3A_27 = tpu.memref_slice %arg15[%dma_wait3A_25, %dma_wait3A_26] : memref<10240x128xf32, #tpu.memory_space<vmem_shared>> -> memref<10240x128xf32, #tpu.memory_space<vmem_shared>>
    tpu.wait_indirect_dma semaphore(%arg21 : memref<!tpu.dma_semaphore, #tpu.memory_space<semaphore_mem>>) src(%arg11 : memref<64x128xf32, #tpu.memory_space<vmem>>) dst(%dma_wait3A_27 : memref<10240x128xf32, #tpu.memory_space<vmem_shared>>)
    %dma_wait3A_28 = arith.constant 0 : i32
    %dma_wait3A_29 = arith.constant 0 : i32
    %dma_wait3A_30 = tpu.memref_slice %arg15[%dma_wait3A_28, %dma_wait3A_29] : memref<10240x128xf32, #tpu.memory_space<vmem_shared>> -> memref<10240x128xf32, #tpu.memory_space<vmem_shared>>
    tpu.wait_indirect_dma semaphore(%arg22 : memref<!tpu.dma_semaphore, #tpu.memory_space<semaphore_mem>>) src(%arg12 : memref<64x128xf32, #tpu.memory_space<vmem>>) dst(%dma_wait3A_30 : memref<10240x128xf32, #tpu.memory_space<vmem_shared>>)
    %dma_wait3A_31 = arith.constant 0 : i32
    %dma_wait3A_32 = arith.constant 0 : i32
    %dma_wait3A_33 = tpu.memref_slice %arg15[%dma_wait3A_31, %dma_wait3A_32] : memref<10240x128xf32, #tpu.memory_space<vmem_shared>> -> memref<10240x128xf32, #tpu.memory_space<vmem_shared>>
    tpu.wait_indirect_dma semaphore(%arg23 : memref<!tpu.dma_semaphore, #tpu.memory_space<semaphore_mem>>) src(%arg13 : memref<64x128xf32, #tpu.memory_space<vmem>>) dst(%dma_wait3A_33 : memref<10240x128xf32, #tpu.memory_space<vmem_shared>>)
    %barrier3A_34 = arith.constant 0 : index
    tpu.barrier barrier_id(%barrier3A_34)
    %sub3A = arith.constant 1 : i32
    %sub3A_35 = arith.subi %sub3A, %arg0 : i32
    %mul3A_36 = arith.constant 10000 : i32
    %mul3A_37 = arith.muli %sub3A_35, %mul3A_36 : i32
    %lt3A = arith.constant 15 : i32
    %lt3A_38 = arith.cmpi slt, %arg1, %lt3A : i32
    %convert_element_type3A = arith.extui %lt3A_38 : i1 to i32
    %cond3A = arith.constant 0 : i32
    %cond3A_39 = arith.cmpi ne, %convert_element_type3A, %cond3A : i32
    scf.if %cond3A_39 {
      %mul3A_44 = arith.constant 640 : i32
      %mul3A_45 = arith.muli %arg1, %mul3A_44 : i32
      %mul3A_46 = arith.constant 640 : i32
      %mul3A_47 = arith.muli %arg1, %mul3A_46 : i32
      %add3A_48 = arith.addi %mul3A_37, %mul3A_47 : i32
      "tpu.region"() ({
        %run_scoped3A = tpu.sem_alloc : memref<!tpu.dma_semaphore, #tpu.memory_space<semaphore_mem>>
        %dma_start3A_49 = arith.constant 0 : i32
        %dma_start3A_50 = tpu.memref_slice %arg7[%add3A_48, %dma_start3A_49] : memref<20000x128xf32, #tpu.memory_space<hbm>> -> memref<640x128xf32, #tpu.memory_space<hbm>>
        %dma_start3A_51 = arith.constant 0 : i32
        %dma_start3A_52 = tpu.memref_slice %arg15[%mul3A_45, %dma_start3A_51] : memref<10240x128xf32, #tpu.memory_space<vmem_shared>> -> memref<640x128xf32, #tpu.memory_space<vmem_shared>>
        tpu.enqueue_dma source(%dma_start3A_52 : memref<640x128xf32, #tpu.memory_space<vmem_shared>>) target(%dma_start3A_50 : memref<640x128xf32, #tpu.memory_space<hbm>>) target_semaphore(%run_scoped3A : memref<!tpu.dma_semaphore, #tpu.memory_space<semaphore_mem>>)
        %dma_wait3A_53 = arith.constant 0 : i32
        %dma_wait3A_54 = tpu.memref_slice %arg7[%add3A_48, %dma_wait3A_53] : memref<20000x128xf32, #tpu.memory_space<hbm>> -> memref<640x128xf32, #tpu.memory_space<hbm>>
        %dma_wait3A_55 = arith.constant 0 : i32
        %dma_wait3A_56 = tpu.memref_slice %arg15[%mul3A_45, %dma_wait3A_55] : memref<10240x128xf32, #tpu.memory_space<vmem_shared>> -> memref<640x128xf32, #tpu.memory_space<vmem_shared>>
        tpu.wait_dma2 semaphore(%run_scoped3A : memref<!tpu.dma_semaphore, #tpu.memory_space<semaphore_mem>>) src(%dma_wait3A_56 : memref<640x128xf32, #tpu.memory_space<vmem_shared>>) dst(%dma_wait3A_54 : memref<640x128xf32, #tpu.memory_space<hbm>>)
        tpu.yield
      }) : () -> ()
    } else {
    }
    %eq3A = arith.constant 15 : i32
    %eq3A_40 = arith.cmpi eq, %arg1, %eq3A : i32
    %convert_element_type3A_41 = arith.extui %eq3A_40 : i1 to i32
    %cond3A_42 = arith.constant 0 : i32
    %cond3A_43 = arith.cmpi ne, %convert_element_type3A_41, %cond3A_42 : i32
    scf.if %cond3A_43 {
      %add3A_44 = arith.constant 9600 : i32
      %add3A_45 = arith.addi %mul3A_37, %add3A_44 : i32
      "tpu.region"() ({
        %run_scoped3A = tpu.sem_alloc : memref<!tpu.dma_semaphore, #tpu.memory_space<semaphore_mem>>
        %dma_start3A_46 = arith.constant 0 : i32
        %dma_start3A_47 = tpu.memref_slice %arg7[%add3A_45, %dma_start3A_46] : memref<20000x128xf32, #tpu.memory_space<hbm>> -> memref<400x128xf32, #tpu.memory_space<hbm>>
        %dma_start3A_48 = arith.constant 9600 : i32
        %dma_start3A_49 = arith.constant 0 : i32
        %dma_start3A_50 = tpu.memref_slice %arg15[%dma_start3A_48, %dma_start3A_49] : memref<10240x128xf32, #tpu.memory_space<vmem_shared>> -> memref<400x128xf32, #tpu.memory_space<vmem_shared>>
        tpu.enqueue_dma source(%dma_start3A_50 : memref<400x128xf32, #tpu.memory_space<vmem_shared>>) target(%dma_start3A_47 : memref<400x128xf32, #tpu.memory_space<hbm>>) target_semaphore(%run_scoped3A : memref<!tpu.dma_semaphore, #tpu.memory_space<semaphore_mem>>)
        %dma_wait3A_51 = arith.constant 0 : i32
        %dma_wait3A_52 = tpu.memref_slice %arg7[%add3A_45, %dma_wait3A_51] : memref<20000x128xf32, #tpu.memory_space<hbm>> -> memref<400x128xf32, #tpu.memory_space<hbm>>
        %dma_wait3A_53 = arith.constant 9600 : i32
        %dma_wait3A_54 = arith.constant 0 : i32
        %dma_wait3A_55 = tpu.memref_slice %arg15[%dma_wait3A_53, %dma_wait3A_54] : memref<10240x128xf32, #tpu.memory_space<vmem_shared>> -> memref<400x128xf32, #tpu.memory_space<vmem_shared>>
        tpu.wait_dma2 semaphore(%run_scoped3A : memref<!tpu.dma_semaphore, #tpu.memory_space<semaphore_mem>>) src(%dma_wait3A_55 : memref<400x128xf32, #tpu.memory_space<vmem_shared>>) dst(%dma_wait3A_52 : memref<400x128xf32, #tpu.memory_space<hbm>>)
        tpu.yield
      }) : () -> ()
    } else {
    }
    return
  }
}

module attributes {stable_mosaic.version = 14 : i64} {
  func.func @body(%arg0: i32, %arg1: memref<1000x128xf32, #tpu.memory_space<vmem>>, %arg2: memref<1x128x128xf32, #tpu.memory_space<vmem>>, %arg3: memref<1x1x128xf32, #tpu.memory_space<vmem>>, %arg4: memref<1000x128xf32, #tpu.memory_space<vmem>>, %arg5: memref<1000x128xf32, #tpu.memory_space<vmem>>) attributes {dimension_semantics = [#tpu.dimension_semantics<arbitrary>], iteration_bounds = array<i64: 20>, scalar_prefetch = 0 : i64, scratch_operands = 0 : i64, tpu.core_type = #tpu.core_type<tc>, window_params = [{transform_indices = @transform_0, window_bounds = array<i64: 1000, 128>}, {transform_indices = @transform_1, window_bounds = array<i64: 1, 128, 128>}, {transform_indices = @transform_2, window_bounds = array<i64: 1, 1, 128>}, {transform_indices = @transform_3, window_bounds = array<i64: 1000, 128>}, {transform_indices = @transform_4, window_bounds = array<i64: 1000, 128>}]} {
    %get3A = arith.constant 0 : index
    %get3A_0 = arith.constant 0 : index
    %get3A_1 = vector.load %arg1[%get3A, %get3A_0] : memref<1000x128xf32, #tpu.memory_space<vmem>>, vector<1000x128xf32>
    %get3A_2 = arith.constant 0 : index
    %get3A_3 = arith.constant 0 : index
    %get3A_4 = arith.constant 0 : index
    %get3A_5 = vector.load %arg2[%get3A_2, %get3A_3, %get3A_4] : memref<1x128x128xf32, #tpu.memory_space<vmem>>, vector<1x128x128xf32>
    %get3A_6 = vector.shape_cast %get3A_5 : vector<1x128x128xf32> to vector<128x128xf32>
    %dot_general3A = arith.constant dense<0.000000e+00> : vector<1000x128xf32>
    %dot_general3A_7 = tpu.matmul %get3A_1, %get3A_6, %dot_general3A {dimension_numbers = #tpu.dot_dimension_numbers<[1], [0], [0], [1], [0, 0, 1, 1], [], []>, transpose_lhs_hint = false} : vector<1000x128xf32>, vector<128x128xf32>, vector<1000x128xf32> -> vector<1000x128xf32>
    %get3A_8 = arith.constant 0 : index
    %get3A_9 = arith.constant 0 : index
    %get3A_10 = arith.constant 0 : index
    %get3A_11 = vector.load %arg3[%get3A_8, %get3A_9, %get3A_10] : memref<1x1x128xf32, #tpu.memory_space<vmem>>, vector<1x1x128xf32>
    %get3A_12 = vector.shape_cast %get3A_11 : vector<1x1x128xf32> to vector<1x128xf32>
    %add3A = vector.broadcast %get3A_12 : vector<1x128xf32> to vector<1000x128xf32>
    %add3A_13 = arith.addf %dot_general3A_7, %add3A : vector<1000x128xf32>
    %get3A_14 = arith.constant 0 : index
    %get3A_15 = arith.constant 0 : index
    %get3A_16 = vector.load %arg4[%get3A_14, %get3A_15] : memref<1000x128xf32, #tpu.memory_space<vmem>>, vector<1000x128xf32>
    %add3A_17 = arith.addf %add3A_13, %get3A_16 : vector<1000x128xf32>
    %swap3A = arith.constant 0 : index
    %swap3A_18 = arith.constant 0 : index
    %swap3A_19 = vector.load %arg5[%swap3A, %swap3A_18] : memref<1000x128xf32, #tpu.memory_space<vmem>>, vector<1000x128xf32>
    tpu.vector_store %arg5[%swap3A, %swap3A_18], %add3A_17 {strides = array<i32>} : memref<1000x128xf32, #tpu.memory_space<vmem>>, vector<1000x128xf32>,
    return
  }
  func.func @transform_0(%arg0: i32) -> (i32, i32) {
    %c0_i32 = arith.constant 0 : i32
    %c0_i32_0 = arith.constant 0 : i32
    return %arg0, %c0_i32 : i32, i32
  }
  func.func @transform_1(%arg0: i32) -> (i32, i32, i32) {
    %jit3A = arith.constant 10 : i32
    %div3A = arith.divsi %arg0, %jit3A : i32
    %sign3A = arith.constant 0 : i32
    %sign3A_0 = arith.cmpi sgt, %arg0, %sign3A : i32
    %sign3A_1 = arith.extui %sign3A_0 : i1 to i32
    %sign3A_2 = arith.constant 0 : i32
    %sign3A_3 = arith.cmpi slt, %arg0, %sign3A_2 : i32
    %sign3A_4 = arith.extui %sign3A_3 : i1 to i32
    %sign3A_5 = arith.subi %sign3A_1, %sign3A_4 : i32
    %sign3A_6 = arith.constant 0 : i32
    %sign3A_7 = arith.cmpi sgt, %jit3A, %sign3A_6 : i32
    %sign3A_8 = arith.extui %sign3A_7 : i1 to i32
    %sign3A_9 = arith.constant 0 : i32
    %sign3A_10 = arith.cmpi slt, %jit3A, %sign3A_9 : i32
    %sign3A_11 = arith.extui %sign3A_10 : i1 to i32
    %sign3A_12 = arith.subi %sign3A_8, %sign3A_11 : i32
    %ne3A = arith.cmpi ne, %sign3A_5, %sign3A_12 : i32
    %rem3A = arith.remsi %arg0, %jit3A : i32
    %ne3A_13 = arith.constant 0 : i32
    %ne3A_14 = arith.cmpi ne, %rem3A, %ne3A_13 : i32
    %and3A = arith.andi %ne3A, %ne3A_14 : i1
    %sub3A = arith.constant 1 : i32
    %sub3A_15 = arith.subi %div3A, %sub3A : i32
    %select_n3A = arith.select %and3A, %sub3A_15, %div3A : i32
    %c0_i32 = arith.constant 0 : i32
    %c0_i32_16 = arith.constant 0 : i32
    %c0_i32_17 = arith.constant 0 : i32
    return %select_n3A, %c0_i32, %c0_i32_16 : i32, i32, i32
  }
  func.func @transform_2(%arg0: i32) -> (i32, i32, i32) {
    %jit3A = arith.constant 10 : i32
    %div3A = arith.divsi %arg0, %jit3A : i32
    %sign3A = arith.constant 0 : i32
    %sign3A_0 = arith.cmpi sgt, %arg0, %sign3A : i32
    %sign3A_1 = arith.extui %sign3A_0 : i1 to i32
    %sign3A_2 = arith.constant 0 : i32
    %sign3A_3 = arith.cmpi slt, %arg0, %sign3A_2 : i32
    %sign3A_4 = arith.extui %sign3A_3 : i1 to i32
    %sign3A_5 = arith.subi %sign3A_1, %sign3A_4 : i32
    %sign3A_6 = arith.constant 0 : i32
    %sign3A_7 = arith.cmpi sgt, %jit3A, %sign3A_6 : i32
    %sign3A_8 = arith.extui %sign3A_7 : i1 to i32
    %sign3A_9 = arith.constant 0 : i32
    %sign3A_10 = arith.cmpi slt, %jit3A, %sign3A_9 : i32
    %sign3A_11 = arith.extui %sign3A_10 : i1 to i32
    %sign3A_12 = arith.subi %sign3A_8, %sign3A_11 : i32
    %ne3A = arith.cmpi ne, %sign3A_5, %sign3A_12 : i32
    %rem3A = arith.remsi %arg0, %jit3A : i32
    %ne3A_13 = arith.constant 0 : i32
    %ne3A_14 = arith.cmpi ne, %rem3A, %ne3A_13 : i32
    %and3A = arith.andi %ne3A, %ne3A_14 : i1
    %sub3A = arith.constant 1 : i32
    %sub3A_15 = arith.subi %div3A, %sub3A : i32
    %select_n3A = arith.select %and3A, %sub3A_15, %div3A : i32
    %c0_i32 = arith.constant 0 : i32
    %c0_i32_16 = arith.constant 0 : i32
    %c0_i32_17 = arith.constant 0 : i32
    return %select_n3A, %c0_i32, %c0_i32_16 : i32, i32, i32
  }
  func.func @transform_3(%arg0: i32) -> (i32, i32) {
    %c0_i32 = arith.constant 0 : i32
    %c0_i32_0 = arith.constant 0 : i32
    return %arg0, %c0_i32 : i32, i32
  }
  func.func @transform_4(%arg0: i32) -> (i32, i32) {
    %c0_i32 = arith.constant 0 : i32
    %c0_i32_0 = arith.constant 0 : i32
    return %arg0, %c0_i32 : i32, i32
  }
}

module attributes {stable_mosaic.version = 14 : i64} {
  func.func @body(%arg0: i32, %arg1: memref<1000x128xf32, #tpu.memory_space<vmem>>, %arg2: memref<1000x128xf32, #tpu.memory_space<vmem>>, %arg3: memref<1000x128xf32, #tpu.memory_space<vmem>>, %arg4: memref<1x128x128xf32, #tpu.memory_space<vmem>>, %arg5: memref<1x1x128xf32, #tpu.memory_space<vmem>>, %arg6: memref<1x128x128xf32, #tpu.memory_space<vmem>>, %arg7: memref<1000x128xf32, #tpu.memory_space<vmem>>) attributes {dimension_semantics = [#tpu.dimension_semantics<arbitrary>], iteration_bounds = array<i64: 20>, scalar_prefetch = 0 : i64, scratch_operands = 0 : i64, tpu.core_type = #tpu.core_type<tc>, window_params = [{transform_indices = @transform_0, window_bounds = array<i64: 1000, 128>}, {transform_indices = @transform_1, window_bounds = array<i64: 1000, 128>}, {transform_indices = @transform_2, window_bounds = array<i64: 1000, 128>}, {transform_indices = @transform_3, window_bounds = array<i64: 1, 128, 128>}, {transform_indices = @transform_4, window_bounds = array<i64: 1, 1, 128>}, {transform_indices = @transform_5, window_bounds = array<i64: 1, 128, 128>}, {transform_indices = @transform_6, window_bounds = array<i64: 1000, 128>}]} {
    %get3A = arith.constant 0 : index
    %get3A_0 = arith.constant 0 : index
    %get3A_1 = vector.load %arg2[%get3A, %get3A_0] : memref<1000x128xf32, #tpu.memory_space<vmem>>, vector<1000x1xf32>
    %get3A_2 = vector.shape_cast %get3A_1 : vector<1000x1xf32> to vector<1000xf32>
    %max3A = arith.constant 1.000000e+00 : f32
    %max3A_3 = vector.broadcast %max3A : f32 to vector<1000xf32>
    %max3A_4 = arith.maximumf %get3A_2, %max3A_3 : vector<1000xf32>
    %div3A = arith.constant 1.000000e+00 : f32
    %div3A_5 = vector.broadcast %div3A : f32 to vector<1000xf32>
    %div3A_6 = arith.divf %div3A_5, %max3A_4 : vector<1000xf32>
    %get3A_7 = arith.constant 0 : index
    %get3A_8 = arith.constant 0 : index
    %get3A_9 = vector.load %arg1[%get3A_7, %get3A_8] : memref<1000x128xf32, #tpu.memory_space<vmem>>, vector<1000x128xf32>
    %broadcast_in_dim3A = vector.shape_cast %div3A_6 : vector<1000xf32> to vector<1000x1xf32>
    %mul3A = vector.broadcast %broadcast_in_dim3A : vector<1000x1xf32> to vector<1000x128xf32>
    %mul3A_10 = arith.mulf %get3A_9, %mul3A : vector<1000x128xf32>
    %get3A_11 = arith.constant 0 : index
    %get3A_12 = arith.constant 0 : index
    %get3A_13 = arith.constant 0 : index
    %get3A_14 = vector.load %arg4[%get3A_11, %get3A_12, %get3A_13] : memref<1x128x128xf32, #tpu.memory_space<vmem>>, vector<1x128x128xf32>
    %get3A_15 = vector.shape_cast %get3A_14 : vector<1x128x128xf32> to vector<128x128xf32>
    %dot_general3A = arith.constant dense<0.000000e+00> : vector<1000x128xf32>
    %dot_general3A_16 = tpu.matmul %mul3A_10, %get3A_15, %dot_general3A {dimension_numbers = #tpu.dot_dimension_numbers<[1], [0], [0], [1], [0, 0, 1, 1], [], []>, transpose_lhs_hint = false} : vector<1000x128xf32>, vector<128x128xf32>, vector<1000x128xf32> -> vector<1000x128xf32>
    %get3A_17 = arith.constant 0 : index
    %get3A_18 = arith.constant 0 : index
    %get3A_19 = arith.constant 0 : index
    %get3A_20 = vector.load %arg5[%get3A_17, %get3A_18, %get3A_19] : memref<1x1x128xf32, #tpu.memory_space<vmem>>, vector<1x1x128xf32>
    %get3A_21 = vector.shape_cast %get3A_20 : vector<1x1x128xf32> to vector<1x128xf32>
    %add3A = vector.broadcast %get3A_21 : vector<1x128xf32> to vector<1000x128xf32>
    %add3A_22 = arith.addf %dot_general3A_16, %add3A : vector<1000x128xf32>
    %get3A_23 = arith.constant 0 : index
    %get3A_24 = arith.constant 0 : index
    %get3A_25 = vector.load %arg3[%get3A_23, %get3A_24] : memref<1000x128xf32, #tpu.memory_space<vmem>>, vector<1000x128xf32>
    %get3A_26 = arith.constant 0 : index
    %get3A_27 = arith.constant 0 : index
    %get3A_28 = arith.constant 0 : index
    %get3A_29 = vector.load %arg6[%get3A_26, %get3A_27, %get3A_28] : memref<1x128x128xf32, #tpu.memory_space<vmem>>, vector<1x128x128xf32>
    %get3A_30 = vector.shape_cast %get3A_29 : vector<1x128x128xf32> to vector<128x128xf32>
    %dot_general3A_31 = arith.constant dense<0.000000e+00> : vector<1000x128xf32>
    %dot_general3A_32 = tpu.matmul %get3A_25, %get3A_30, %dot_general3A_31 {dimension_numbers = #tpu.dot_dimension_numbers<[1], [0], [0], [1], [0, 0, 1, 1], [], []>, transpose_lhs_hint = false} : vector<1000x128xf32>, vector<128x128xf32>, vector<1000x128xf32> -> vector<1000x128xf32>
    %add3A_33 = arith.addf %add3A_22, %dot_general3A_32 : vector<1000x128xf32>
    %max3A_34 = arith.constant 0.000000e+00 : f32
    %max3A_35 = vector.broadcast %max3A_34 : f32 to vector<1000x128xf32>
    %max3A_36 = arith.maximumf %add3A_33, %max3A_35 : vector<1000x128xf32>
    %swap3A = arith.constant 0 : index
    %swap3A_37 = arith.constant 0 : index
    %swap3A_38 = vector.load %arg7[%swap3A, %swap3A_37] : memref<1000x128xf32, #tpu.memory_space<vmem>>, vector<1000x128xf32>
    tpu.vector_store %arg7[%swap3A, %swap3A_37], %max3A_36 {strides = array<i32>} : memref<1000x128xf32, #tpu.memory_space<vmem>>, vector<1000x128xf32>,
    return
  }
  func.func @transform_0(%arg0: i32) -> (i32, i32) {
    %c0_i32 = arith.constant 0 : i32
    %c0_i32_0 = arith.constant 0 : i32
    return %arg0, %c0_i32 : i32, i32
  }
  func.func @transform_1(%arg0: i32) -> (i32, i32) {
    %c0_i32 = arith.constant 0 : i32
    %c0_i32_0 = arith.constant 0 : i32
    return %arg0, %c0_i32 : i32, i32
  }
  func.func @transform_2(%arg0: i32) -> (i32, i32) {
    %c0_i32 = arith.constant 0 : i32
    %c0_i32_0 = arith.constant 0 : i32
    return %arg0, %c0_i32 : i32, i32
  }
  func.func @transform_3(%arg0: i32) -> (i32, i32, i32) {
    %jit3A = arith.constant 10 : i32
    %div3A = arith.divsi %arg0, %jit3A : i32
    %sign3A = arith.constant 0 : i32
    %sign3A_0 = arith.cmpi sgt, %arg0, %sign3A : i32
    %sign3A_1 = arith.extui %sign3A_0 : i1 to i32
    %sign3A_2 = arith.constant 0 : i32
    %sign3A_3 = arith.cmpi slt, %arg0, %sign3A_2 : i32
    %sign3A_4 = arith.extui %sign3A_3 : i1 to i32
    %sign3A_5 = arith.subi %sign3A_1, %sign3A_4 : i32
    %sign3A_6 = arith.constant 0 : i32
    %sign3A_7 = arith.cmpi sgt, %jit3A, %sign3A_6 : i32
    %sign3A_8 = arith.extui %sign3A_7 : i1 to i32
    %sign3A_9 = arith.constant 0 : i32
    %sign3A_10 = arith.cmpi slt, %jit3A, %sign3A_9 : i32
    %sign3A_11 = arith.extui %sign3A_10 : i1 to i32
    %sign3A_12 = arith.subi %sign3A_8, %sign3A_11 : i32
    %ne3A = arith.cmpi ne, %sign3A_5, %sign3A_12 : i32
    %rem3A = arith.remsi %arg0, %jit3A : i32
    %ne3A_13 = arith.constant 0 : i32
    %ne3A_14 = arith.cmpi ne, %rem3A, %ne3A_13 : i32
    %and3A = arith.andi %ne3A, %ne3A_14 : i1
    %sub3A = arith.constant 1 : i32
    %sub3A_15 = arith.subi %div3A, %sub3A : i32
    %select_n3A = arith.select %and3A, %sub3A_15, %div3A : i32
    %c0_i32 = arith.constant 0 : i32
    %c0_i32_16 = arith.constant 0 : i32
    %c0_i32_17 = arith.constant 0 : i32
    return %select_n3A, %c0_i32, %c0_i32_16 : i32, i32, i32
  }
  func.func @transform_4(%arg0: i32) -> (i32, i32, i32) {
    %jit3A = arith.constant 10 : i32
    %div3A = arith.divsi %arg0, %jit3A : i32
    %sign3A = arith.constant 0 : i32
    %sign3A_0 = arith.cmpi sgt, %arg0, %sign3A : i32
    %sign3A_1 = arith.extui %sign3A_0 : i1 to i32
    %sign3A_2 = arith.constant 0 : i32
    %sign3A_3 = arith.cmpi slt, %arg0, %sign3A_2 : i32
    %sign3A_4 = arith.extui %sign3A_3 : i1 to i32
    %sign3A_5 = arith.subi %sign3A_1, %sign3A_4 : i32
    %sign3A_6 = arith.constant 0 : i32
    %sign3A_7 = arith.cmpi sgt, %jit3A, %sign3A_6 : i32
    %sign3A_8 = arith.extui %sign3A_7 : i1 to i32
    %sign3A_9 = arith.constant 0 : i32
    %sign3A_10 = arith.cmpi slt, %jit3A, %sign3A_9 : i32
    %sign3A_11 = arith.extui %sign3A_10 : i1 to i32
    %sign3A_12 = arith.subi %sign3A_8, %sign3A_11 : i32
    %ne3A = arith.cmpi ne, %sign3A_5, %sign3A_12 : i32
    %rem3A = arith.remsi %arg0, %jit3A : i32
    %ne3A_13 = arith.constant 0 : i32
    %ne3A_14 = arith.cmpi ne, %rem3A, %ne3A_13 : i32
    %and3A = arith.andi %ne3A, %ne3A_14 : i1
    %sub3A = arith.constant 1 : i32
    %sub3A_15 = arith.subi %div3A, %sub3A : i32
    %select_n3A = arith.select %and3A, %sub3A_15, %div3A : i32
    %c0_i32 = arith.constant 0 : i32
    %c0_i32_16 = arith.constant 0 : i32
    %c0_i32_17 = arith.constant 0 : i32
    return %select_n3A, %c0_i32, %c0_i32_16 : i32, i32, i32
  }
  func.func @transform_5(%arg0: i32) -> (i32, i32, i32) {
    %jit3A = arith.constant 10 : i32
    %div3A = arith.divsi %arg0, %jit3A : i32
    %sign3A = arith.constant 0 : i32
    %sign3A_0 = arith.cmpi sgt, %arg0, %sign3A : i32
    %sign3A_1 = arith.extui %sign3A_0 : i1 to i32
    %sign3A_2 = arith.constant 0 : i32
    %sign3A_3 = arith.cmpi slt, %arg0, %sign3A_2 : i32
    %sign3A_4 = arith.extui %sign3A_3 : i1 to i32
    %sign3A_5 = arith.subi %sign3A_1, %sign3A_4 : i32
    %sign3A_6 = arith.constant 0 : i32
    %sign3A_7 = arith.cmpi sgt, %jit3A, %sign3A_6 : i32
    %sign3A_8 = arith.extui %sign3A_7 : i1 to i32
    %sign3A_9 = arith.constant 0 : i32
    %sign3A_10 = arith.cmpi slt, %jit3A, %sign3A_9 : i32
    %sign3A_11 = arith.extui %sign3A_10 : i1 to i32
    %sign3A_12 = arith.subi %sign3A_8, %sign3A_11 : i32
    %ne3A = arith.cmpi ne, %sign3A_5, %sign3A_12 : i32
    %rem3A = arith.remsi %arg0, %jit3A : i32
    %ne3A_13 = arith.constant 0 : i32
    %ne3A_14 = arith.cmpi ne, %rem3A, %ne3A_13 : i32
    %and3A = arith.andi %ne3A, %ne3A_14 : i1
    %sub3A = arith.constant 1 : i32
    %sub3A_15 = arith.subi %div3A, %sub3A : i32
    %select_n3A = arith.select %and3A, %sub3A_15, %div3A : i32
    %c0_i32 = arith.constant 0 : i32
    %c0_i32_16 = arith.constant 0 : i32
    %c0_i32_17 = arith.constant 0 : i32
    return %select_n3A, %c0_i32, %c0_i32_16 : i32, i32, i32
  }
  func.func @transform_6(%arg0: i32) -> (i32, i32) {
    %c0_i32 = arith.constant 0 : i32
    %c0_i32_0 = arith.constant 0 : i32
    return %arg0, %c0_i32 : i32, i32
  }
}

module attributes {stable_mosaic.version = 14 : i64} {
  func.func @body(%arg0: i32, %arg1: memref<1000x128xf32, #tpu.memory_space<vmem>>, %arg2: memref<1000x128xf32, #tpu.memory_space<vmem>>, %arg3: memref<1000x128xf32, #tpu.memory_space<vmem>>, %arg4: memref<1x128x128xf32, #tpu.memory_space<vmem>>, %arg5: memref<1x1x128xf32, #tpu.memory_space<vmem>>, %arg6: memref<1x128x128xf32, #tpu.memory_space<vmem>>, %arg7: memref<1000x128xf32, #tpu.memory_space<vmem>>) attributes {dimension_semantics = [#tpu.dimension_semantics<arbitrary>], iteration_bounds = array<i64: 20>, scalar_prefetch = 0 : i64, scratch_operands = 0 : i64, tpu.core_type = #tpu.core_type<tc>, window_params = [{transform_indices = @transform_0, window_bounds = array<i64: 1000, 128>}, {transform_indices = @transform_1, window_bounds = array<i64: 1000, 128>}, {transform_indices = @transform_2, window_bounds = array<i64: 1000, 128>}, {transform_indices = @transform_3, window_bounds = array<i64: 1, 128, 128>}, {transform_indices = @transform_4, window_bounds = array<i64: 1, 1, 128>}, {transform_indices = @transform_5, window_bounds = array<i64: 1, 128, 128>}, {transform_indices = @transform_6, window_bounds = array<i64: 1000, 128>}]} {
    %get3A = arith.constant 0 : index
    %get3A_0 = arith.constant 0 : index
    %get3A_1 = vector.load %arg2[%get3A, %get3A_0] : memref<1000x128xf32, #tpu.memory_space<vmem>>, vector<1000x1xf32>
    %get3A_2 = vector.shape_cast %get3A_1 : vector<1000x1xf32> to vector<1000xf32>
    %max3A = arith.constant 1.000000e+00 : f32
    %max3A_3 = vector.broadcast %max3A : f32 to vector<1000xf32>
    %max3A_4 = arith.maximumf %get3A_2, %max3A_3 : vector<1000xf32>
    %div3A = arith.constant 1.000000e+00 : f32
    %div3A_5 = vector.broadcast %div3A : f32 to vector<1000xf32>
    %div3A_6 = arith.divf %div3A_5, %max3A_4 : vector<1000xf32>
    %get3A_7 = arith.constant 0 : index
    %get3A_8 = arith.constant 0 : index
    %get3A_9 = vector.load %arg1[%get3A_7, %get3A_8] : memref<1000x128xf32, #tpu.memory_space<vmem>>, vector<1000x128xf32>
    %broadcast_in_dim3A = vector.shape_cast %div3A_6 : vector<1000xf32> to vector<1000x1xf32>
    %mul3A = vector.broadcast %broadcast_in_dim3A : vector<1000x1xf32> to vector<1000x128xf32>
    %mul3A_10 = arith.mulf %get3A_9, %mul3A : vector<1000x128xf32>
    %get3A_11 = arith.constant 0 : index
    %get3A_12 = arith.constant 0 : index
    %get3A_13 = arith.constant 0 : index
    %get3A_14 = vector.load %arg4[%get3A_11, %get3A_12, %get3A_13] : memref<1x128x128xf32, #tpu.memory_space<vmem>>, vector<1x128x128xf32>
    %get3A_15 = vector.shape_cast %get3A_14 : vector<1x128x128xf32> to vector<128x128xf32>
    %dot_general3A = arith.constant dense<0.000000e+00> : vector<1000x128xf32>
    %dot_general3A_16 = tpu.matmul %mul3A_10, %get3A_15, %dot_general3A {dimension_numbers = #tpu.dot_dimension_numbers<[1], [0], [0], [1], [0, 0, 1, 1], [], []>, transpose_lhs_hint = false} : vector<1000x128xf32>, vector<128x128xf32>, vector<1000x128xf32> -> vector<1000x128xf32>
    %get3A_17 = arith.constant 0 : index
    %get3A_18 = arith.constant 0 : index
    %get3A_19 = arith.constant 0 : index
    %get3A_20 = vector.load %arg5[%get3A_17, %get3A_18, %get3A_19] : memref<1x1x128xf32, #tpu.memory_space<vmem>>, vector<1x1x128xf32>
    %get3A_21 = vector.shape_cast %get3A_20 : vector<1x1x128xf32> to vector<1x128xf32>
    %add3A = vector.broadcast %get3A_21 : vector<1x128xf32> to vector<1000x128xf32>
    %add3A_22 = arith.addf %dot_general3A_16, %add3A : vector<1000x128xf32>
    %get3A_23 = arith.constant 0 : index
    %get3A_24 = arith.constant 0 : index
    %get3A_25 = vector.load %arg3[%get3A_23, %get3A_24] : memref<1000x128xf32, #tpu.memory_space<vmem>>, vector<1000x128xf32>
    %get3A_26 = arith.constant 0 : index
    %get3A_27 = arith.constant 0 : index
    %get3A_28 = arith.constant 0 : index
    %get3A_29 = vector.load %arg6[%get3A_26, %get3A_27, %get3A_28] : memref<1x128x128xf32, #tpu.memory_space<vmem>>, vector<1x128x128xf32>
    %get3A_30 = vector.shape_cast %get3A_29 : vector<1x128x128xf32> to vector<128x128xf32>
    %dot_general3A_31 = arith.constant dense<0.000000e+00> : vector<1000x128xf32>
    %dot_general3A_32 = tpu.matmul %get3A_25, %get3A_30, %dot_general3A_31 {dimension_numbers = #tpu.dot_dimension_numbers<[1], [0], [0], [1], [0, 0, 1, 1], [], []>, transpose_lhs_hint = false} : vector<1000x128xf32>, vector<128x128xf32>, vector<1000x128xf32> -> vector<1000x128xf32>
    %add3A_33 = arith.addf %add3A_22, %dot_general3A_32 : vector<1000x128xf32>
    %swap3A = arith.constant 0 : index
    %swap3A_34 = arith.constant 0 : index
    %swap3A_35 = vector.load %arg7[%swap3A, %swap3A_34] : memref<1000x128xf32, #tpu.memory_space<vmem>>, vector<1000x128xf32>
    tpu.vector_store %arg7[%swap3A, %swap3A_34], %add3A_33 {strides = array<i32>} : memref<1000x128xf32, #tpu.memory_space<vmem>>, vector<1000x128xf32>,
    return
  }
  func.func @transform_0(%arg0: i32) -> (i32, i32) {
    %c0_i32 = arith.constant 0 : i32
    %c0_i32_0 = arith.constant 0 : i32
    return %arg0, %c0_i32 : i32, i32
  }
  func.func @transform_1(%arg0: i32) -> (i32, i32) {
    %c0_i32 = arith.constant 0 : i32
    %c0_i32_0 = arith.constant 0 : i32
    return %arg0, %c0_i32 : i32, i32
  }
  func.func @transform_2(%arg0: i32) -> (i32, i32) {
    %c0_i32 = arith.constant 0 : i32
    %c0_i32_0 = arith.constant 0 : i32
    return %arg0, %c0_i32 : i32, i32
  }
  func.func @transform_3(%arg0: i32) -> (i32, i32, i32) {
    %jit3A = arith.constant 10 : i32
    %div3A = arith.divsi %arg0, %jit3A : i32
    %sign3A = arith.constant 0 : i32
    %sign3A_0 = arith.cmpi sgt, %arg0, %sign3A : i32
    %sign3A_1 = arith.extui %sign3A_0 : i1 to i32
    %sign3A_2 = arith.constant 0 : i32
    %sign3A_3 = arith.cmpi slt, %arg0, %sign3A_2 : i32
    %sign3A_4 = arith.extui %sign3A_3 : i1 to i32
    %sign3A_5 = arith.subi %sign3A_1, %sign3A_4 : i32
    %sign3A_6 = arith.constant 0 : i32
    %sign3A_7 = arith.cmpi sgt, %jit3A, %sign3A_6 : i32
    %sign3A_8 = arith.extui %sign3A_7 : i1 to i32
    %sign3A_9 = arith.constant 0 : i32
    %sign3A_10 = arith.cmpi slt, %jit3A, %sign3A_9 : i32
    %sign3A_11 = arith.extui %sign3A_10 : i1 to i32
    %sign3A_12 = arith.subi %sign3A_8, %sign3A_11 : i32
    %ne3A = arith.cmpi ne, %sign3A_5, %sign3A_12 : i32
    %rem3A = arith.remsi %arg0, %jit3A : i32
    %ne3A_13 = arith.constant 0 : i32
    %ne3A_14 = arith.cmpi ne, %rem3A, %ne3A_13 : i32
    %and3A = arith.andi %ne3A, %ne3A_14 : i1
    %sub3A = arith.constant 1 : i32
    %sub3A_15 = arith.subi %div3A, %sub3A : i32
    %select_n3A = arith.select %and3A, %sub3A_15, %div3A : i32
    %c0_i32 = arith.constant 0 : i32
    %c0_i32_16 = arith.constant 0 : i32
    %c0_i32_17 = arith.constant 0 : i32
    return %select_n3A, %c0_i32, %c0_i32_16 : i32, i32, i32
  }
  func.func @transform_4(%arg0: i32) -> (i32, i32, i32) {
    %jit3A = arith.constant 10 : i32
    %div3A = arith.divsi %arg0, %jit3A : i32
    %sign3A = arith.constant 0 : i32
    %sign3A_0 = arith.cmpi sgt, %arg0, %sign3A : i32
    %sign3A_1 = arith.extui %sign3A_0 : i1 to i32
    %sign3A_2 = arith.constant 0 : i32
    %sign3A_3 = arith.cmpi slt, %arg0, %sign3A_2 : i32
    %sign3A_4 = arith.extui %sign3A_3 : i1 to i32
    %sign3A_5 = arith.subi %sign3A_1, %sign3A_4 : i32
    %sign3A_6 = arith.constant 0 : i32
    %sign3A_7 = arith.cmpi sgt, %jit3A, %sign3A_6 : i32
    %sign3A_8 = arith.extui %sign3A_7 : i1 to i32
    %sign3A_9 = arith.constant 0 : i32
    %sign3A_10 = arith.cmpi slt, %jit3A, %sign3A_9 : i32
    %sign3A_11 = arith.extui %sign3A_10 : i1 to i32
    %sign3A_12 = arith.subi %sign3A_8, %sign3A_11 : i32
    %ne3A = arith.cmpi ne, %sign3A_5, %sign3A_12 : i32
    %rem3A = arith.remsi %arg0, %jit3A : i32
    %ne3A_13 = arith.constant 0 : i32
    %ne3A_14 = arith.cmpi ne, %rem3A, %ne3A_13 : i32
    %and3A = arith.andi %ne3A, %ne3A_14 : i1
    %sub3A = arith.constant 1 : i32
    %sub3A_15 = arith.subi %div3A, %sub3A : i32
    %select_n3A = arith.select %and3A, %sub3A_15, %div3A : i32
    %c0_i32 = arith.constant 0 : i32
    %c0_i32_16 = arith.constant 0 : i32
    %c0_i32_17 = arith.constant 0 : i32
    return %select_n3A, %c0_i32, %c0_i32_16 : i32, i32, i32
  }
  func.func @transform_5(%arg0: i32) -> (i32, i32, i32) {
    %jit3A = arith.constant 10 : i32
    %div3A = arith.divsi %arg0, %jit3A : i32
    %sign3A = arith.constant 0 : i32
    %sign3A_0 = arith.cmpi sgt, %arg0, %sign3A : i32
    %sign3A_1 = arith.extui %sign3A_0 : i1 to i32
    %sign3A_2 = arith.constant 0 : i32
    %sign3A_3 = arith.cmpi slt, %arg0, %sign3A_2 : i32
    %sign3A_4 = arith.extui %sign3A_3 : i1 to i32
    %sign3A_5 = arith.subi %sign3A_1, %sign3A_4 : i32
    %sign3A_6 = arith.constant 0 : i32
    %sign3A_7 = arith.cmpi sgt, %jit3A, %sign3A_6 : i32
    %sign3A_8 = arith.extui %sign3A_7 : i1 to i32
    %sign3A_9 = arith.constant 0 : i32
    %sign3A_10 = arith.cmpi slt, %jit3A, %sign3A_9 : i32
    %sign3A_11 = arith.extui %sign3A_10 : i1 to i32
    %sign3A_12 = arith.subi %sign3A_8, %sign3A_11 : i32
    %ne3A = arith.cmpi ne, %sign3A_5, %sign3A_12 : i32
    %rem3A = arith.remsi %arg0, %jit3A : i32
    %ne3A_13 = arith.constant 0 : i32
    %ne3A_14 = arith.cmpi ne, %rem3A, %ne3A_13 : i32
    %and3A = arith.andi %ne3A, %ne3A_14 : i1
    %sub3A = arith.constant 1 : i32
    %sub3A_15 = arith.subi %div3A, %sub3A : i32
    %select_n3A = arith.select %and3A, %sub3A_15, %div3A : i32
    %c0_i32 = arith.constant 0 : i32
    %c0_i32_16 = arith.constant 0 : i32
    %c0_i32_17 = arith.constant 0 : i32
    return %select_n3A, %c0_i32, %c0_i32_16 : i32, i32, i32
  }
  func.func @transform_6(%arg0: i32) -> (i32, i32) {
    %c0_i32 = arith.constant 0 : i32
    %c0_i32_0 = arith.constant 0 : i32
    return %arg0, %c0_i32 : i32, i32
  }
}

module attributes {stable_mosaic.version = 14 : i64} {
  func.func @body(%arg0: i32, %arg1: memref<1024x16xf32, #tpu.memory_space<vmem>>, %arg2: memref<1024xf32, #tpu.memory_space<vmem>>) attributes {dimension_semantics = [#tpu.dimension_semantics<arbitrary>], iteration_bounds = array<i64: 100>, scalar_prefetch = 0 : i64, scratch_operands = 0 : i64, tpu.core_type = #tpu.core_type<tc>, window_params = [{transform_indices = @transform_0, window_bounds = array<i64: 1024, 16>}, {transform_indices = @transform_1, window_bounds = array<i64: 1024>}]} {
    %get3A = arith.constant 0 : index
    %get3A_0 = arith.constant 0 : index
    %get3A_1 = vector.load %arg1[%get3A, %get3A_0] : memref<1024x16xf32, #tpu.memory_space<vmem>>, vector<1024x16xf32>
    %reduce_sum3A = arith.constant dense<0.000000e+00> : vector<1024xf32>
    %reduce_sum3A_2 = vector.multi_reduction <add>, %get3A_1, %reduce_sum3A [1] : vector<1024x16xf32> to vector<1024xf32>
    %swap3A = arith.constant 0 : index
    %swap3A_3 = vector.load %arg2[%swap3A] : memref<1024xf32, #tpu.memory_space<vmem>>, vector<1024xf32>
    tpu.vector_store %arg2[%swap3A], %reduce_sum3A_2 {strides = array<i32>} : memref<1024xf32, #tpu.memory_space<vmem>>, vector<1024xf32>,
    return
  }
  func.func @transform_0(%arg0: i32) -> (i32, i32) {
    %c0_i32 = arith.constant 0 : i32
    %c0_i32_0 = arith.constant 0 : i32
    return %arg0, %c0_i32 : i32, i32
  }
  func.func @transform_1(%arg0: i32) -> i32 {
    %c0_i32 = arith.constant 0 : i32
    return %arg0 : i32
  }
}

</mosaic_0001>

<sc_bundles>
// kernel: kernel.10.cloned.1.call-start
scs
__scs_entry_jumppad:
0x0: {  	(pc) =	sbr.rel $0x88, $3  }
0x1: {  	(tag) =	ssettag $0x0;
	lr =	simm.s32 $0x1  }
0x2: {  	[smem:$0x3F8B] =	sst lr;
	_ =	strace $0xD0000000  }
0x3: {  	_ = 	snop  }
0x4: {  	_ = 	snop  }
0x5: {  	_ = 	snop  }
0x6: {  	_ = 	snop  }
0x7: {  	_ = 	snop  }
__scs_overlays_trampoline_lowered:
0x8: {  	[smem:$0x3F9A] =	sst s0  }
0x9: {  	[smem:$0x3F9B] =	sst s1  }
0xa: {  	[smem:$0x3F9C] =	sst s2  }
0xb: {  	[smem:$0x3F9D] =	sst s3  }
0xc: {  	[smem:$0x3F9E] =	sst s4  }
0xd: {  	[smem:$0x3F9F] =	sst s5  }
0xe: {  	[smem:$0x3FA0] =	sst s6  }
0xf: {  	[smem:$0x3FA1] =	sst s7  }
0x10: {  	[smem:$0x3FA2] =	sst s8  }
0x11: {  	[smem:$0x3FA3] =	sst s9;
	s0 =	simm.s32 @!p0 $0x0  }
0x12: {  	s1 =	sld [smem:$0x3F89];
	s0 =	simm.s32 @p0 $0x1  }
0x13: {  	[smem:$0x3FA4] =	sst s0;
	s0 =	simm.s32 @!p1 $0x0  }
0x14: {  	s2 =	sld [smem:$0x3F88];
	s0 =	simm.s32 @p1 $0x1  }
0x15: {  	[smem:$0x3FA5] =	sst s0;
	s0 =	simm.s32 @!p2 $0x0  }
0x16: {  	s3 =	sld [smem:$0x3FDB];
	s0 =	simm.s32 @p2 $0x1  }
0x17: {  	s4 =	simm.s32 $0x1BF5;
	[smem:$0x3FA7] =	sst s0  }
0x18: {  	s0 =	sld [smem:$0x3F8A];
	_ =	swait.ge [sflag:s4], $0x0  }
0x19: {  	s7 =	sld [smem:$0x3F8B]  }
0x1a: {  	s8 =	sadd.s32 $0xFFFFE003, lr  }
0x1b: {  	s9 =	sadd.s32 $0xFFFFFEF7, lr;
	s5 =	simm.s32 $0xFFFFFFFF;
	p2 =	slt.u32 s8, $0xFFFFF086  }
0x1c: {  	p1 =	slt.u32 s9, $0xF7A;
	s5 =	simm.s32 @!p2 $0x0  }
0x1d: {  	s5 =	simm.s32 @p1 $0x1;
	p0 =	seq.s32 s7, s2  }
0x1e: {  	s7 =	smul.u32 @!p0 $0xF7A, s2;
	p2 =	seq.s32 @!p0 s5, $0x0  }
0x1f: {  	s9 =	smul.u32 $0xF7A, s1;
	s8 =	simm.s32 @!p0 $0x1BF5;
	p2 =	por !p2, p0  }
0x20: {  	[sflag:s8] =	ssyncset.s32 @!p0 $0xFFFFF086;
	s6 =	sadd.s32 @!p0 s3, s7;
	s7 =	simm.s32 @!p0 $0x108  }
0x21: {  	s3 =	sadd.s32 s3, s9;
	s6 =	sadd.s32 @!p0 $0x88, s6;
	s7 =	simm.s32 @p2 $0x1082  }
0x22: {  	[simem:s7], [sflag:s8] =	dma.local @!p0 [hbm:s6], $0xF7A  }
0x23: {  	s9 =	sor.u32 $0xD0000000, s2;
	s6 =	simm.s32 $0x108;
	_ =	swait.ge @!p0 [sflag:s8], $0x0  }
0x24: {  	s3 =	sadd.s32 $0x88, s3;
	s6 =	simm.s32 @!p1 $0x1082;
	[sflag:s4] =	ssyncset.s32 $0xFFFFF086  }
0x25: {  	[simem:s6], [sflag:s4] =	dma.local [hbm:s3], $0xF7A  }
0x26: {  	[smem:$0x3F8B] =	sst s1;
	(tag) =	ssettag s2;
	_ =	strace s9  }
0x27: {  	s1 =	sld [smem:$0x3F9B]  }
0x28: {  	s2 =	sld [smem:$0x3F9C]  }
0x29: {  	s4 =	sld [smem:$0x3F9E]  }
0x2a: {  	p0 =	seq.s32 s5, $0x0;
	s5 =	sld [smem:$0x3F9F]  }
0x2b: {  	s6 =	sld [smem:$0x3FA0]  }
0x2c: {  	s7 =	sld [smem:$0x3FA1]  }
0x2d: {  	s3 =	simm.s32 $0x108;
	s8 =	sld [smem:$0x3FA2]  }
0x2e: {  	s3 =	simm.s32 @!p0 $0x1082;
	s9 =	sld [smem:$0x3FA3]  }
0x2f: {  	lr =	sadd.s32 s0, s3;
	s0 =	sld [smem:$0x3F9A]  }
0x30: {  	s3 =	sld [smem:$0x3F9D]  }
0x31: {  	[smem:$0x3FA6] =	sst s10  }
0x32: {  	s10 =	sld [smem:$0x3FA4];
	_ =	sdelay $0x3  }
0x33: {  	p0 =	seq.s32 s10, $0x1;
	s10 =	sld [smem:$0x3FA6];
	_ =	sdelay $0x3  }
0x34: {  	[smem:$0x3FA6] =	sst s10  }
0x35: {  	s10 =	sld [smem:$0x3FA5];
	_ =	sdelay $0x3  }
0x36: {  	p1 =	seq.s32 s10, $0x1;
	s10 =	sld [smem:$0x3FA6];
	_ =	sdelay $0x3  }
0x37: {  	[smem:$0x3FA6] =	sst s10  }
0x38: {  	s10 =	sld [smem:$0x3FA7]  }
0x39: {  	_ = 	snop;
	(pc) =	sbr.ind lr, $3  }
0x3a: {  	_ = 	snop  }
0x3b: {  	_ = 	snop  }
0x3c: {  	p2 =	seq.s32 s10, $0x1;
	s10 =	sld [smem:$0x3FA6]  }
0x3d: {  	_ =	shalt  }
0x3e: {  	_ =	shalt  }
0x3f: {  	_ =	shalt  }
0x40: {  	_ =	shalt  }
0x41: {  	_ =	shalt  }
0x42: {  	_ =	shalt  }
0x43: {  	_ =	shalt  }
0x44: {  	_ =	shalt  }
0x45: {  	_ =	shalt  }
0x46: {  	_ =	shalt  }
0x47: {  	_ =	shalt  }
0x48: {  	_ =	shalt  }
0x49: {  	_ =	shalt  }
0x4a: {  	_ =	shalt  }
0x4b: {  	_ =	shalt  }
0x4c: {  	_ =	shalt  }
0x4d: {  	_ =	shalt  }
0x4e: {  	_ =	shalt  }
0x4f: {  	_ =	shalt  }
0x50: {  	_ =	shalt  }
0x51: {  	_ =	shalt  }
0x52: {  	_ =	shalt  }
0x53: {  	_ =	shalt  }
0x54: {  	_ =	shalt  }
0x55: {  	_ =	shalt  }
0x56: {  	_ =	shalt  }
0x57: {  	_ =	shalt  }
0x58: {  	_ =	shalt  }
0x59: {  	_ =	shalt  }
0x5a: {  	_ =	shalt  }
0x5b: {  	_ =	shalt  }
0x5c: {  	_ =	shalt  }
0x5d: {  	_ =	shalt  }
0x5e: {  	_ =	shalt  }
0x5f: {  	_ =	shalt  }
0x60: {  	_ =	shalt  }
0x61: {  	_ =	shalt  }
0x62: {  	_ =	shalt  }
0x63: {  	_ =	shalt  }
0x64: {  	_ =	shalt  }
0x65: {  	_ =	shalt  }
0x66: {  	_ =	shalt  }
0x67: {  	_ =	shalt  }
0x68: {  	_ =	shalt  }
0x69: {  	_ =	shalt  }
0x6a: {  	_ =	shalt  }
0x6b: {  	_ =	shalt  }
0x6c: {  	_ =	shalt  }
0x6d: {  	_ =	shalt  }
0x6e: {  	_ =	shalt  }
0x6f: {  	_ =	shalt  }
0x70: {  	_ =	shalt  }
0x71: {  	_ =	shalt  }
0x72: {  	_ =	shalt  }
0x73: {  	_ =	shalt  }
0x74: {  	_ =	shalt  }
0x75: {  	_ =	shalt  }
0x76: {  	_ =	shalt  }
0x77: {  	_ =	shalt  }
0x78: {  	_ =	shalt  }
0x79: {  	_ =	shalt  }
0x7a: {  	_ =	shalt  }
0x7b: {  	_ =	shalt  }
0x7c: {  	_ =	shalt  }
0x7d: {  	_ =	shalt  }
0x7e: {  	_ =	shalt  }
0x7f: {  	_ =	shalt  }
0x80: {  	_ =	shalt  }
0x81: {  	_ =	shalt  }
0x82: {  	_ =	shalt  }
0x83: {  	_ =	shalt  }
0x84: {  	_ =	shalt  }
0x85: {  	_ =	shalt  }
0x86: {  	_ =	shalt  }
0x87: {  	_ =	shalt  }
.Lfunc_end0:
.L_simem_size_0:
called_computation_lowered:
.L_overlay_start_0:
0x88: {  	s2 =	sld [smem:$0x3FD9]  }
0x89: {  	s3 =	sld [smem:$0x3FFE];
	_ =	sdelay $0x1  }
0x8a: {  	s1 =	srdreg.scid  }
0x8b: {  	s0 =	sand.u32 $0x1, s1  }
0x8c: {  	s17 =	sshll.u32 s0, $0xA;
	s2 =	sadd.s32 s3, s2  }
0x8d: {  	s2 =	sadd.s32 s2, s17  }
0x8e: {  	[smem:$0x3FB2] =	sst s2  }
0x8f: {  	_ = 	snop  }
0x90: {  	(tm) =	ssettm $0x1  }
0x91: {  	s18 =	sld [smem:$0x3FFB];
	_ =	sdelay $0x3  }
0x92: {  	_ =	strace s18  }
0x93: {  	s2 =	sld [smem:$0x3FFC];
	_ =	sdelay $0x3  }
0x94: {  	_ =	strace s2  }
0x95: {  	s2 =	sld [smem:$0x3FFD];
	_ =	sdelay $0x3  }
0x96: {  	_ =	strace s2  }
0x97: {  	_ =	strace $0x8FFFFFFF  }
0x98: {  	s19 =	sld [smem:$0x3FDB];
	_ =	sdelay $0x1  }
0x99: {  	s20 =	simm.s32 $_scs_section_size  }
0x9a: {  	s4 =	simm.s32 $_size__tile_overlayer_lowered;
	s5 =	simm.s32 $_tile_overlayer_lowered  }
0x9b: {  	s6 =	simm.s32 $0x1BFF;
	s21 =	sshll.u32 s5, $0x1;
	s3 =	sadd.s32 s20, s19  }
0x9c: {  	s22 =	simm.s32 $0x0;
	s4 =	sshll.u32 s4, $0x1;
	s5 =	sadd.s32 s21, s3  }
0x9d: {  	[timem:s22], [sflag:s6] =	dma.local [hbm:s5], s4  }
0x9e: {  	_ =	swait.ge [sflag:s6], s4  }
0x9f: {  	s4 =	ssub.s32 $0x0, s4;
	[sflag:s6] =	ssyncset.done $0x0  }
0xa0: {  	[sflag:s6] =	ssyncadd.s32 s4;
	_ =	sdelay $0x1  }
0xa1: {  	s23 =	simm.s32 $0x1B8B  }
0xa2: {  	_ =	swait.ge [sflag:s23], $0x1  }
0xa3: {  	[sflag:s23] =	ssyncset.done $0x0  }
0xa4: {  	[sflag:s23] =	ssyncadd.s32 $0xFFFFFFFF  }
0xa5: {  	s4 =	sld [smem:$0x0]  }
0xa6: {  	s5 =	sand.u32 $0xFFFFFFFE, s1  }
0xa7: {  	p0 =	sne.s32 s1, s5  }
0xa8: {  	s5 =	sshll.u32 @p0 s5, $0xE  }
0xa9: {  	s5 =	sadd.s32 @p0 $0x11B8D, s5;
	s6 =	sshll.u32 @p0 s4, $0x11  }
0xaa: {  	s5 =	sor.u32 @p0 s6, s5  }
0xab: {  	[sflag:s5] =	ssyncadd.remote.s32 @p0 $0x1;
	_ =	sdelay $0x1  }
0xac: {  	s5 =	simm.s32 @p0 $0x1B8D  }
0xad: {  	_ =	swait.eq @p0 [sflag:s5], $0x1  }
0xae: {  	[sflag:s5] =	ssyncadd.s32 @p0 $0xFFFFFFFF  }
0xaf: {  	s6 =	sshll.u32 @!p0 s1, $0xE  }
0xb0: {  	s6 =	sor.u32 @!p0 $0x4000, s6;
	s5 =	simm.s32 @!p0 $0x1B8D  }
0xb1: {  	s4 =	sshll.u32 @!p0 s4, $0x11;
	s6 =	sadd.s32 @!p0 $0x11B8D, s6;
	_ =	swait.eq @!p0 [sflag:s5], $0x1  }
0xb2: {  	s4 =	sor.u32 @!p0 s4, s6;
	[sflag:s5] =	ssyncadd.s32 @!p0 $0xFFFFFFFF  }
0xb3: {  	s25 =	simm.s32 $0x1B8E;
	s24 =	sld [smem:$0x3FFE];
	[sflag:s4] =	ssyncadd.remote.s32 @!p0 $0x1  }
0xb4: {  	s26 =	simm.s32 $execute0_lowered;
	[smem:$0x3FD2] =	sst s25  }
0xb5: {  	s5 =	sshll.u32 s26, $0x1;
	_ =	strace $0x80000049;
	[dreg:$0x1] =	wrdreg $0xFFFFFFFF  }
0xb6: {  	s28 =	simm.s32 $_size_execute0_lowered;
	s3 =	sadd.s32 s3, s5;
	[dreg:$0x0] =	wrdreg $0x0  }
0xb7: {  	s5 =	sshll.u32 s28, $0x1;
	[dreg:$0x2] =	wrdreg s3  }
0xb8: {  	[dreg:$0x3] =	wrdreg s5  }
0xb9: {  	[dreg:$0x4] =	wrdreg $0xC0  }
0xba: {  	_ =	task [dreg:s22], $0x5FFFF  }
0xbb: {  	[dreg:$0x1] =	wrdreg $0xFFFFFFFF  }
0xbc: {  	[dreg:$0x0] =	wrdreg $0x60  }
0xbd: {  	[dreg:$0x2] =	wrdreg s24  }
0xbe: {  	[dreg:$0x3] =	wrdreg $0x88800  }
0xbf: {  	[dreg:$0x4] =	wrdreg $0x9  }
0xc0: {  	_ =	task.clear_ibuf [dreg:s22], $0x5FFFF;
	_ =	strace $0x90000049  }
0xc1: {  	s29 =	simm.s32 $0x9;
	_ =	strace $0x8000004B  }
0xc2: {  	_ =	swait.ge [sflag:s29], $0x1  }
0xc3: {  	[sflag:s29] =	ssyncadd.s32 $0xFFFFFFFF  }
0xc4: {  	_ =	strace $0x9000004B  }
0xc5: {  	_ =	sfence  }
0xc6: {  	s30 =	sld [smem:$0x0];
	_ =	sdelay $0x2  }
0xc7: {  	s31 =	sshll.u32 s1, $0xD;
	s1 =	sshrl.u32 s1, $0x2  }
0xc8: {  	s4 =	sand.u32 $0x4000, s31;
	s1 =	sadd.s32 s1, s30  }
0xc9: {  	s0 =	sor.u32 s4, s0;
	s1 =	sshll.u32 s1, $0x11  }
0xca: {  	s0 =	sor.u32 s1, s0  }
0xcb: {  	s0 =	sadd.s32 $0x8F2B, s0  }
0xcc: {  	[sflag:s0] =	ssyncadd.remote.s32 $0x1  }
0xcd: {  	_ =	sfence.sel $0xFFFF  }
0xce: {  	[dreg:$0x0] =	wrdreg $0xFFFFFFFF;
	(pc) =	sbr.abs _section_cstart, $3  }
0xcf: {  	[dreg:$0x1] =	wrdreg $0xFFFFFFFF  }
0xd0: {  	_ =	task.clear_ibuf [dreg:s22], $0x2FFFF;
	_ =	strace $0x9FFFFFFF  }
0xd1: {  	(tm) =	ssettm $0x7FFFFFFF  }
tec
execute0_lowered:
.L_overlay_start_1:
0x0: {  	(tag) =	ssettag $0x1  }
0x1: {  	s0 =	srdreg.scid;
	s5 =	rddreg [dreg:$0x0]  }
0x2: {  	s12 =	stileid.u32;
	s2 =	rddreg [dreg:$0x1]  }
0x3: {  	s3 =	simm.s32 $0x0;
	s13 =	simm.s32 $0x9;
	s15 =	simm.s32 $0x40  }
0x4: {  	s22 =	simm.s32 $0x80;
	s23 =	simm.s32 $0x100;
	s24 =	simm.s32 $0x180  }
0x5: {  	s25 =	simm.s32 $0x480;
	s26 =	simm.s32 $0x200;
	s28 =	simm.s32 $0x2  }
0x6: {  	s29 =	simm.s32 $0x280;
	s30 =	simm.s32 $0x3;
	s4 =	smul.u32 $0x140, s12  }
0x7: {  	s31 =	simm.s32 $0x500;
	s0 =	sand.u32 $0x1, s0;
	s6 =	smul.u32 $0x2800, s12  }
0x8: {  	[smem:$0x7FF] =	sst s3;
	s8 =	smul.u32 $0x50000, s12;
	s9 =	sadd.s32 $0x119600, s5  }
0x9: {  	s18 =	sshll.u32 s12, $0x6;
	_ =	strace $0x8000004A;
	[dreg:$0xa] =	wrdreg s9  }
0xa: {  	p0 =	seq.s32 s12, $0xF;
	s1 =	smul.u32 $0x1400, s0;
	[dreg:$0x5] =	wrdreg s22  }
0xb: {  	s16 =	ssub.s32 $0x2, s0;
	s0 =	sxor.u32 $0x1, s0;
	[dreg:$0x6] =	wrdreg s23  }
0xc: {  	s14 =	sor.u32 $0x1C09, s18;
	s18 =	simm.s32 $0x4800;
	[dreg:$0x7] =	wrdreg s24  }
0xd: {  	s22 =	simm.s32 $0x6;
	s23 =	simm.s32 $0x7;
	[dreg:$0x8] =	wrdreg s25  }
0xe: {  	[dreg:$0x9] =	wrdreg s26;
	s24 =	simm.s32 $0x8;
	s26 =	simm.s32 $0x1  }
0xf: {  	s25 =	simm.s32 $0x0;
	s7 =	sadd.s32 s6, s5;
	s11 =	smul.u32 $0x27100, s0  }
0x10: {  	s10 =	sshrl.u32 s16, $0x1;
	s8 =	sshrl.u32 s8, $0x2;
	s0 =	smul.u32 $0x138800, s0  }
0x11: {  	[dreg:$0xd] =	wrdreg s14;
	s1 =	sadd.s32 s4, s1;
	s4 =	sadd.s32 $0xCB400, s5  }
0x12: {  	s9 =	ssub.s32 s16, s10;
	s17 =	sadd.s32 s8, s2;
	s7 =	sadd.s32 $0x2D200, s7  }
0x13: {  	s16 =	simm.s32 $0x800;
	s10 =	simm.s32 $0x700;
	s1 =	sshll.u32 s1, $0x4  }
0x14: {  	s6 =	sadd.s32 s6, s11;
	[dreg:$0xc] =	wrdreg s7;
	s0 =	sshrl.u32 s0, $0x3  }
0x15: {  	s20 =	smax.u32 s9, $0x1;
	[dreg:$0xb] =	wrdreg s17;
	s21 =	sshrl.u32 s17, $0x3  }
0x16: {  	s17 =	simm.s32 $0x2800;
	s7 =	simm.s32 $0x380;
	s9 =	simm.s32 $0x600  }
0x17: {  	s11 =	simm.s32 $0x780;
	s1 =	sadd.s32 s1, s5;
	[dreg:$0x10] =	wrdreg s20  }
0x18: {  	s5 =	sadd.s32 $0x119800, s5;
	[dreg:$0x11] =	wrdreg s21;
	s20 =	simm.s32 $0x400  }
0x19: {  	s21 =	simm.s32 $0x5;
	s6 =	sadd.s32 s5, s6;
	s19 =	sadd.s32 $0x5200, s1  }
0x1a: {  	s0 =	sadd.s32 s5, s0;
	s1 =	sadd.s32 $0xA3400, s1;
	[dreg:$0xe] =	wrdreg s6  }
0x1b: {  	s5 =	simm.s32 $0x300;
	s6 =	sadd.s32 $0x12C000, s2;
	[dreg:$0x3] =	wrdreg s19  }
0x1c: {  	s0 =	sadd.s32 $0x25800, s0;
	[dreg:$0x4] =	wrdreg s1;
	s19 =	simm.s32 $0x6800  }
0x1d: {  	s1 =	simm.s32 $0x4;
	[dreg:$0xf] =	wrdreg s0;
	s0 =	sshrl.u32 @p0 s6, $0x3  }
0x1e: {  	s6 =	simm.s32 $0x680;
	[dreg:$0x12] =	wrdreg s0;
	s0 =	simm.s32 $0x580  }
.LBB2_1:
0x1f: {  	[dreg:$0x13] =	wrdreg s25  }
0x20: {  	s8 =	rddreg [dreg:$0xc]  }
0x21: {  	s12 =	rddreg [dreg:$0x11]  }
0x22: {  	[spmem:s12], [sflag:s14] =	dma.local [hbm:s8], $0x2800  }
0x23: {  	_ =	swait.ge [sflag:s13], $0x2800  }
0x24: {  	[sflag:s13] =	ssyncset.done $0x0  }
0x25: {  	s14 =	simm.s32 $0x8800;
	s12 =	rddreg [dreg:$0xa];
	[sflag:s13] =	ssyncadd.s32 $0xFFFFD800  }
0x26: {  	[tilespmem:s14], [sflag:$0x9] =	stream.linear.gather [hbm4b:s12+s3], $0x80, $0x38;
	[tilespmem:$0x1C880] =	vst v63  }
0x27: {  	_ =	swait.ge [sflag:s13], $0x80  }
0x28: {  	[sflag:s13] =	ssyncset.done $0x0  }
0x29: {  	[sflag:s13] =	ssyncadd.s32 $0xFFFFFF80  }
0x2a: {  	[bflag:$0x0] =	sbarrier.arrive $0xFFFF  }
0x2b: {  	[spmem:s2] =	stream.indirect.scatter.add.f32 [tilespmem:s16], [sflag:$0x5], $0x80, s14, s15, $0xb8;
	[tilespmem:$0x1C880] =	vst v63  }
0x2c: {  	_ = 	snop  }
0x2d: {  	[spmem:s2] =	stream.indirect.scatter.add.f32 [tilespmem:s17], [sflag:$0x6], $0x80, s14, s15, $0xb8;
	[tilespmem:$0x1C880] =	vst v63  }
0x2e: {  	_ = 	snop  }
0x2f: {  	[spmem:s2] =	stream.indirect.scatter.add.f32 [tilespmem:s18], [sflag:$0x7], $0x80, s14, s15, $0xb8;
	[tilespmem:$0x1C880] =	vst v63  }
0x30: {  	s25 =	rddreg [dreg:$0x4]  }
0x31: {  	[spmem:s2] =	stream.indirect.scatter.add.f32 [tilespmem:s19], [sflag:$0x8], $0x80, s14, s15, $0xb8;
	[tilespmem:$0x1C880] =	vst v63  }
0x32: {  	s14 =	sadd.s32 $0x0, s25  }
0x33: {  	[tilespmem:s3], [sflag:$0x9] =	stream.linear.gather [hbm4b:s14+s3], $0x400, $0x38;
	[tilespmem:$0x1C880] =	vst v63  }
0x34: {  	_ =	swait.ge [sflag:s13], $0x400  }
0x35: {  	s8 =	rddreg [dreg:$0x3];
	[sflag:s13] =	ssyncset.done $0x0  }
0x36: {  	[sflag:s13] =	ssyncadd.s32 $0xFFFFFC00;
	s14 =	sadd.s32 $0x0, s8  }
0x37: {  	[tilespmem:s20], [sflag:$0x9] =	stream.linear.gather [hbm4b:s14+s3], $0x400, $0x38;
	[tilespmem:$0x1C880] =	vst v63  }
0x38: {  	_ =	swait.ge [sflag:s13], $0x400  }
0x39: {  	[sflag:s13] =	ssyncset.done $0x0  }
0x3a: {  	[sflag:s13] =	ssyncadd.s32 $0xFFFFFC00  }
0x3b: {  	_ =	swait.ge [sflag:s21], $0x2000  }
0x3c: {  	[sflag:s21] =	ssyncset.done $0x0  }
0x3d: {  	[sflag:s21] =	ssyncadd.s32 $0xFFFFE000  }
0x3e: {  	[tilespmem:s16], [sflag:$0x1] =	stream.indirect.gather [hbm4b:s4+s15], $0x80, s3, s15, $0xb8;
	[tilespmem:$0x1C880] =	vst v63  }
0x3f: {  	_ =	swait.ge [sflag:s22], $0x2000  }
0x40: {  	[sflag:s22] =	ssyncset.done $0x0  }
0x41: {  	s12 =	rddreg [dreg:$0x5];
	[sflag:s22] =	ssyncadd.s32 $0xFFFFE000  }
0x42: {  	[tilespmem:s17], [sflag:$0x2] =	stream.indirect.gather [hbm4b:s4+s15], $0x80, s12, s15, $0xb8;
	[tilespmem:$0x1C880] =	vst v63  }
0x43: {  	_ =	swait.ge [sflag:s23], $0x2000  }
0x44: {  	[sflag:s23] =	ssyncset.done $0x0  }
0x45: {  	s25 =	rddreg [dreg:$0x6];
	[sflag:s23] =	ssyncadd.s32 $0xFFFFE000  }
0x46: {  	[tilespmem:s18], [sflag:$0x3] =	stream.indirect.gather [hbm4b:s4+s15], $0x80, s25, s15, $0xb8;
	[tilespmem:$0x1C880] =	vst v63  }
0x47: {  	_ =	swait.ge [sflag:s24], $0x2000  }
0x48: {  	[sflag:s24] =	ssyncset.done $0x0  }
0x49: {  	s8 =	rddreg [dreg:$0x7];
	[sflag:s24] =	ssyncadd.s32 $0xFFFFE000  }
0x4a: {  	[tilespmem:s19], [sflag:$0x4] =	stream.indirect.gather [hbm4b:s4+s15], $0x80, s8, s15, $0xb8;
	[tilespmem:$0x1C880] =	vst v63  }
0x4b: {  	_ =	swait.ge [sflag:s26], $0x2000  }
0x4c: {  	[sflag:s26] =	ssyncset.done $0x0  }
0x4d: {  	[sflag:s26] =	ssyncadd.s32 $0xFFFFE000  }
0x4e: {  	[spmem:s2] =	stream.indirect.scatter.add.f32 [tilespmem:s16], [sflag:$0x5], $0x80, s20, s15, $0xb8;
	[tilespmem:$0x1C880] =	vst v63  }
0x4f: {  	_ =	swait.ge [sflag:s28], $0x2000  }
0x50: {  	[sflag:s28] =	ssyncset.done $0x0  }
0x51: {  	s12 =	rddreg [dreg:$0x8];
	[sflag:s28] =	ssyncadd.s32 $0xFFFFE000  }
0x52: {  	[spmem:s2] =	stream.indirect.scatter.add.f32 [tilespmem:s17], [sflag:$0x6], $0x80, s12, s15, $0xb8;
	[tilespmem:$0x1C880] =	vst v63  }
0x53: {  	_ =	swait.ge [sflag:s21], $0x2000  }
0x54: {  	[sflag:s21] =	ssyncset.done $0x0  }
0x55: {  	s25 =	rddreg [dreg:$0x9];
	[sflag:s21] =	ssyncadd.s32 $0xFFFFE000  }
0x56: {  	[tilespmem:s16], [sflag:$0x1] =	stream.indirect.gather [hbm4b:s4+s15], $0x80, s25, s15, $0xb8;
	[tilespmem:$0x1C880] =	vst v63  }
0x57: {  	_ =	swait.ge [sflag:s22], $0x2000  }
0x58: {  	[sflag:s22] =	ssyncset.done $0x0  }
0x59: {  	[sflag:s22] =	ssyncadd.s32 $0xFFFFE000  }
0x5a: {  	[tilespmem:s17], [sflag:$0x2] =	stream.indirect.gather [hbm4b:s4+s15], $0x80, s29, s15, $0xb8;
	[tilespmem:$0x1C880] =	vst v63  }
0x5b: {  	_ =	swait.ge [sflag:s30], $0x2000  }
0x5c: {  	[sflag:s30] =	ssyncset.done $0x0  }
0x5d: {  	[sflag:s30] =	ssyncadd.s32 $0xFFFFE000  }
0x5e: {  	[spmem:s2] =	stream.indirect.scatter.add.f32 [tilespmem:s18], [sflag:$0x7], $0x80, s31, s15, $0xb8;
	[tilespmem:$0x1C880] =	vst v63  }
0x5f: {  	_ =	swait.ge [sflag:s1], $0x2000  }
0x60: {  	[sflag:s1] =	ssyncset.done $0x0  }
0x61: {  	[sflag:s1] =	ssyncadd.s32 $0xFFFFE000  }
0x62: {  	[spmem:s2] =	stream.indirect.scatter.add.f32 [tilespmem:s19], [sflag:$0x8], $0x80, s0, s15, $0xb8;
	[tilespmem:$0x1C880] =	vst v63  }
0x63: {  	_ =	swait.ge [sflag:s23], $0x2000  }
0x64: {  	[sflag:s23] =	ssyncset.done $0x0  }
0x65: {  	[sflag:s23] =	ssyncadd.s32 $0xFFFFE000  }
0x66: {  	[tilespmem:s18], [sflag:$0x3] =	stream.indirect.gather [hbm4b:s4+s15], $0x80, s5, s15, $0xb8;
	[tilespmem:$0x1C880] =	vst v63  }
0x67: {  	_ =	swait.ge [sflag:s24], $0x2000  }
0x68: {  	[sflag:s24] =	ssyncset.done $0x0  }
0x69: {  	[sflag:s24] =	ssyncadd.s32 $0xFFFFE000  }
0x6a: {  	[tilespmem:s19], [sflag:$0x4] =	stream.indirect.gather [hbm4b:s4+s15], $0x80, s7, s15, $0xb8;
	[tilespmem:$0x1C880] =	vst v63  }
0x6b: {  	_ =	swait.ge [sflag:s26], $0x2000  }
0x6c: {  	[sflag:s26] =	ssyncset.done $0x0  }
0x6d: {  	[sflag:s26] =	ssyncadd.s32 $0xFFFFE000  }
0x6e: {  	[spmem:s2] =	stream.indirect.scatter.add.f32 [tilespmem:s16], [sflag:$0x5], $0x80, s9, s15, $0xb8;
	[tilespmem:$0x1C880] =	vst v63  }
0x6f: {  	_ =	swait.ge [sflag:s28], $0x2000  }
0x70: {  	[sflag:s28] =	ssyncset.done $0x0  }
0x71: {  	[sflag:s28] =	ssyncadd.s32 $0xFFFFE000  }
0x72: {  	[spmem:s2] =	stream.indirect.scatter.add.f32 [tilespmem:s17], [sflag:$0x6], $0x80, s6, s15, $0xb8;
	[tilespmem:$0x1C880] =	vst v63  }
0x73: {  	_ =	swait.ge [sflag:s30], $0x2000  }
0x74: {  	[sflag:s30] =	ssyncset.done $0x0  }
0x75: {  	[sflag:s30] =	ssyncadd.s32 $0xFFFFE000  }
0x76: {  	[spmem:s2] =	stream.indirect.scatter.add.f32 [tilespmem:s18], [sflag:$0x7], $0x80, s10, s15, $0xb8;
	[tilespmem:$0x1C880] =	vst v63  }
0x77: {  	s25 =	simm.s32 $0x80;
	_ =	swait.ge [sflag:s1], $0x2000  }
.LBB2_2:
0x78: {  	[sflag:s1] =	ssyncset.done $0x0  }
0x79: {  	s8 =	rddreg [dreg:$0x4];
	s12 =	smov.u32 s25;
	[sflag:s1] =	ssyncadd.s32 $0xFFFFE000  }
0x7a: {  	[spmem:s2] =	stream.indirect.scatter.add.f32 [tilespmem:s19], [sflag:$0x8], $0x80, s11, s15, $0xb8;
	[tilespmem:$0x1C880] =	vst v63  }
0x7b: {  	s8 =	sadd.s32 s12, s8  }
0x7c: {  	[tilespmem:s3], [sflag:$0x9] =	stream.linear.gather [hbm4b:s8+s3], $0x400, $0x38;
	[tilespmem:$0x1C880] =	vst v63  }
0x7d: {  	s14 =	sadd.s32 $0x80, s25;
	_ =	swait.ge [sflag:s13], $0x400  }
0x7e: {  	p1 =	sne.s32 s25, $0x1380;
	s25 =	rddreg [dreg:$0x3];
	[sflag:s13] =	ssyncset.done $0x0  }
0x7f: {  	[sflag:s13] =	ssyncadd.s32 $0xFFFFFC00;
	s8 =	sadd.s32 s12, s25  }
0x80: {  	[tilespmem:s20], [sflag:$0x9] =	stream.linear.gather [hbm4b:s8+s3], $0x400, $0x38;
	[tilespmem:$0x1C880] =	vst v63  }
0x81: {  	_ =	swait.ge [sflag:s13], $0x400  }
0x82: {  	[sflag:s13] =	ssyncset.done $0x0  }
0x83: {  	[sflag:s13] =	ssyncadd.s32 $0xFFFFFC00  }
0x84: {  	_ =	swait.ge [sflag:s21], $0x2000  }
0x85: {  	[sflag:s21] =	ssyncset.done $0x0  }
0x86: {  	[sflag:s21] =	ssyncadd.s32 $0xFFFFE000  }
0x87: {  	[tilespmem:s16], [sflag:$0x1] =	stream.indirect.gather [hbm4b:s4+s15], $0x80, s3, s15, $0xb8;
	[tilespmem:$0x1C880] =	vst v63  }
0x88: {  	_ =	swait.ge [sflag:s22], $0x2000  }
0x89: {  	[sflag:s22] =	ssyncset.done $0x0  }
0x8a: {  	s25 =	rddreg [dreg:$0x5];
	[sflag:s22] =	ssyncadd.s32 $0xFFFFE000  }
0x8b: {  	[tilespmem:s17], [sflag:$0x2] =	stream.indirect.gather [hbm4b:s4+s15], $0x80, s25, s15, $0xb8;
	[tilespmem:$0x1C880] =	vst v63  }
0x8c: {  	_ =	swait.ge [sflag:s23], $0x2000  }
0x8d: {  	[sflag:s23] =	ssyncset.done $0x0  }
0x8e: {  	s12 =	rddreg [dreg:$0x6];
	[sflag:s23] =	ssyncadd.s32 $0xFFFFE000  }
0x8f: {  	[tilespmem:s18], [sflag:$0x3] =	stream.indirect.gather [hbm4b:s4+s15], $0x80, s12, s15, $0xb8;
	[tilespmem:$0x1C880] =	vst v63  }
0x90: {  	_ =	swait.ge [sflag:s24], $0x2000  }
0x91: {  	[sflag:s24] =	ssyncset.done $0x0  }
0x92: {  	s25 =	rddreg [dreg:$0x7];
	[sflag:s24] =	ssyncadd.s32 $0xFFFFE000  }
0x93: {  	[tilespmem:s19], [sflag:$0x4] =	stream.indirect.gather [hbm4b:s4+s15], $0x80, s25, s15, $0xb8;
	[tilespmem:$0x1C880] =	vst v63  }
0x94: {  	_ =	swait.ge [sflag:s26], $0x2000  }
0x95: {  	[sflag:s26] =	ssyncset.done $0x0  }
0x96: {  	[sflag:s26] =	ssyncadd.s32 $0xFFFFE000  }
0x97: {  	[spmem:s2] =	stream.indirect.scatter.add.f32 [tilespmem:s16], [sflag:$0x5], $0x80, s20, s15, $0xb8;
	[tilespmem:$0x1C880] =	vst v63  }
0x98: {  	_ =	swait.ge [sflag:s28], $0x2000  }
0x99: {  	[sflag:s28] =	ssyncset.done $0x0  }
0x9a: {  	s12 =	rddreg [dreg:$0x8];
	[sflag:s28] =	ssyncadd.s32 $0xFFFFE000  }
0x9b: {  	[spmem:s2] =	stream.indirect.scatter.add.f32 [tilespmem:s17], [sflag:$0x6], $0x80, s12, s15, $0xb8;
	[tilespmem:$0x1C880] =	vst v63  }
0x9c: {  	_ =	swait.ge [sflag:s21], $0x2000  }
0x9d: {  	[sflag:s21] =	ssyncset.done $0x0  }
0x9e: {  	s25 =	rddreg [dreg:$0x9];
	[sflag:s21] =	ssyncadd.s32 $0xFFFFE000  }
0x9f: {  	[tilespmem:s16], [sflag:$0x1] =	stream.indirect.gather [hbm4b:s4+s15], $0x80, s25, s15, $0xb8;
	[tilespmem:$0x1C880] =	vst v63  }
0xa0: {  	_ =	swait.ge [sflag:s22], $0x2000  }
0xa1: {  	[sflag:s22] =	ssyncset.done $0x0  }
0xa2: {  	[sflag:s22] =	ssyncadd.s32 $0xFFFFE000  }
0xa3: {  	[tilespmem:s17], [sflag:$0x2] =	stream.indirect.gather [hbm4b:s4+s15], $0x80, s29, s15, $0xb8;
	[tilespmem:$0x1C880] =	vst v63  }
0xa4: {  	_ =	swait.ge [sflag:s30], $0x2000  }
0xa5: {  	[sflag:s30] =	ssyncset.done $0x0  }
0xa6: {  	[sflag:s30] =	ssyncadd.s32 $0xFFFFE000  }
0xa7: {  	[spmem:s2] =	stream.indirect.scatter.add.f32 [tilespmem:s18], [sflag:$0x7], $0x80, s31, s15, $0xb8;
	[tilespmem:$0x1C880] =	vst v63  }
0xa8: {  	_ =	swait.ge [sflag:s1], $0x2000  }
0xa9: {  	[sflag:s1] =	ssyncset.done $0x0  }
0xaa: {  	[sflag:s1] =	ssyncadd.s32 $0xFFFFE000  }
0xab: {  	[spmem:s2] =	stream.indirect.scatter.add.f32 [tilespmem:s19], [sflag:$0x8], $0x80, s0, s15, $0xb8;
	[tilespmem:$0x1C880] =	vst v63  }
0xac: {  	_ =	swait.ge [sflag:s23], $0x2000  }
0xad: {  	[sflag:s23] =	ssyncset.done $0x0  }
0xae: {  	[sflag:s23] =	ssyncadd.s32 $0xFFFFE000  }
0xaf: {  	[tilespmem:s18], [sflag:$0x3] =	stream.indirect.gather [hbm4b:s4+s15], $0x80, s5, s15, $0xb8;
	[tilespmem:$0x1C880] =	vst v63  }
0xb0: {  	_ =	swait.ge [sflag:s24], $0x2000  }
0xb1: {  	[sflag:s24] =	ssyncset.done $0x0  }
0xb2: {  	[sflag:s24] =	ssyncadd.s32 $0xFFFFE000  }
0xb3: {  	[tilespmem:s19], [sflag:$0x4] =	stream.indirect.gather [hbm4b:s4+s15], $0x80, s7, s15, $0xb8;
	[tilespmem:$0x1C880] =	vst v63  }
0xb4: {  	_ =	swait.ge [sflag:s26], $0x2000  }
0xb5: {  	[sflag:s26] =	ssyncset.done $0x0  }
0xb6: {  	[sflag:s26] =	ssyncadd.s32 $0xFFFFE000  }
0xb7: {  	[spmem:s2] =	stream.indirect.scatter.add.f32 [tilespmem:s16], [sflag:$0x5], $0x80, s9, s15, $0xb8;
	[tilespmem:$0x1C880] =	vst v63  }
0xb8: {  	_ =	swait.ge [sflag:s28], $0x2000  }
0xb9: {  	[sflag:s28] =	ssyncset.done $0x0  }
0xba: {  	[sflag:s28] =	ssyncadd.s32 $0xFFFFE000  }
0xbb: {  	[spmem:s2] =	stream.indirect.scatter.add.f32 [tilespmem:s17], [sflag:$0x6], $0x80, s6, s15, $0xb8;
	[tilespmem:$0x1C880] =	vst v63  }
.Ltmp0:
0xbc: {  	_ =	swait.ge [sflag:s30], $0x2000;
	(pc) =	sbr.rel @p1 .LBB2_2-.Ltmp0, $4  }
0xbd: {  	[sflag:s30] =	ssyncset.done $0x0  }
0xbe: {  	[sflag:s30] =	ssyncadd.s32 $0xFFFFE000  }
0xbf: {  	[spmem:s2] =	stream.indirect.scatter.add.f32 [tilespmem:s18], [sflag:$0x7], $0x80, s10, s15, $0xb8;
	[tilespmem:$0x1C880] =	vst v63  }
0xc0: {  	s25 =	smov.u32 s14;
	_ =	swait.ge [sflag:s1], $0x2000  }
0xc1: {  	[sflag:s1] =	ssyncset.done $0x0  }
0xc2: {  	[sflag:s1] =	ssyncadd.s32 $0xFFFFE000  }
0xc3: {  	[spmem:s2] =	stream.indirect.scatter.add.f32 [tilespmem:s19], [sflag:$0x8], $0x80, s11, s15, $0xb8;
	[tilespmem:$0x1C880] =	vst v63  }
0xc4: {  	_ =	swait.ge [sflag:s21], $0x2000  }
0xc5: {  	[sflag:s21] =	ssyncset.done $0x0  }
0xc6: {  	[sflag:s21] =	ssyncadd.s32 $0xFFFFE000  }
0xc7: {  	_ =	swait.ge [sflag:s22], $0x2000  }
0xc8: {  	[sflag:s22] =	ssyncset.done $0x0  }
0xc9: {  	[sflag:s22] =	ssyncadd.s32 $0xFFFFE000  }
0xca: {  	_ =	swait.ge [sflag:s23], $0x2000  }
0xcb: {  	[sflag:s23] =	ssyncset.done $0x0  }
0xcc: {  	[sflag:s23] =	ssyncadd.s32 $0xFFFFE000  }
0xcd: {  	_ =	swait.ge [sflag:s24], $0x2000  }
0xce: {  	[sflag:s24] =	ssyncset.done $0x0  }
0xcf: {  	[sflag:s24] =	ssyncadd.s32 $0xFFFFE000  }
0xd0: {  	[bflag:$0x0] =	sbarrier.arrive $0xFFFF  }
0xd1: {  	s14 =	rddreg [dreg:$0xd]  }
0xd2: {  	s8 =	rddreg [dreg:$0xf]  }
0xd3: {  	s12 =	rddreg [dreg:$0x12]  }
0xd4: {  	[hbm:s8], [sflag:s14] =	dma.local @p0 [spmem:s12], $0x1900  }
0xd5: {  	s8 =	simm.s32 @p0 $0x9  }
0xd6: {  	_ =	swait.ge @p0 [sflag:s8], $0x1900  }
0xd7: {  	[sflag:s8] =	ssyncset.done @p0 $0x0  }
0xd8: {  	[sflag:s8] =	ssyncadd.s32 @p0 $0xFFFFE700;
	s8 =	rddreg [dreg:$0xb]  }
0xd9: {  	s12 =	rddreg [dreg:$0xe];
	s8 =	sshrl.u32 @!p0 s8, $0x3  }
0xda: {  	[hbm:s12], [sflag:s14] =	dma.local @!p0 [spmem:s8], $0x2800  }
0xdb: {  	s8 =	simm.s32 @!p0 $0x9  }
0xdc: {  	_ =	swait.ge @!p0 [sflag:s8], $0x2800  }
0xdd: {  	s25 =	rddreg [dreg:$0x13]  }
0xde: {  	s12 =	rddreg [dreg:$0x10];
	s25 =	sadd.s32 $0x1, s25  }
0xdf: {  	p1 =	sne.s32 s25, s12  }
.Ltmp1:
0xe0: {  	_ = 	snop;
	(pc) =	sbr.rel @p1 .LBB2_1-.Ltmp1, $3  }
0xe1: {  	_ =	sdelay $0x1  }
0xe2: {  	[sflag:s8] =	ssyncset.done @!p0 $0x0  }
0xe3: {  	[sflag:s8] =	ssyncadd.s32 @!p0 $0xFFFFD800  }
0xe4: {  	_ =	sfence.sel $0x180000  }
0xe5: {  	[bflag:$0x0] =	sbarrier.arrive $0xFFFF  }
0xe6: {  	_ =	strace $0x9000004A  }
0xe7: {  	s0 =	stileid.u32;
	[bflag:$0x2] =	sbarrier.arrive $0xFFFF  }
0xe8: {  	p0 =	sne.s32 s0, $0x0;
	s0 =	rddreg [dreg:$0x2]  }
0xe9: {  	s0 =	sadd.s32 @!p0 $0x100000, s0  }
0xea: {  	[sflag:s0] =	ssyncadd.tile.s32 @!p0 $0x1;
	_ =	shalt  }
.Lfunc_end2:
_tile_overlayer_lowered:
.L_overlay_start_2:
0xeb: {  	(tag) =	ssettag $0x2  }
0xec: {  	s0 =	rddreg [dreg:$0x0];
	s2 =	stileid.u32  }
0xed: {  	s1 =	rddreg [dreg:$0x1];
	p0 =	sne.s32 s2, $0x0  }
0xee: {  	s3 =	rddreg [dreg:$0x2];
	[bflag:$0x3] =	sbarrier.arrive $0xFFFF;
	s2 =	simm.s32 @!p0 $0x1C09  }
0xef: {  	[timem:s3], [sflag:s2] =	dma.local @!p0 [hbm:s0], s1  }
0xf0: {  	s0 =	simm.s32 @!p0 $0x9  }
0xf1: {  	_ =	swait.ge @!p0 [sflag:s0], s1  }
0xf2: {  	s1 =	ssub.s32 @!p0 $0x0, s1;
	[sflag:s0] =	ssyncset.done @!p0 $0x0  }
0xf3: {  	[sflag:s0] =	ssyncadd.s32 @!p0 s1  }
0xf4: {  	[bflag:$0x3] =	sbarrier.arrive $0xFFFF  }
0xf5: {  	_ =	shalt  }

// kernel: kernel.13.cloned.1.call-start
scs
__scs_entry_jumppad:
0x0: {  	(pc) =	sbr.rel $0x88, $3  }
0x1: {  	(tag) =	ssettag $0x0;
	lr =	simm.s32 $0x1  }
0x2: {  	[smem:$0x3F8B] =	sst lr;
	_ =	strace $0xD0000000  }
0x3: {  	_ = 	snop  }
0x4: {  	_ = 	snop  }
0x5: {  	_ = 	snop  }
0x6: {  	_ = 	snop  }
0x7: {  	_ = 	snop  }
__scs_overlays_trampoline_lowered:
0x8: {  	[smem:$0x3F9A] =	sst s0  }
0x9: {  	[smem:$0x3F9B] =	sst s1  }
0xa: {  	[smem:$0x3F9C] =	sst s2  }
0xb: {  	[smem:$0x3F9D] =	sst s3  }
0xc: {  	[smem:$0x3F9E] =	sst s4  }
0xd: {  	[smem:$0x3F9F] =	sst s5  }
0xe: {  	[smem:$0x3FA0] =	sst s6  }
0xf: {  	[smem:$0x3FA1] =	sst s7  }
0x10: {  	[smem:$0x3FA2] =	sst s8  }
0x11: {  	[smem:$0x3FA3] =	sst s9;
	s0 =	simm.s32 @!p0 $0x0  }
0x12: {  	s1 =	sld [smem:$0x3F89];
	s0 =	simm.s32 @p0 $0x1  }
0x13: {  	[smem:$0x3FA4] =	sst s0;
	s0 =	simm.s32 @!p1 $0x0  }
0x14: {  	s2 =	sld [smem:$0x3F88];
	s0 =	simm.s32 @p1 $0x1  }
0x15: {  	[smem:$0x3FA5] =	sst s0;
	s0 =	simm.s32 @!p2 $0x0  }
0x16: {  	s3 =	sld [smem:$0x3FDB];
	s0 =	simm.s32 @p2 $0x1  }
0x17: {  	s4 =	simm.s32 $0x1BF5;
	[smem:$0x3FA7] =	sst s0  }
0x18: {  	s0 =	sld [smem:$0x3F8A];
	_ =	swait.ge [sflag:s4], $0x0  }
0x19: {  	s7 =	sld [smem:$0x3F8B]  }
0x1a: {  	s8 =	sadd.s32 $0xFFFFE003, lr  }
0x1b: {  	s9 =	sadd.s32 $0xFFFFFEF7, lr;
	s5 =	simm.s32 $0xFFFFFFFF;
	p2 =	slt.u32 s8, $0xFFFFF086  }
0x1c: {  	p1 =	slt.u32 s9, $0xF7A;
	s5 =	simm.s32 @!p2 $0x0  }
0x1d: {  	s5 =	simm.s32 @p1 $0x1;
	p0 =	seq.s32 s7, s2  }
0x1e: {  	s7 =	smul.u32 @!p0 $0xF7A, s2;
	p2 =	seq.s32 @!p0 s5, $0x0  }
0x1f: {  	s9 =	smul.u32 $0xF7A, s1;
	s8 =	simm.s32 @!p0 $0x1BF5;
	p2 =	por !p2, p0  }
0x20: {  	[sflag:s8] =	ssyncset.s32 @!p0 $0xFFFFF086;
	s6 =	sadd.s32 @!p0 s3, s7;
	s7 =	simm.s32 @!p0 $0x108  }
0x21: {  	s3 =	sadd.s32 s3, s9;
	s6 =	sadd.s32 @!p0 $0x88, s6;
	s7 =	simm.s32 @p2 $0x1082  }
0x22: {  	[simem:s7], [sflag:s8] =	dma.local @!p0 [hbm:s6], $0xF7A  }
0x23: {  	s9 =	sor.u32 $0xD0000000, s2;
	s6 =	simm.s32 $0x108;
	_ =	swait.ge @!p0 [sflag:s8], $0x0  }
0x24: {  	s3 =	sadd.s32 $0x88, s3;
	s6 =	simm.s32 @!p1 $0x1082;
	[sflag:s4] =	ssyncset.s32 $0xFFFFF086  }
0x25: {  	[simem:s6], [sflag:s4] =	dma.local [hbm:s3], $0xF7A  }
0x26: {  	[smem:$0x3F8B] =	sst s1;
	(tag) =	ssettag s2;
	_ =	strace s9  }
0x27: {  	s1 =	sld [smem:$0x3F9B]  }
0x28: {  	s2 =	sld [smem:$0x3F9C]  }
0x29: {  	s4 =	sld [smem:$0x3F9E]  }
0x2a: {  	p0 =	seq.s32 s5, $0x0;
	s5 =	sld [smem:$0x3F9F]  }
0x2b: {  	s6 =	sld [smem:$0x3FA0]  }
0x2c: {  	s7 =	sld [smem:$0x3FA1]  }
0x2d: {  	s3 =	simm.s32 $0x108;
	s8 =	sld [smem:$0x3FA2]  }
0x2e: {  	s3 =	simm.s32 @!p0 $0x1082;
	s9 =	sld [smem:$0x3FA3]  }
0x2f: {  	lr =	sadd.s32 s0, s3;
	s0 =	sld [smem:$0x3F9A]  }
0x30: {  	s3 =	sld [smem:$0x3F9D]  }
0x31: {  	[smem:$0x3FA6] =	sst s10  }
0x32: {  	s10 =	sld [smem:$0x3FA4];
	_ =	sdelay $0x3  }
0x33: {  	p0 =	seq.s32 s10, $0x1;
	s10 =	sld [smem:$0x3FA6];
	_ =	sdelay $0x3  }
0x34: {  	[smem:$0x3FA6] =	sst s10  }
0x35: {  	s10 =	sld [smem:$0x3FA5];
	_ =	sdelay $0x3  }
0x36: {  	p1 =	seq.s32 s10, $0x1;
	s10 =	sld [smem:$0x3FA6];
	_ =	sdelay $0x3  }
0x37: {  	[smem:$0x3FA6] =	sst s10  }
0x38: {  	s10 =	sld [smem:$0x3FA7]  }
0x39: {  	_ = 	snop;
	(pc) =	sbr.ind lr, $3  }
0x3a: {  	_ = 	snop  }
0x3b: {  	_ = 	snop  }
0x3c: {  	p2 =	seq.s32 s10, $0x1;
	s10 =	sld [smem:$0x3FA6]  }
0x3d: {  	_ =	shalt  }
0x3e: {  	_ =	shalt  }
0x3f: {  	_ =	shalt  }
0x40: {  	_ =	shalt  }
0x41: {  	_ =	shalt  }
0x42: {  	_ =	shalt  }
0x43: {  	_ =	shalt  }
0x44: {  	_ =	shalt  }
0x45: {  	_ =	shalt  }
0x46: {  	_ =	shalt  }
0x47: {  	_ =	shalt  }
0x48: {  	_ =	shalt  }
0x49: {  	_ =	shalt  }
0x4a: {  	_ =	shalt  }
0x4b: {  	_ =	shalt  }
0x4c: {  	_ =	shalt  }
0x4d: {  	_ =	shalt  }
0x4e: {  	_ =	shalt  }
0x4f: {  	_ =	shalt  }
0x50: {  	_ =	shalt  }
0x51: {  	_ =	shalt  }
0x52: {  	_ =	shalt  }
0x53: {  	_ =	shalt  }
0x54: {  	_ =	shalt  }
0x55: {  	_ =	shalt  }
0x56: {  	_ =	shalt  }
0x57: {  	_ =	shalt  }
0x58: {  	_ =	shalt  }
0x59: {  	_ =	shalt  }
0x5a: {  	_ =	shalt  }
0x5b: {  	_ =	shalt  }
0x5c: {  	_ =	shalt  }
0x5d: {  	_ =	shalt  }
0x5e: {  	_ =	shalt  }
0x5f: {  	_ =	shalt  }
0x60: {  	_ =	shalt  }
0x61: {  	_ =	shalt  }
0x62: {  	_ =	shalt  }
0x63: {  	_ =	shalt  }
0x64: {  	_ =	shalt  }
0x65: {  	_ =	shalt  }
0x66: {  	_ =	shalt  }
0x67: {  	_ =	shalt  }
0x68: {  	_ =	shalt  }
0x69: {  	_ =	shalt  }
0x6a: {  	_ =	shalt  }
0x6b: {  	_ =	shalt  }
0x6c: {  	_ =	shalt  }
0x6d: {  	_ =	shalt  }
0x6e: {  	_ =	shalt  }
0x6f: {  	_ =	shalt  }
0x70: {  	_ =	shalt  }
0x71: {  	_ =	shalt  }
0x72: {  	_ =	shalt  }
0x73: {  	_ =	shalt  }
0x74: {  	_ =	shalt  }
0x75: {  	_ =	shalt  }
0x76: {  	_ =	shalt  }
0x77: {  	_ =	shalt  }
0x78: {  	_ =	shalt  }
0x79: {  	_ =	shalt  }
0x7a: {  	_ =	shalt  }
0x7b: {  	_ =	shalt  }
0x7c: {  	_ =	shalt  }
0x7d: {  	_ =	shalt  }
0x7e: {  	_ =	shalt  }
0x7f: {  	_ =	shalt  }
0x80: {  	_ =	shalt  }
0x81: {  	_ =	shalt  }
0x82: {  	_ =	shalt  }
0x83: {  	_ =	shalt  }
0x84: {  	_ =	shalt  }
0x85: {  	_ =	shalt  }
0x86: {  	_ =	shalt  }
0x87: {  	_ =	shalt  }
.Lfunc_end0:
.L_simem_size_0:
called_computation.1_lowered:
.L_overlay_start_0:
0x88: {  	s2 =	sld [smem:$0x3FD9]  }
0x89: {  	s3 =	sld [smem:$0x3FFE];
	_ =	sdelay $0x1  }
0x8a: {  	s1 =	srdreg.scid  }
0x8b: {  	s0 =	sand.u32 $0x1, s1  }
0x8c: {  	s17 =	sshll.u32 s0, $0xA;
	s2 =	sadd.s32 s3, s2  }
0x8d: {  	s2 =	sadd.s32 s2, s17  }
0x8e: {  	[smem:$0x3FB2] =	sst s2  }
0x8f: {  	_ = 	snop  }
0x90: {  	s2 =	sld [smem:$0x3FD0];
	(tm) =	ssettm $0x1  }
0x91: {  	s18 =	sld [smem:$0x3FFB];
	_ =	sdelay $0x3  }
0x92: {  	_ =	strace s18  }
0x93: {  	s3 =	sld [smem:$0x3FFC];
	_ =	sdelay $0x3  }
0x94: {  	_ =	strace s3  }
0x95: {  	s3 =	sld [smem:$0x3FFD];
	_ =	sdelay $0x3  }
0x96: {  	_ =	strace s3  }
0x97: {  	_ =	strace $0x8FFFFFFF  }
0x98: {  	s19 =	sld [smem:$0x3FDB];
	_ =	sdelay $0x1  }
0x99: {  	s4 =	simm.s32 $_scs_section_size  }
0x9a: {  	s5 =	simm.s32 $_size__tile_overlayer_lowered;
	s6 =	simm.s32 $_tile_overlayer_lowered  }
0x9b: {  	s22 =	simm.s32 $0x1BFF;
	s21 =	sshll.u32 s6, $0x1;
	s3 =	sadd.s32 s4, s19  }
0x9c: {  	s7 =	simm.s32 $0x0;
	s20 =	sshll.u32 s5, $0x1;
	s5 =	sadd.s32 s21, s3  }
0x9d: {  	[timem:s7], [sflag:s22] =	dma.local [hbm:s5], s20  }
0x9e: {  	_ =	swait.ge [sflag:s22], s20  }
0x9f: {  	s4 =	ssub.s32 $0x0, s20;
	[sflag:s22] =	ssyncset.done $0x0  }
0xa0: {  	[sflag:s22] =	ssyncadd.s32 s4;
	_ =	sdelay $0x1  }
0xa1: {  	s23 =	simm.s32 $0x1B8B  }
0xa2: {  	_ =	swait.ge [sflag:s23], $0x1  }
0xa3: {  	[sflag:s23] =	ssyncset.done $0x0  }
0xa4: {  	s25 =	simm.s32 $0x1B8E;
	s24 =	sld [smem:$0x3FFE];
	[sflag:s23] =	ssyncadd.s32 $0xFFFFFFFF  }
0xa5: {  	s26 =	simm.s32 $execute0_lowered;
	[smem:$0x3FD2] =	sst s25  }
0xa6: {  	s5 =	sshll.u32 s26, $0x1;
	_ =	strace $0x80000046;
	[dreg:$0x1] =	wrdreg $0xFFFFFFFF  }
0xa7: {  	s28 =	simm.s32 $_size_execute0_lowered;
	s3 =	sadd.s32 s3, s5;
	[dreg:$0x0] =	wrdreg $0x0  }
0xa8: {  	s5 =	sshll.u32 s28, $0x1;
	[dreg:$0x2] =	wrdreg s3  }
0xa9: {  	[dreg:$0x3] =	wrdreg s5  }
0xaa: {  	[dreg:$0x4] =	wrdreg $0xC0  }
0xab: {  	_ =	task [dreg:s7], $0x5FFFF  }
0xac: {  	[dreg:$0x1] =	wrdreg $0xFFFFFFFF  }
0xad: {  	[dreg:$0x0] =	wrdreg $0x60  }
0xae: {  	[dreg:$0x2] =	wrdreg s24  }
0xaf: {  	[dreg:$0x3] =	wrdreg s2  }
0xb0: {  	[dreg:$0x4] =	wrdreg $0x24000  }
0xb1: {  	[dreg:$0x5] =	wrdreg $0xA  }
0xb2: {  	_ =	task.clear_ibuf [dreg:s7], $0x6FFFF;
	_ =	strace $0x90000046  }
0xb3: {  	s29 =	simm.s32 $0xA;
	_ =	strace $0x80000048  }
0xb4: {  	_ =	swait.ge [sflag:s29], $0x1  }
0xb5: {  	[sflag:s29] =	ssyncadd.s32 $0xFFFFFFFF  }
0xb6: {  	_ =	strace $0x90000048  }
0xb7: {  	_ =	sfence  }
0xb8: {  	s30 =	sld [smem:$0x0];
	_ =	sdelay $0x2  }
0xb9: {  	s31 =	sshll.u32 s1, $0xD;
	s1 =	sshrl.u32 s1, $0x2  }
0xba: {  	s3 =	sand.u32 $0x4000, s31;
	s1 =	sadd.s32 s1, s30  }
0xbb: {  	s0 =	sor.u32 s3, s0;
	s1 =	sshll.u32 s1, $0x11  }
0xbc: {  	s0 =	sor.u32 s1, s0  }
0xbd: {  	s0 =	sadd.s32 $0x8F2B, s0  }
0xbe: {  	[sflag:s0] =	ssyncadd.remote.s32 $0x1  }
0xbf: {  	_ =	sfence.sel $0xFFFF  }
0xc0: {  	[dreg:$0x0] =	wrdreg $0xFFFFFFFF;
	(pc) =	sbr.abs _section_cstart, $3  }
0xc1: {  	[dreg:$0x1] =	wrdreg $0xFFFFFFFF  }
0xc2: {  	_ =	task.clear_ibuf [dreg:s7], $0x2FFFF;
	_ =	strace $0x9FFFFFFF  }
0xc3: {  	(tm) =	ssettm $0x7FFFFFFF  }
tec
execute0_lowered:
.L_overlay_start_1:
0x0: {  	(tag) =	ssettag $0x1  }
0x1: {  	s5 =	rddreg [dreg:$0x0]  }
0x2: {  	s2 =	rddreg [dreg:$0x1]  }
0x3: {  	s3 =	rddreg [dreg:$0x2]  }
0x4: {  	s0 =	srdreg.scid;
	s1 =	rddreg [dreg:$0x3]  }
0x5: {  	s4 =	simm.s32 $0x0;
	s15 =	simm.s32 $0x40;
	s16 =	simm.s32 $0x80  }
0x6: {  	s17 =	simm.s32 $0x100;
	s18 =	simm.s32 $0x180;
	s19 =	simm.s32 $0x200  }
0x7: {  	s20 =	simm.s32 $0x280;
	s21 =	simm.s32 $0x300;
	s6 =	sand.u32 $0x1, s0  }
0x8: {  	s22 =	simm.s32 $0x380;
	s0 =	stileid.u32;
	s7 =	smul.u32 $0x1400, s6  }
0x9: {  	s23 =	simm.s32 $0x1;
	[smem:$0x7FF] =	sst s4;
	s8 =	smul.u32 $0x140, s0  }
0xa: {  	s12 =	sadd.s32 $0x55200, s5;
	s24 =	sadd.s32 $0x12C000, s3;
	s25 =	smul.u32 $0x2800, s0  }
0xb: {  	s9 =	ssub.s32 $0x2, s6;
	s10 =	smul.u32 $0x50000, s0;
	s6 =	sxor.u32 $0x1, s6  }
0xc: {  	_ =	strace $0x80000047;
	s31 =	sshll.u32 s0, $0x6;
	s13 =	smul.u32 $0x27100, s6  }
0xd: {  	p0 =	seq.s32 s0, $0xF;
	s28 =	sshrl.u32 s9, $0x1;
	s30 =	smul.u32 $0x138800, s6  }
0xe: {  	s24 =	sshrl.u32 @p0 s24, $0x3;
	s7 =	sadd.s32 s8, s7;
	s26 =	sadd.s32 s25, s5  }
0xf: {  	s14 =	ssub.s32 s9, s28;
	s29 =	sshrl.u32 s10, $0x2;
	s7 =	sshll.u32 s7, $0x4  }
0x10: {  	s6 =	sadd.s32 $0x2D200, s26;
	s8 =	sadd.s32 s25, s13;
	s9 =	sshrl.u32 s30, $0x3  }
0x11: {  	s10 =	smax.u32 s14, $0x1;
	s13 =	simm.s32 $0x2;
	s14 =	simm.s32 $0x400  }
0x12: {  	s25 =	simm.s32 $0x0;
	s11 =	sadd.s32 s7, s5;
	s5 =	sadd.s32 s29, s3  }
0x13: {  	s7 =	sor.u32 $0x1C02, s31;
	s8 =	sadd.s32 s12, s8;
	s9 =	sadd.s32 s12, s9  }
0x14: {  	s9 =	sadd.s32 $0x25800, s9;
	s11 =	sadd.s32 $0x5200, s11;
	s12 =	sshrl.u32 s5, $0x3  }
.LBB2_1:
0x15: {  	[spmem:s12], [sflag:s7] =	dma.local [hbm:s6], $0x2800  }
0x16: {  	_ =	swait.ge [sflag:s13], $0x2800  }
0x17: {  	[sflag:s13] =	ssyncset.done $0x0  }
0x18: {  	[sflag:s13] =	ssyncadd.s32 $0xFFFFD800  }
0x19: {  	[tilespmem:s14], [sflag:$0x2] =	stream.linear.gather [hbm4b:s2+s4], $0x2000, $0x38;
	[tilespmem:$0x16400] =	vst v63  }
0x1a: {  	_ =	swait.ge [sflag:s13], $0x2000  }
0x1b: {  	[sflag:s13] =	ssyncset.done $0x0  }
0x1c: {  	[sflag:s13] =	ssyncadd.s32 $0xFFFFE000  }
0x1d: {  	s26 =	sadd.s32 $0x0, s11;
	[bflag:$0x0] =	sbarrier.arrive $0xFFFF  }
0x1e: {  	[tilespmem:s4], [sflag:$0x2] =	stream.linear.gather [hbm4b:s26+s4], $0x400, $0x38;
	[tilespmem:$0x16400] =	vst v63  }
0x1f: {  	_ =	swait.ge [sflag:s13], $0x400  }
0x20: {  	[sflag:s13] =	ssyncset.done $0x0  }
0x21: {  	[sflag:s13] =	ssyncadd.s32 $0xFFFFFC00  }
0x22: {  	[spmem:s3] =	stream.indirect.scatter.add.f32 [tilespmem:s14], [sflag:$0x1], $0x80, s4, s15, $0xb8;
	[tilespmem:$0x16400] =	vst v63  }
0x23: {  	_ = 	snop  }
0x24: {  	[spmem:s3] =	stream.indirect.scatter.add.f32 [tilespmem:s14], [sflag:$0x1], $0x80, s16, s15, $0xb8;
	[tilespmem:$0x16400] =	vst v63  }
0x25: {  	_ = 	snop  }
0x26: {  	[spmem:s3] =	stream.indirect.scatter.add.f32 [tilespmem:s14], [sflag:$0x1], $0x80, s17, s15, $0xb8;
	[tilespmem:$0x16400] =	vst v63  }
0x27: {  	_ = 	snop  }
0x28: {  	[spmem:s3] =	stream.indirect.scatter.add.f32 [tilespmem:s14], [sflag:$0x1], $0x80, s18, s15, $0xb8;
	[tilespmem:$0x16400] =	vst v63  }
0x29: {  	_ = 	snop  }
0x2a: {  	[spmem:s3] =	stream.indirect.scatter.add.f32 [tilespmem:s14], [sflag:$0x1], $0x80, s19, s15, $0xb8;
	[tilespmem:$0x16400] =	vst v63  }
0x2b: {  	_ = 	snop  }
0x2c: {  	[spmem:s3] =	stream.indirect.scatter.add.f32 [tilespmem:s14], [sflag:$0x1], $0x80, s20, s15, $0xb8;
	[tilespmem:$0x16400] =	vst v63  }
0x2d: {  	_ = 	snop  }
0x2e: {  	[spmem:s3] =	stream.indirect.scatter.add.f32 [tilespmem:s14], [sflag:$0x1], $0x80, s21, s15, $0xb8;
	[tilespmem:$0x16400] =	vst v63  }
0x2f: {  	_ = 	snop  }
0x30: {  	[spmem:s3] =	stream.indirect.scatter.add.f32 [tilespmem:s14], [sflag:$0x1], $0x80, s22, s15, $0xb8;
	[tilespmem:$0x16400] =	vst v63  }
0x31: {  	_ =	swait.ge [sflag:s23], $0x2000  }
0x32: {  	[sflag:s23] =	ssyncset.done $0x0  }
0x33: {  	[sflag:s23] =	ssyncadd.s32 $0xFFFFE000  }
0x34: {  	_ =	swait.ge [sflag:s23], $0x2000  }
0x35: {  	[sflag:s23] =	ssyncset.done $0x0  }
0x36: {  	[sflag:s23] =	ssyncadd.s32 $0xFFFFE000  }
0x37: {  	_ =	swait.ge [sflag:s23], $0x2000  }
0x38: {  	[sflag:s23] =	ssyncset.done $0x0  }
0x39: {  	[sflag:s23] =	ssyncadd.s32 $0xFFFFE000  }
0x3a: {  	_ =	swait.ge [sflag:s23], $0x2000  }
0x3b: {  	[sflag:s23] =	ssyncset.done $0x0  }
0x3c: {  	[sflag:s23] =	ssyncadd.s32 $0xFFFFE000  }
0x3d: {  	_ =	swait.ge [sflag:s23], $0x2000  }
0x3e: {  	[sflag:s23] =	ssyncset.done $0x0  }
0x3f: {  	[sflag:s23] =	ssyncadd.s32 $0xFFFFE000  }
0x40: {  	_ =	swait.ge [sflag:s23], $0x2000  }
0x41: {  	[sflag:s23] =	ssyncset.done $0x0  }
0x42: {  	[sflag:s23] =	ssyncadd.s32 $0xFFFFE000  }
0x43: {  	_ =	swait.ge [sflag:s23], $0x2000  }
0x44: {  	[sflag:s23] =	ssyncset.done $0x0  }
0x45: {  	[sflag:s23] =	ssyncadd.s32 $0xFFFFE000  }
0x46: {  	_ =	swait.ge [sflag:s23], $0x2000  }
0x47: {  	s29 =	simm.s32 $0x100;
	s26 =	simm.s32 $0x80;
	[sflag:s23] =	ssyncset.done $0x0  }
.LBB2_2:
0x48: {  	s30 =	sadd.s32 s26, s11  }
0x49: {  	[sflag:s23] =	ssyncadd.s32 $0xFFFFE000;
	s26 =	smov.u32 s29;
	s28 =	sadd.s32 $0x80, s29  }
0x4a: {  	[tilespmem:s4], [sflag:$0x2] =	stream.linear.gather [hbm4b:s30+s4], $0x400, $0x38;
	[tilespmem:$0x16400] =	vst v63  }
0x4b: {  	p1 =	sne.s32 s29, $0x1380;
	_ =	swait.ge [sflag:s13], $0x400  }
0x4c: {  	[sflag:s13] =	ssyncset.done $0x0  }
0x4d: {  	[sflag:s13] =	ssyncadd.s32 $0xFFFFFC00  }
0x4e: {  	[spmem:s3] =	stream.indirect.scatter.add.f32 [tilespmem:s14], [sflag:$0x1], $0x80, s4, s15, $0xb8;
	[tilespmem:$0x16400] =	vst v63  }
0x4f: {  	_ = 	snop  }
0x50: {  	[spmem:s3] =	stream.indirect.scatter.add.f32 [tilespmem:s14], [sflag:$0x1], $0x80, s16, s15, $0xb8;
	[tilespmem:$0x16400] =	vst v63  }
0x51: {  	_ = 	snop  }
0x52: {  	[spmem:s3] =	stream.indirect.scatter.add.f32 [tilespmem:s14], [sflag:$0x1], $0x80, s17, s15, $0xb8;
	[tilespmem:$0x16400] =	vst v63  }
0x53: {  	_ = 	snop  }
0x54: {  	[spmem:s3] =	stream.indirect.scatter.add.f32 [tilespmem:s14], [sflag:$0x1], $0x80, s18, s15, $0xb8;
	[tilespmem:$0x16400] =	vst v63  }
0x55: {  	_ = 	snop  }
0x56: {  	[spmem:s3] =	stream.indirect.scatter.add.f32 [tilespmem:s14], [sflag:$0x1], $0x80, s19, s15, $0xb8;
	[tilespmem:$0x16400] =	vst v63  }
0x57: {  	_ = 	snop  }
0x58: {  	[spmem:s3] =	stream.indirect.scatter.add.f32 [tilespmem:s14], [sflag:$0x1], $0x80, s20, s15, $0xb8;
	[tilespmem:$0x16400] =	vst v63  }
0x59: {  	_ = 	snop  }
0x5a: {  	[spmem:s3] =	stream.indirect.scatter.add.f32 [tilespmem:s14], [sflag:$0x1], $0x80, s21, s15, $0xb8;
	[tilespmem:$0x16400] =	vst v63  }
0x5b: {  	_ = 	snop  }
0x5c: {  	[spmem:s3] =	stream.indirect.scatter.add.f32 [tilespmem:s14], [sflag:$0x1], $0x80, s22, s15, $0xb8;
	[tilespmem:$0x16400] =	vst v63  }
0x5d: {  	_ =	swait.ge [sflag:s23], $0x2000  }
0x5e: {  	[sflag:s23] =	ssyncset.done $0x0  }
0x5f: {  	[sflag:s23] =	ssyncadd.s32 $0xFFFFE000  }
0x60: {  	_ =	swait.ge [sflag:s23], $0x2000  }
0x61: {  	[sflag:s23] =	ssyncset.done $0x0  }
0x62: {  	[sflag:s23] =	ssyncadd.s32 $0xFFFFE000  }
0x63: {  	_ =	swait.ge [sflag:s23], $0x2000  }
0x64: {  	[sflag:s23] =	ssyncset.done $0x0  }
0x65: {  	[sflag:s23] =	ssyncadd.s32 $0xFFFFE000  }
0x66: {  	_ =	swait.ge [sflag:s23], $0x2000  }
0x67: {  	[sflag:s23] =	ssyncset.done $0x0  }
0x68: {  	[sflag:s23] =	ssyncadd.s32 $0xFFFFE000  }
0x69: {  	_ =	swait.ge [sflag:s23], $0x2000  }
0x6a: {  	[sflag:s23] =	ssyncset.done $0x0  }
0x6b: {  	[sflag:s23] =	ssyncadd.s32 $0xFFFFE000  }
0x6c: {  	_ =	swait.ge [sflag:s23], $0x2000  }
0x6d: {  	[sflag:s23] =	ssyncset.done $0x0  }
0x6e: {  	[sflag:s23] =	ssyncadd.s32 $0xFFFFE000  }
.Ltmp0:
0x6f: {  	_ =	swait.ge [sflag:s23], $0x2000;
	(pc) =	sbr.rel @p1 .LBB2_2-.Ltmp0, $4  }
0x70: {  	[sflag:s23] =	ssyncset.done $0x0  }
0x71: {  	[sflag:s23] =	ssyncadd.s32 $0xFFFFE000  }
0x72: {  	_ =	swait.ge [sflag:s23], $0x2000  }
0x73: {  	s29 =	smov.u32 s28;
	[sflag:s23] =	ssyncset.done $0x0  }
0x74: {  	s26 =	sadd.s32 s26, s11;
	[sflag:s23] =	ssyncadd.s32 $0xFFFFE000  }
0x75: {  	[tilespmem:s4], [sflag:$0x2] =	stream.linear.gather [hbm4b:s26+s4], $0x400, $0x38;
	[tilespmem:$0x16400] =	vst v63  }
0x76: {  	_ =	swait.ge [sflag:s13], $0x400  }
0x77: {  	[sflag:s13] =	ssyncset.done $0x0  }
0x78: {  	[sflag:s13] =	ssyncadd.s32 $0xFFFFFC00  }
0x79: {  	[spmem:s3] =	stream.indirect.scatter.add.f32 [tilespmem:s14], [sflag:$0x1], $0x80, s4, s15, $0xb8;
	[tilespmem:$0x16400] =	vst v63  }
0x7a: {  	_ = 	snop  }
0x7b: {  	[spmem:s3] =	stream.indirect.scatter.add.f32 [tilespmem:s14], [sflag:$0x1], $0x80, s16, s15, $0xb8;
	[tilespmem:$0x16400] =	vst v63  }
0x7c: {  	_ = 	snop  }
0x7d: {  	[spmem:s3] =	stream.indirect.scatter.add.f32 [tilespmem:s14], [sflag:$0x1], $0x80, s17, s15, $0xb8;
	[tilespmem:$0x16400] =	vst v63  }
0x7e: {  	_ = 	snop  }
0x7f: {  	[spmem:s3] =	stream.indirect.scatter.add.f32 [tilespmem:s14], [sflag:$0x1], $0x80, s18, s15, $0xb8;
	[tilespmem:$0x16400] =	vst v63  }
0x80: {  	_ = 	snop  }
0x81: {  	[spmem:s3] =	stream.indirect.scatter.add.f32 [tilespmem:s14], [sflag:$0x1], $0x80, s19, s15, $0xb8;
	[tilespmem:$0x16400] =	vst v63  }
0x82: {  	_ = 	snop  }
0x83: {  	[spmem:s3] =	stream.indirect.scatter.add.f32 [tilespmem:s14], [sflag:$0x1], $0x80, s20, s15, $0xb8;
	[tilespmem:$0x16400] =	vst v63  }
0x84: {  	_ = 	snop  }
0x85: {  	[spmem:s3] =	stream.indirect.scatter.add.f32 [tilespmem:s14], [sflag:$0x1], $0x80, s21, s15, $0xb8;
	[tilespmem:$0x16400] =	vst v63  }
0x86: {  	_ = 	snop  }
0x87: {  	[spmem:s3] =	stream.indirect.scatter.add.f32 [tilespmem:s14], [sflag:$0x1], $0x80, s22, s15, $0xb8;
	[tilespmem:$0x16400] =	vst v63  }
0x88: {  	_ =	swait.ge [sflag:s23], $0x2000  }
0x89: {  	[sflag:s23] =	ssyncset.done $0x0  }
0x8a: {  	[sflag:s23] =	ssyncadd.s32 $0xFFFFE000  }
0x8b: {  	_ =	swait.ge [sflag:s23], $0x2000  }
0x8c: {  	[sflag:s23] =	ssyncset.done $0x0  }
0x8d: {  	[sflag:s23] =	ssyncadd.s32 $0xFFFFE000  }
0x8e: {  	_ =	swait.ge [sflag:s23], $0x2000  }
0x8f: {  	[sflag:s23] =	ssyncset.done $0x0  }
0x90: {  	[sflag:s23] =	ssyncadd.s32 $0xFFFFE000  }
0x91: {  	_ =	swait.ge [sflag:s23], $0x2000  }
0x92: {  	[sflag:s23] =	ssyncset.done $0x0  }
0x93: {  	[sflag:s23] =	ssyncadd.s32 $0xFFFFE000  }
0x94: {  	_ =	swait.ge [sflag:s23], $0x2000  }
0x95: {  	[sflag:s23] =	ssyncset.done $0x0  }
0x96: {  	[sflag:s23] =	ssyncadd.s32 $0xFFFFE000  }
0x97: {  	_ =	swait.ge [sflag:s23], $0x2000  }
0x98: {  	[sflag:s23] =	ssyncset.done $0x0  }
0x99: {  	[sflag:s23] =	ssyncadd.s32 $0xFFFFE000  }
0x9a: {  	_ =	swait.ge [sflag:s23], $0x2000  }
0x9b: {  	[sflag:s23] =	ssyncset.done $0x0  }
0x9c: {  	[sflag:s23] =	ssyncadd.s32 $0xFFFFE000  }
0x9d: {  	_ =	swait.ge [sflag:s23], $0x2000  }
0x9e: {  	[sflag:s23] =	ssyncset.done $0x0  }
0x9f: {  	[sflag:s23] =	ssyncadd.s32 $0xFFFFE000  }
0xa0: {  	s26 =	simm.s32 @p0 $0x2;
	[bflag:$0x0] =	sbarrier.arrive $0xFFFF  }
0xa1: {  	[hbm:s9], [sflag:s7] =	dma.local @p0 [spmem:s24], $0x1900  }
0xa2: {  	_ =	swait.ge @p0 [sflag:s26], $0x1900  }
0xa3: {  	s25 =	sadd.s32 $0x1, s25;
	[sflag:s26] =	ssyncset.done @p0 $0x0  }
0xa4: {  	p1 =	sne.s32 s25, s10;
	[sflag:s26] =	ssyncadd.s32 @p0 $0xFFFFE700;
	s26 =	sshrl.u32 @!p0 s5, $0x3  }
0xa5: {  	[hbm:s8], [sflag:s7] =	dma.local @!p0 [spmem:s26], $0x2800  }
.Ltmp1:
0xa6: {  	_ = 	snop;
	(pc) =	sbr.rel @p1 .LBB2_1-.Ltmp1, $4  }
0xa7: {  	s26 =	simm.s32 @!p0 $0x2  }
0xa8: {  	_ =	swait.ge @!p0 [sflag:s26], $0x2800  }
0xa9: {  	[sflag:s26] =	ssyncset.done @!p0 $0x0  }
0xaa: {  	[sflag:s26] =	ssyncadd.s32 @!p0 $0xFFFFD800  }
0xab: {  	_ =	sfence.sel $0x180000  }
0xac: {  	[bflag:$0x0] =	sbarrier.arrive $0xFFFF  }
0xad: {  	p0 =	sne.s32 s0, $0x0;
	_ =	strace $0x90000047  }
0xae: {  	s0 =	sadd.s32 @!p0 $0x100000, s1;
	[bflag:$0x2] =	sbarrier.arrive $0xFFFF  }
0xaf: {  	[sflag:s0] =	ssyncadd.tile.s32 @!p0 $0x1;
	_ =	shalt  }
.Lfunc_end2:
_tile_overlayer_lowered:
.L_overlay_start_2:
0xb0: {  	(tag) =	ssettag $0x2  }
0xb1: {  	s0 =	rddreg [dreg:$0x0];
	s2 =	stileid.u32  }
0xb2: {  	s1 =	rddreg [dreg:$0x1];
	p0 =	sne.s32 s2, $0x0  }
0xb3: {  	s3 =	rddreg [dreg:$0x2];
	[bflag:$0x3] =	sbarrier.arrive $0xFFFF;
	s2 =	simm.s32 @!p0 $0x1C02  }
0xb4: {  	[timem:s3], [sflag:s2] =	dma.local @!p0 [hbm:s0], s1  }
0xb5: {  	s0 =	simm.s32 @!p0 $0x2  }
0xb6: {  	_ =	swait.ge @!p0 [sflag:s0], s1  }
0xb7: {  	s1 =	ssub.s32 @!p0 $0x0, s1;
	[sflag:s0] =	ssyncset.done @!p0 $0x0  }
0xb8: {  	[sflag:s0] =	ssyncadd.s32 @!p0 s1  }
0xb9: {  	[bflag:$0x3] =	sbarrier.arrive $0xFFFF  }
0xba: {  	_ =	shalt  }

// kernel: kernel.16.cloned.1.call-start
scs
__scs_entry_jumppad:
0x0: {  	(pc) =	sbr.rel $0x88, $3  }
0x1: {  	(tag) =	ssettag $0x0;
	lr =	simm.s32 $0x1  }
0x2: {  	[smem:$0x3F8B] =	sst lr;
	_ =	strace $0xD0000000  }
0x3: {  	_ = 	snop  }
0x4: {  	_ = 	snop  }
0x5: {  	_ = 	snop  }
0x6: {  	_ = 	snop  }
0x7: {  	_ = 	snop  }
__scs_overlays_trampoline_lowered:
0x8: {  	[smem:$0x3F9A] =	sst s0  }
0x9: {  	[smem:$0x3F9B] =	sst s1  }
0xa: {  	[smem:$0x3F9C] =	sst s2  }
0xb: {  	[smem:$0x3F9D] =	sst s3  }
0xc: {  	[smem:$0x3F9E] =	sst s4  }
0xd: {  	[smem:$0x3F9F] =	sst s5  }
0xe: {  	[smem:$0x3FA0] =	sst s6  }
0xf: {  	[smem:$0x3FA1] =	sst s7  }
0x10: {  	[smem:$0x3FA2] =	sst s8  }
0x11: {  	[smem:$0x3FA3] =	sst s9;
	s0 =	simm.s32 @!p0 $0x0  }
0x12: {  	s1 =	sld [smem:$0x3F89];
	s0 =	simm.s32 @p0 $0x1  }
0x13: {  	[smem:$0x3FA4] =	sst s0;
	s0 =	simm.s32 @!p1 $0x0  }
0x14: {  	s2 =	sld [smem:$0x3F88];
	s0 =	simm.s32 @p1 $0x1  }
0x15: {  	[smem:$0x3FA5] =	sst s0;
	s0 =	simm.s32 @!p2 $0x0  }
0x16: {  	s3 =	sld [smem:$0x3FDB];
	s0 =	simm.s32 @p2 $0x1  }
0x17: {  	s4 =	simm.s32 $0x1BF5;
	[smem:$0x3FA7] =	sst s0  }
0x18: {  	s0 =	sld [smem:$0x3F8A];
	_ =	swait.ge [sflag:s4], $0x0  }
0x19: {  	s7 =	sld [smem:$0x3F8B]  }
0x1a: {  	s8 =	sadd.s32 $0xFFFFE003, lr  }
0x1b: {  	s9 =	sadd.s32 $0xFFFFFEF7, lr;
	s5 =	simm.s32 $0xFFFFFFFF;
	p2 =	slt.u32 s8, $0xFFFFF086  }
0x1c: {  	p1 =	slt.u32 s9, $0xF7A;
	s5 =	simm.s32 @!p2 $0x0  }
0x1d: {  	s5 =	simm.s32 @p1 $0x1;
	p0 =	seq.s32 s7, s2  }
0x1e: {  	s7 =	smul.u32 @!p0 $0xF7A, s2;
	p2 =	seq.s32 @!p0 s5, $0x0  }
0x1f: {  	s9 =	smul.u32 $0xF7A, s1;
	s8 =	simm.s32 @!p0 $0x1BF5;
	p2 =	por !p2, p0  }
0x20: {  	[sflag:s8] =	ssyncset.s32 @!p0 $0xFFFFF086;
	s6 =	sadd.s32 @!p0 s3, s7;
	s7 =	simm.s32 @!p0 $0x108  }
0x21: {  	s3 =	sadd.s32 s3, s9;
	s6 =	sadd.s32 @!p0 $0x88, s6;
	s7 =	simm.s32 @p2 $0x1082  }
0x22: {  	[simem:s7], [sflag:s8] =	dma.local @!p0 [hbm:s6], $0xF7A  }
0x23: {  	s9 =	sor.u32 $0xD0000000, s2;
	s6 =	simm.s32 $0x108;
	_ =	swait.ge @!p0 [sflag:s8], $0x0  }
0x24: {  	s3 =	sadd.s32 $0x88, s3;
	s6 =	simm.s32 @!p1 $0x1082;
	[sflag:s4] =	ssyncset.s32 $0xFFFFF086  }
0x25: {  	[simem:s6], [sflag:s4] =	dma.local [hbm:s3], $0xF7A  }
0x26: {  	[smem:$0x3F8B] =	sst s1;
	(tag) =	ssettag s2;
	_ =	strace s9  }
0x27: {  	s1 =	sld [smem:$0x3F9B]  }
0x28: {  	s2 =	sld [smem:$0x3F9C]  }
0x29: {  	s4 =	sld [smem:$0x3F9E]  }
0x2a: {  	p0 =	seq.s32 s5, $0x0;
	s5 =	sld [smem:$0x3F9F]  }
0x2b: {  	s6 =	sld [smem:$0x3FA0]  }
0x2c: {  	s7 =	sld [smem:$0x3FA1]  }
0x2d: {  	s3 =	simm.s32 $0x108;
	s8 =	sld [smem:$0x3FA2]  }
0x2e: {  	s3 =	simm.s32 @!p0 $0x1082;
	s9 =	sld [smem:$0x3FA3]  }
0x2f: {  	lr =	sadd.s32 s0, s3;
	s0 =	sld [smem:$0x3F9A]  }
0x30: {  	s3 =	sld [smem:$0x3F9D]  }
0x31: {  	[smem:$0x3FA6] =	sst s10  }
0x32: {  	s10 =	sld [smem:$0x3FA4];
	_ =	sdelay $0x3  }
0x33: {  	p0 =	seq.s32 s10, $0x1;
	s10 =	sld [smem:$0x3FA6];
	_ =	sdelay $0x3  }
0x34: {  	[smem:$0x3FA6] =	sst s10  }
0x35: {  	s10 =	sld [smem:$0x3FA5];
	_ =	sdelay $0x3  }
0x36: {  	p1 =	seq.s32 s10, $0x1;
	s10 =	sld [smem:$0x3FA6];
	_ =	sdelay $0x3  }
0x37: {  	[smem:$0x3FA6] =	sst s10  }
0x38: {  	s10 =	sld [smem:$0x3FA7]  }
0x39: {  	_ = 	snop;
	(pc) =	sbr.ind lr, $3  }
0x3a: {  	_ = 	snop  }
0x3b: {  	_ = 	snop  }
0x3c: {  	p2 =	seq.s32 s10, $0x1;
	s10 =	sld [smem:$0x3FA6]  }
0x3d: {  	_ =	shalt  }
0x3e: {  	_ =	shalt  }
0x3f: {  	_ =	shalt  }
0x40: {  	_ =	shalt  }
0x41: {  	_ =	shalt  }
0x42: {  	_ =	shalt  }
0x43: {  	_ =	shalt  }
0x44: {  	_ =	shalt  }
0x45: {  	_ =	shalt  }
0x46: {  	_ =	shalt  }
0x47: {  	_ =	shalt  }
0x48: {  	_ =	shalt  }
0x49: {  	_ =	shalt  }
0x4a: {  	_ =	shalt  }
0x4b: {  	_ =	shalt  }
0x4c: {  	_ =	shalt  }
0x4d: {  	_ =	shalt  }
0x4e: {  	_ =	shalt  }
0x4f: {  	_ =	shalt  }
0x50: {  	_ =	shalt  }
0x51: {  	_ =	shalt  }
0x52: {  	_ =	shalt  }
0x53: {  	_ =	shalt  }
0x54: {  	_ =	shalt  }
0x55: {  	_ =	shalt  }
0x56: {  	_ =	shalt  }
0x57: {  	_ =	shalt  }
0x58: {  	_ =	shalt  }
0x59: {  	_ =	shalt  }
0x5a: {  	_ =	shalt  }
0x5b: {  	_ =	shalt  }
0x5c: {  	_ =	shalt  }
0x5d: {  	_ =	shalt  }
0x5e: {  	_ =	shalt  }
0x5f: {  	_ =	shalt  }
0x60: {  	_ =	shalt  }
0x61: {  	_ =	shalt  }
0x62: {  	_ =	shalt  }
0x63: {  	_ =	shalt  }
0x64: {  	_ =	shalt  }
0x65: {  	_ =	shalt  }
0x66: {  	_ =	shalt  }
0x67: {  	_ =	shalt  }
0x68: {  	_ =	shalt  }
0x69: {  	_ =	shalt  }
0x6a: {  	_ =	shalt  }
0x6b: {  	_ =	shalt  }
0x6c: {  	_ =	shalt  }
0x6d: {  	_ =	shalt  }
0x6e: {  	_ =	shalt  }
0x6f: {  	_ =	shalt  }
0x70: {  	_ =	shalt  }
0x71: {  	_ =	shalt  }
0x72: {  	_ =	shalt  }
0x73: {  	_ =	shalt  }
0x74: {  	_ =	shalt  }
0x75: {  	_ =	shalt  }
0x76: {  	_ =	shalt  }
0x77: {  	_ =	shalt  }
0x78: {  	_ =	shalt  }
0x79: {  	_ =	shalt  }
0x7a: {  	_ =	shalt  }
0x7b: {  	_ =	shalt  }
0x7c: {  	_ =	shalt  }
0x7d: {  	_ =	shalt  }
0x7e: {  	_ =	shalt  }
0x7f: {  	_ =	shalt  }
0x80: {  	_ =	shalt  }
0x81: {  	_ =	shalt  }
0x82: {  	_ =	shalt  }
0x83: {  	_ =	shalt  }
0x84: {  	_ =	shalt  }
0x85: {  	_ =	shalt  }
0x86: {  	_ =	shalt  }
0x87: {  	_ =	shalt  }
.Lfunc_end0:
.L_simem_size_0:
called_computation.2_lowered:
.L_overlay_start_0:
0x88: {  	s2 =	sld [smem:$0x3FD9]  }
0x89: {  	s3 =	sld [smem:$0x3FFE];
	_ =	sdelay $0x1  }
0x8a: {  	s1 =	srdreg.scid  }
0x8b: {  	s0 =	sand.u32 $0x1, s1  }
0x8c: {  	s16 =	sshll.u32 s0, $0xA;
	s2 =	sadd.s32 s3, s2  }
0x8d: {  	s2 =	sadd.s32 s2, s16  }
0x8e: {  	[smem:$0x3FB2] =	sst s2  }
0x8f: {  	_ = 	snop  }
0x90: {  	(tm) =	ssettm $0x1  }
0x91: {  	s17 =	sld [smem:$0x3FFB];
	_ =	sdelay $0x3  }
0x92: {  	_ =	strace s17  }
0x93: {  	s2 =	sld [smem:$0x3FFC];
	_ =	sdelay $0x3  }
0x94: {  	_ =	strace s2  }
0x95: {  	s2 =	sld [smem:$0x3FFD];
	_ =	sdelay $0x3  }
0x96: {  	_ =	strace s2  }
0x97: {  	_ =	strace $0x8FFFFFFF  }
0x98: {  	s18 =	sld [smem:$0x3FDB];
	_ =	sdelay $0x1  }
0x99: {  	s19 =	simm.s32 $_scs_section_size  }
0x9a: {  	s4 =	simm.s32 $_size__tile_overlayer_lowered;
	s5 =	simm.s32 $_tile_overlayer_lowered  }
0x9b: {  	s22 =	simm.s32 $0x1BFF;
	s21 =	sshll.u32 s5, $0x1;
	s2 =	sadd.s32 s19, s18  }
0x9c: {  	s6 =	simm.s32 $0x0;
	s20 =	sshll.u32 s4, $0x1;
	s4 =	sadd.s32 s21, s2  }
0x9d: {  	[timem:s6], [sflag:s22] =	dma.local [hbm:s4], s20  }
0x9e: {  	_ =	swait.ge [sflag:s22], s20  }
0x9f: {  	s3 =	ssub.s32 $0x0, s20;
	[sflag:s22] =	ssyncset.done $0x0  }
0xa0: {  	[sflag:s22] =	ssyncadd.s32 s3;
	_ =	sdelay $0x1  }
0xa1: {  	s23 =	simm.s32 $0x1B8B  }
0xa2: {  	_ =	swait.ge [sflag:s23], $0x1  }
0xa3: {  	[sflag:s23] =	ssyncset.done $0x0  }
0xa4: {  	s25 =	simm.s32 $0x1B8E;
	s24 =	sld [smem:$0x3FFE];
	[sflag:s23] =	ssyncadd.s32 $0xFFFFFFFF  }
0xa5: {  	s26 =	simm.s32 $execute0_lowered;
	[smem:$0x3FD2] =	sst s25  }
0xa6: {  	s4 =	sshll.u32 s26, $0x1;
	_ =	strace $0x8000004C;
	[dreg:$0x1] =	wrdreg $0xFFFFFFFF  }
0xa7: {  	s28 =	simm.s32 $_size_execute0_lowered;
	s2 =	sadd.s32 s2, s4;
	[dreg:$0x0] =	wrdreg $0x0  }
0xa8: {  	s4 =	sshll.u32 s28, $0x1;
	[dreg:$0x2] =	wrdreg s2  }
0xa9: {  	[dreg:$0x3] =	wrdreg s4  }
0xaa: {  	[dreg:$0x4] =	wrdreg $0xC0  }
0xab: {  	_ =	task [dreg:s6], $0x5FFFF  }
0xac: {  	[dreg:$0x1] =	wrdreg $0xFFFFFFFF  }
0xad: {  	[dreg:$0x0] =	wrdreg $0x60  }
0xae: {  	[dreg:$0x2] =	wrdreg s24  }
0xaf: {  	[dreg:$0x3] =	wrdreg $0x88800  }
0xb0: {  	[dreg:$0x4] =	wrdreg $0x9  }
0xb1: {  	_ =	task.clear_ibuf [dreg:s6], $0x5FFFF;
	_ =	strace $0x9000004C  }
0xb2: {  	s29 =	simm.s32 $0x9;
	_ =	strace $0x8000004E  }
0xb3: {  	_ =	swait.ge [sflag:s29], $0x1  }
0xb4: {  	[sflag:s29] =	ssyncadd.s32 $0xFFFFFFFF  }
0xb5: {  	_ =	strace $0x9000004E  }
0xb6: {  	_ =	sfence  }
0xb7: {  	s30 =	sld [smem:$0x0];
	_ =	sdelay $0x2  }
0xb8: {  	s31 =	sshll.u32 s1, $0xD;
	s1 =	sshrl.u32 s1, $0x2  }
0xb9: {  	s3 =	sand.u32 $0x4000, s31;
	s1 =	sadd.s32 s1, s30  }
0xba: {  	s0 =	sor.u32 s3, s0;
	s1 =	sshll.u32 s1, $0x11  }
0xbb: {  	s0 =	sor.u32 s1, s0  }
0xbc: {  	s0 =	sadd.s32 $0x8F2B, s0  }
0xbd: {  	[sflag:s0] =	ssyncadd.remote.s32 $0x1  }
0xbe: {  	_ =	sfence.sel $0xFFFF  }
0xbf: {  	[dreg:$0x0] =	wrdreg $0xFFFFFFFF;
	(pc) =	sbr.abs _section_cstart, $3  }
0xc0: {  	[dreg:$0x1] =	wrdreg $0xFFFFFFFF  }
0xc1: {  	_ =	task.clear_ibuf [dreg:s6], $0x2FFFF;
	_ =	strace $0x9FFFFFFF  }
0xc2: {  	(tm) =	ssettm $0x7FFFFFFF  }
0xc3: {  	_ =	shalt  }
tec
execute0_lowered:
.L_overlay_start_1:
0x0: {  	(tag) =	ssettag $0x1  }
0x1: {  	s0 =	srdreg.scid;
	s5 =	rddreg [dreg:$0x0]  }
0x2: {  	s12 =	stileid.u32;
	s2 =	rddreg [dreg:$0x1]  }
0x3: {  	s3 =	simm.s32 $0x0;
	s13 =	simm.s32 $0x9;
	s15 =	simm.s32 $0x40  }
0x4: {  	s22 =	simm.s32 $0x80;
	s23 =	simm.s32 $0x100;
	s24 =	simm.s32 $0x180  }
0x5: {  	s25 =	simm.s32 $0x480;
	s26 =	simm.s32 $0x200;
	s28 =	simm.s32 $0x2  }
0x6: {  	s29 =	simm.s32 $0x280;
	s30 =	simm.s32 $0x3;
	s4 =	smul.u32 $0x140, s12  }
0x7: {  	s31 =	simm.s32 $0x500;
	s0 =	sand.u32 $0x1, s0;
	s6 =	smul.u32 $0x2800, s12  }
0x8: {  	[smem:$0x7FF] =	sst s3;
	s8 =	smul.u32 $0x50000, s12;
	s9 =	sadd.s32 $0x119600, s5  }
0x9: {  	s18 =	sshll.u32 s12, $0x6;
	_ =	strace $0x8000004D;
	[dreg:$0xa] =	wrdreg s9  }
0xa: {  	p0 =	seq.s32 s12, $0xF;
	s1 =	smul.u32 $0x1400, s0;
	[dreg:$0x5] =	wrdreg s22  }
0xb: {  	s16 =	ssub.s32 $0x2, s0;
	s0 =	sxor.u32 $0x1, s0;
	[dreg:$0x6] =	wrdreg s23  }
0xc: {  	s14 =	sor.u32 $0x1C09, s18;
	s18 =	simm.s32 $0x4800;
	[dreg:$0x7] =	wrdreg s24  }
0xd: {  	s22 =	simm.s32 $0x6;
	s23 =	simm.s32 $0x7;
	[dreg:$0x8] =	wrdreg s25  }
0xe: {  	[dreg:$0x9] =	wrdreg s26;
	s24 =	simm.s32 $0x8;
	s26 =	simm.s32 $0x1  }
0xf: {  	s25 =	simm.s32 $0x0;
	s7 =	sadd.s32 s6, s5;
	s11 =	smul.u32 $0x27100, s0  }
0x10: {  	s10 =	sshrl.u32 s16, $0x1;
	s8 =	sshrl.u32 s8, $0x2;
	s0 =	smul.u32 $0x138800, s0  }
0x11: {  	[dreg:$0xd] =	wrdreg s14;
	s1 =	sadd.s32 s4, s1;
	s4 =	sadd.s32 $0xCB400, s5  }
0x12: {  	s9 =	ssub.s32 s16, s10;
	s17 =	sadd.s32 s8, s2;
	s7 =	sadd.s32 $0x2D200, s7  }
0x13: {  	s16 =	simm.s32 $0x800;
	s10 =	simm.s32 $0x700;
	s1 =	sshll.u32 s1, $0x4  }
0x14: {  	s6 =	sadd.s32 s6, s11;
	[dreg:$0xc] =	wrdreg s7;
	s0 =	sshrl.u32 s0, $0x3  }
0x15: {  	s20 =	smax.u32 s9, $0x1;
	[dreg:$0xb] =	wrdreg s17;
	s21 =	sshrl.u32 s17, $0x3  }
0x16: {  	s17 =	simm.s32 $0x2800;
	s7 =	simm.s32 $0x380;
	s9 =	simm.s32 $0x600  }
0x17: {  	s11 =	simm.s32 $0x780;
	s1 =	sadd.s32 s1, s5;
	[dreg:$0x10] =	wrdreg s20  }
0x18: {  	s5 =	sadd.s32 $0x119800, s5;
	[dreg:$0x11] =	wrdreg s21;
	s20 =	simm.s32 $0x400  }
0x19: {  	s21 =	simm.s32 $0x5;
	s6 =	sadd.s32 s5, s6;
	s19 =	sadd.s32 $0x5200, s1  }
0x1a: {  	s0 =	sadd.s32 s5, s0;
	s1 =	sadd.s32 $0xA3400, s1;
	[dreg:$0xe] =	wrdreg s6  }
0x1b: {  	s5 =	simm.s32 $0x300;
	s6 =	sadd.s32 $0x12C000, s2;
	[dreg:$0x3] =	wrdreg s19  }
0x1c: {  	s0 =	sadd.s32 $0x25800, s0;
	[dreg:$0x4] =	wrdreg s1;
	s19 =	simm.s32 $0x6800  }
0x1d: {  	s1 =	simm.s32 $0x4;
	[dreg:$0xf] =	wrdreg s0;
	s0 =	sshrl.u32 @p0 s6, $0x3  }
0x1e: {  	s6 =	simm.s32 $0x680;
	[dreg:$0x12] =	wrdreg s0;
	s0 =	simm.s32 $0x580  }
.LBB2_1:
0x1f: {  	[dreg:$0x13] =	wrdreg s25  }
0x20: {  	s8 =	rddreg [dreg:$0xc]  }
0x21: {  	s12 =	rddreg [dreg:$0x11]  }
0x22: {  	[spmem:s12], [sflag:s14] =	dma.local [hbm:s8], $0x2800  }
0x23: {  	_ =	swait.ge [sflag:s13], $0x2800  }
0x24: {  	[sflag:s13] =	ssyncset.done $0x0  }
0x25: {  	s14 =	simm.s32 $0x8800;
	s12 =	rddreg [dreg:$0xa];
	[sflag:s13] =	ssyncadd.s32 $0xFFFFD800  }
0x26: {  	[tilespmem:s14], [sflag:$0x9] =	stream.linear.gather [hbm4b:s12+s3], $0x80, $0x38;
	[tilespmem:$0x1C880] =	vst v63  }
0x27: {  	_ =	swait.ge [sflag:s13], $0x80  }
0x28: {  	[sflag:s13] =	ssyncset.done $0x0  }
0x29: {  	[sflag:s13] =	ssyncadd.s32 $0xFFFFFF80  }
0x2a: {  	[bflag:$0x0] =	sbarrier.arrive $0xFFFF  }
0x2b: {  	[spmem:s2] =	stream.indirect.scatter.add.f32 [tilespmem:s16], [sflag:$0x5], $0x80, s14, s15, $0xb8;
	[tilespmem:$0x1C880] =	vst v63  }
0x2c: {  	_ = 	snop  }
0x2d: {  	[spmem:s2] =	stream.indirect.scatter.add.f32 [tilespmem:s17], [sflag:$0x6], $0x80, s14, s15, $0xb8;
	[tilespmem:$0x1C880] =	vst v63  }
0x2e: {  	_ = 	snop  }
0x2f: {  	[spmem:s2] =	stream.indirect.scatter.add.f32 [tilespmem:s18], [sflag:$0x7], $0x80, s14, s15, $0xb8;
	[tilespmem:$0x1C880] =	vst v63  }
0x30: {  	s25 =	rddreg [dreg:$0x4]  }
0x31: {  	[spmem:s2] =	stream.indirect.scatter.add.f32 [tilespmem:s19], [sflag:$0x8], $0x80, s14, s15, $0xb8;
	[tilespmem:$0x1C880] =	vst v63  }
0x32: {  	s14 =	sadd.s32 $0x0, s25  }
0x33: {  	[tilespmem:s3], [sflag:$0x9] =	stream.linear.gather [hbm4b:s14+s3], $0x400, $0x38;
	[tilespmem:$0x1C880] =	vst v63  }
0x34: {  	_ =	swait.ge [sflag:s13], $0x400  }
0x35: {  	s8 =	rddreg [dreg:$0x3];
	[sflag:s13] =	ssyncset.done $0x0  }
0x36: {  	[sflag:s13] =	ssyncadd.s32 $0xFFFFFC00;
	s14 =	sadd.s32 $0x0, s8  }
0x37: {  	[tilespmem:s20], [sflag:$0x9] =	stream.linear.gather [hbm4b:s14+s3], $0x400, $0x38;
	[tilespmem:$0x1C880] =	vst v63  }
0x38: {  	_ =	swait.ge [sflag:s13], $0x400  }
0x39: {  	[sflag:s13] =	ssyncset.done $0x0  }
0x3a: {  	[sflag:s13] =	ssyncadd.s32 $0xFFFFFC00  }
0x3b: {  	_ =	swait.ge [sflag:s21], $0x2000  }
0x3c: {  	[sflag:s21] =	ssyncset.done $0x0  }
0x3d: {  	[sflag:s21] =	ssyncadd.s32 $0xFFFFE000  }
0x3e: {  	[tilespmem:s16], [sflag:$0x1] =	stream.indirect.gather [hbm4b:s4+s15], $0x80, s3, s15, $0xb8;
	[tilespmem:$0x1C880] =	vst v63  }
0x3f: {  	_ =	swait.ge [sflag:s22], $0x2000  }
0x40: {  	[sflag:s22] =	ssyncset.done $0x0  }
0x41: {  	s12 =	rddreg [dreg:$0x5];
	[sflag:s22] =	ssyncadd.s32 $0xFFFFE000  }
0x42: {  	[tilespmem:s17], [sflag:$0x2] =	stream.indirect.gather [hbm4b:s4+s15], $0x80, s12, s15, $0xb8;
	[tilespmem:$0x1C880] =	vst v63  }
0x43: {  	_ =	swait.ge [sflag:s23], $0x2000  }
0x44: {  	[sflag:s23] =	ssyncset.done $0x0  }
0x45: {  	s25 =	rddreg [dreg:$0x6];
	[sflag:s23] =	ssyncadd.s32 $0xFFFFE000  }
0x46: {  	[tilespmem:s18], [sflag:$0x3] =	stream.indirect.gather [hbm4b:s4+s15], $0x80, s25, s15, $0xb8;
	[tilespmem:$0x1C880] =	vst v63  }
0x47: {  	_ =	swait.ge [sflag:s24], $0x2000  }
0x48: {  	[sflag:s24] =	ssyncset.done $0x0  }
0x49: {  	s8 =	rddreg [dreg:$0x7];
	[sflag:s24] =	ssyncadd.s32 $0xFFFFE000  }
0x4a: {  	[tilespmem:s19], [sflag:$0x4] =	stream.indirect.gather [hbm4b:s4+s15], $0x80, s8, s15, $0xb8;
	[tilespmem:$0x1C880] =	vst v63  }
0x4b: {  	_ =	swait.ge [sflag:s26], $0x2000  }
0x4c: {  	[sflag:s26] =	ssyncset.done $0x0  }
0x4d: {  	[sflag:s26] =	ssyncadd.s32 $0xFFFFE000  }
0x4e: {  	[spmem:s2] =	stream.indirect.scatter.add.f32 [tilespmem:s16], [sflag:$0x5], $0x80, s20, s15, $0xb8;
	[tilespmem:$0x1C880] =	vst v63  }
0x4f: {  	_ =	swait.ge [sflag:s28], $0x2000  }
0x50: {  	[sflag:s28] =	ssyncset.done $0x0  }
0x51: {  	s12 =	rddreg [dreg:$0x8];
	[sflag:s28] =	ssyncadd.s32 $0xFFFFE000  }
0x52: {  	[spmem:s2] =	stream.indirect.scatter.add.f32 [tilespmem:s17], [sflag:$0x6], $0x80, s12, s15, $0xb8;
	[tilespmem:$0x1C880] =	vst v63  }
0x53: {  	_ =	swait.ge [sflag:s21], $0x2000  }
0x54: {  	[sflag:s21] =	ssyncset.done $0x0  }
0x55: {  	s25 =	rddreg [dreg:$0x9];
	[sflag:s21] =	ssyncadd.s32 $0xFFFFE000  }
0x56: {  	[tilespmem:s16], [sflag:$0x1] =	stream.indirect.gather [hbm4b:s4+s15], $0x80, s25, s15, $0xb8;
	[tilespmem:$0x1C880] =	vst v63  }
0x57: {  	_ =	swait.ge [sflag:s22], $0x2000  }
0x58: {  	[sflag:s22] =	ssyncset.done $0x0  }
0x59: {  	[sflag:s22] =	ssyncadd.s32 $0xFFFFE000  }
0x5a: {  	[tilespmem:s17], [sflag:$0x2] =	stream.indirect.gather [hbm4b:s4+s15], $0x80, s29, s15, $0xb8;
	[tilespmem:$0x1C880] =	vst v63  }
0x5b: {  	_ =	swait.ge [sflag:s30], $0x2000  }
0x5c: {  	[sflag:s30] =	ssyncset.done $0x0  }
0x5d: {  	[sflag:s30] =	ssyncadd.s32 $0xFFFFE000  }
0x5e: {  	[spmem:s2] =	stream.indirect.scatter.add.f32 [tilespmem:s18], [sflag:$0x7], $0x80, s31, s15, $0xb8;
	[tilespmem:$0x1C880] =	vst v63  }
0x5f: {  	_ =	swait.ge [sflag:s1], $0x2000  }
0x60: {  	[sflag:s1] =	ssyncset.done $0x0  }
0x61: {  	[sflag:s1] =	ssyncadd.s32 $0xFFFFE000  }
0x62: {  	[spmem:s2] =	stream.indirect.scatter.add.f32 [tilespmem:s19], [sflag:$0x8], $0x80, s0, s15, $0xb8;
	[tilespmem:$0x1C880] =	vst v63  }
0x63: {  	_ =	swait.ge [sflag:s23], $0x2000  }
0x64: {  	[sflag:s23] =	ssyncset.done $0x0  }
0x65: {  	[sflag:s23] =	ssyncadd.s32 $0xFFFFE000  }
0x66: {  	[tilespmem:s18], [sflag:$0x3] =	stream.indirect.gather [hbm4b:s4+s15], $0x80, s5, s15, $0xb8;
	[tilespmem:$0x1C880] =	vst v63  }
0x67: {  	_ =	swait.ge [sflag:s24], $0x2000  }
0x68: {  	[sflag:s24] =	ssyncset.done $0x0  }
0x69: {  	[sflag:s24] =	ssyncadd.s32 $0xFFFFE000  }
0x6a: {  	[tilespmem:s19], [sflag:$0x4] =	stream.indirect.gather [hbm4b:s4+s15], $0x80, s7, s15, $0xb8;
	[tilespmem:$0x1C880] =	vst v63  }
0x6b: {  	_ =	swait.ge [sflag:s26], $0x2000  }
0x6c: {  	[sflag:s26] =	ssyncset.done $0x0  }
0x6d: {  	[sflag:s26] =	ssyncadd.s32 $0xFFFFE000  }
0x6e: {  	[spmem:s2] =	stream.indirect.scatter.add.f32 [tilespmem:s16], [sflag:$0x5], $0x80, s9, s15, $0xb8;
	[tilespmem:$0x1C880] =	vst v63  }
0x6f: {  	_ =	swait.ge [sflag:s28], $0x2000  }
0x70: {  	[sflag:s28] =	ssyncset.done $0x0  }
0x71: {  	[sflag:s28] =	ssyncadd.s32 $0xFFFFE000  }
0x72: {  	[spmem:s2] =	stream.indirect.scatter.add.f32 [tilespmem:s17], [sflag:$0x6], $0x80, s6, s15, $0xb8;
	[tilespmem:$0x1C880] =	vst v63  }
0x73: {  	_ =	swait.ge [sflag:s30], $0x2000  }
0x74: {  	[sflag:s30] =	ssyncset.done $0x0  }
0x75: {  	[sflag:s30] =	ssyncadd.s32 $0xFFFFE000  }
0x76: {  	[spmem:s2] =	stream.indirect.scatter.add.f32 [tilespmem:s18], [sflag:$0x7], $0x80, s10, s15, $0xb8;
	[tilespmem:$0x1C880] =	vst v63  }
0x77: {  	s25 =	simm.s32 $0x80;
	_ =	swait.ge [sflag:s1], $0x2000  }
.LBB2_2:
0x78: {  	[sflag:s1] =	ssyncset.done $0x0  }
0x79: {  	s8 =	rddreg [dreg:$0x4];
	s12 =	smov.u32 s25;
	[sflag:s1] =	ssyncadd.s32 $0xFFFFE000  }
0x7a: {  	[spmem:s2] =	stream.indirect.scatter.add.f32 [tilespmem:s19], [sflag:$0x8], $0x80, s11, s15, $0xb8;
	[tilespmem:$0x1C880] =	vst v63  }
0x7b: {  	s8 =	sadd.s32 s12, s8  }
0x7c: {  	[tilespmem:s3], [sflag:$0x9] =	stream.linear.gather [hbm4b:s8+s3], $0x400, $0x38;
	[tilespmem:$0x1C880] =	vst v63  }
0x7d: {  	s14 =	sadd.s32 $0x80, s25;
	_ =	swait.ge [sflag:s13], $0x400  }
0x7e: {  	p1 =	sne.s32 s25, $0x1380;
	s25 =	rddreg [dreg:$0x3];
	[sflag:s13] =	ssyncset.done $0x0  }
0x7f: {  	[sflag:s13] =	ssyncadd.s32 $0xFFFFFC00;
	s8 =	sadd.s32 s12, s25  }
0x80: {  	[tilespmem:s20], [sflag:$0x9] =	stream.linear.gather [hbm4b:s8+s3], $0x400, $0x38;
	[tilespmem:$0x1C880] =	vst v63  }
0x81: {  	_ =	swait.ge [sflag:s13], $0x400  }
0x82: {  	[sflag:s13] =	ssyncset.done $0x0  }
0x83: {  	[sflag:s13] =	ssyncadd.s32 $0xFFFFFC00  }
0x84: {  	_ =	swait.ge [sflag:s21], $0x2000  }
0x85: {  	[sflag:s21] =	ssyncset.done $0x0  }
0x86: {  	[sflag:s21] =	ssyncadd.s32 $0xFFFFE000  }
0x87: {  	[tilespmem:s16], [sflag:$0x1] =	stream.indirect.gather [hbm4b:s4+s15], $0x80, s3, s15, $0xb8;
	[tilespmem:$0x1C880] =	vst v63  }
0x88: {  	_ =	swait.ge [sflag:s22], $0x2000  }
0x89: {  	[sflag:s22] =	ssyncset.done $0x0  }
0x8a: {  	s25 =	rddreg [dreg:$0x5];
	[sflag:s22] =	ssyncadd.s32 $0xFFFFE000  }
0x8b: {  	[tilespmem:s17], [sflag:$0x2] =	stream.indirect.gather [hbm4b:s4+s15], $0x80, s25, s15, $0xb8;
	[tilespmem:$0x1C880] =	vst v63  }
0x8c: {  	_ =	swait.ge [sflag:s23], $0x2000  }
0x8d: {  	[sflag:s23] =	ssyncset.done $0x0  }
0x8e: {  	s12 =	rddreg [dreg:$0x6];
	[sflag:s23] =	ssyncadd.s32 $0xFFFFE000  }
0x8f: {  	[tilespmem:s18], [sflag:$0x3] =	stream.indirect.gather [hbm4b:s4+s15], $0x80, s12, s15, $0xb8;
	[tilespmem:$0x1C880] =	vst v63  }
0x90: {  	_ =	swait.ge [sflag:s24], $0x2000  }
0x91: {  	[sflag:s24] =	ssyncset.done $0x0  }
0x92: {  	s25 =	rddreg [dreg:$0x7];
	[sflag:s24] =	ssyncadd.s32 $0xFFFFE000  }
0x93: {  	[tilespmem:s19], [sflag:$0x4] =	stream.indirect.gather [hbm4b:s4+s15], $0x80, s25, s15, $0xb8;
	[tilespmem:$0x1C880] =	vst v63  }
0x94: {  	_ =	swait.ge [sflag:s26], $0x2000  }
0x95: {  	[sflag:s26] =	ssyncset.done $0x0  }
0x96: {  	[sflag:s26] =	ssyncadd.s32 $0xFFFFE000  }
0x97: {  	[spmem:s2] =	stream.indirect.scatter.add.f32 [tilespmem:s16], [sflag:$0x5], $0x80, s20, s15, $0xb8;
	[tilespmem:$0x1C880] =	vst v63  }
0x98: {  	_ =	swait.ge [sflag:s28], $0x2000  }
0x99: {  	[sflag:s28] =	ssyncset.done $0x0  }
0x9a: {  	s12 =	rddreg [dreg:$0x8];
	[sflag:s28] =	ssyncadd.s32 $0xFFFFE000  }
0x9b: {  	[spmem:s2] =	stream.indirect.scatter.add.f32 [tilespmem:s17], [sflag:$0x6], $0x80, s12, s15, $0xb8;
	[tilespmem:$0x1C880] =	vst v63  }
0x9c: {  	_ =	swait.ge [sflag:s21], $0x2000  }
0x9d: {  	[sflag:s21] =	ssyncset.done $0x0  }
0x9e: {  	s25 =	rddreg [dreg:$0x9];
	[sflag:s21] =	ssyncadd.s32 $0xFFFFE000  }
0x9f: {  	[tilespmem:s16], [sflag:$0x1] =	stream.indirect.gather [hbm4b:s4+s15], $0x80, s25, s15, $0xb8;
	[tilespmem:$0x1C880] =	vst v63  }
0xa0: {  	_ =	swait.ge [sflag:s22], $0x2000  }
0xa1: {  	[sflag:s22] =	ssyncset.done $0x0  }
0xa2: {  	[sflag:s22] =	ssyncadd.s32 $0xFFFFE000  }
0xa3: {  	[tilespmem:s17], [sflag:$0x2] =	stream.indirect.gather [hbm4b:s4+s15], $0x80, s29, s15, $0xb8;
	[tilespmem:$0x1C880] =	vst v63  }
0xa4: {  	_ =	swait.ge [sflag:s30], $0x2000  }
0xa5: {  	[sflag:s30] =	ssyncset.done $0x0  }
0xa6: {  	[sflag:s30] =	ssyncadd.s32 $0xFFFFE000  }
0xa7: {  	[spmem:s2] =	stream.indirect.scatter.add.f32 [tilespmem:s18], [sflag:$0x7], $0x80, s31, s15, $0xb8;
	[tilespmem:$0x1C880] =	vst v63  }
0xa8: {  	_ =	swait.ge [sflag:s1], $0x2000  }
0xa9: {  	[sflag:s1] =	ssyncset.done $0x0  }
0xaa: {  	[sflag:s1] =	ssyncadd.s32 $0xFFFFE000  }
0xab: {  	[spmem:s2] =	stream.indirect.scatter.add.f32 [tilespmem:s19], [sflag:$0x8], $0x80, s0, s15, $0xb8;
	[tilespmem:$0x1C880] =	vst v63  }
0xac: {  	_ =	swait.ge [sflag:s23], $0x2000  }
0xad: {  	[sflag:s23] =	ssyncset.done $0x0  }
0xae: {  	[sflag:s23] =	ssyncadd.s32 $0xFFFFE000  }
0xaf: {  	[tilespmem:s18], [sflag:$0x3] =	stream.indirect.gather [hbm4b:s4+s15], $0x80, s5, s15, $0xb8;
	[tilespmem:$0x1C880] =	vst v63  }
0xb0: {  	_ =	swait.ge [sflag:s24], $0x2000  }
0xb1: {  	[sflag:s24] =	ssyncset.done $0x0  }
0xb2: {  	[sflag:s24] =	ssyncadd.s32 $0xFFFFE000  }
0xb3: {  	[tilespmem:s19], [sflag:$0x4] =	stream.indirect.gather [hbm4b:s4+s15], $0x80, s7, s15, $0xb8;
	[tilespmem:$0x1C880] =	vst v63  }
0xb4: {  	_ =	swait.ge [sflag:s26], $0x2000  }
0xb5: {  	[sflag:s26] =	ssyncset.done $0x0  }
0xb6: {  	[sflag:s26] =	ssyncadd.s32 $0xFFFFE000  }
0xb7: {  	[spmem:s2] =	stream.indirect.scatter.add.f32 [tilespmem:s16], [sflag:$0x5], $0x80, s9, s15, $0xb8;
	[tilespmem:$0x1C880] =	vst v63  }
0xb8: {  	_ =	swait.ge [sflag:s28], $0x2000  }
0xb9: {  	[sflag:s28] =	ssyncset.done $0x0  }
0xba: {  	[sflag:s28] =	ssyncadd.s32 $0xFFFFE000  }
0xbb: {  	[spmem:s2] =	stream.indirect.scatter.add.f32 [tilespmem:s17], [sflag:$0x6], $0x80, s6, s15, $0xb8;
	[tilespmem:$0x1C880] =	vst v63  }
.Ltmp0:
0xbc: {  	_ =	swait.ge [sflag:s30], $0x2000;
	(pc) =	sbr.rel @p1 .LBB2_2-.Ltmp0, $4  }
0xbd: {  	[sflag:s30] =	ssyncset.done $0x0  }
0xbe: {  	[sflag:s30] =	ssyncadd.s32 $0xFFFFE000  }
0xbf: {  	[spmem:s2] =	stream.indirect.scatter.add.f32 [tilespmem:s18], [sflag:$0x7], $0x80, s10, s15, $0xb8;
	[tilespmem:$0x1C880] =	vst v63  }
0xc0: {  	s25 =	smov.u32 s14;
	_ =	swait.ge [sflag:s1], $0x2000  }
0xc1: {  	[sflag:s1] =	ssyncset.done $0x0  }
0xc2: {  	[sflag:s1] =	ssyncadd.s32 $0xFFFFE000  }
0xc3: {  	[spmem:s2] =	stream.indirect.scatter.add.f32 [tilespmem:s19], [sflag:$0x8], $0x80, s11, s15, $0xb8;
	[tilespmem:$0x1C880] =	vst v63  }
0xc4: {  	_ =	swait.ge [sflag:s21], $0x2000  }
0xc5: {  	[sflag:s21] =	ssyncset.done $0x0  }
0xc6: {  	[sflag:s21] =	ssyncadd.s32 $0xFFFFE000  }
0xc7: {  	_ =	swait.ge [sflag:s22], $0x2000  }
0xc8: {  	[sflag:s22] =	ssyncset.done $0x0  }
0xc9: {  	[sflag:s22] =	ssyncadd.s32 $0xFFFFE000  }
0xca: {  	_ =	swait.ge [sflag:s23], $0x2000  }
0xcb: {  	[sflag:s23] =	ssyncset.done $0x0  }
0xcc: {  	[sflag:s23] =	ssyncadd.s32 $0xFFFFE000  }
0xcd: {  	_ =	swait.ge [sflag:s24], $0x2000  }
0xce: {  	[sflag:s24] =	ssyncset.done $0x0  }
0xcf: {  	[sflag:s24] =	ssyncadd.s32 $0xFFFFE000  }
0xd0: {  	[bflag:$0x0] =	sbarrier.arrive $0xFFFF  }
0xd1: {  	s14 =	rddreg [dreg:$0xd]  }
0xd2: {  	s8 =	rddreg [dreg:$0xf]  }
0xd3: {  	s12 =	rddreg [dreg:$0x12]  }
0xd4: {  	[hbm:s8], [sflag:s14] =	dma.local @p0 [spmem:s12], $0x1900  }
0xd5: {  	s8 =	simm.s32 @p0 $0x9  }
0xd6: {  	_ =	swait.ge @p0 [sflag:s8], $0x1900  }
0xd7: {  	[sflag:s8] =	ssyncset.done @p0 $0x0  }
0xd8: {  	[sflag:s8] =	ssyncadd.s32 @p0 $0xFFFFE700;
	s8 =	rddreg [dreg:$0xb]  }
0xd9: {  	s12 =	rddreg [dreg:$0xe];
	s8 =	sshrl.u32 @!p0 s8, $0x3  }
0xda: {  	[hbm:s12], [sflag:s14] =	dma.local @!p0 [spmem:s8], $0x2800  }
0xdb: {  	s8 =	simm.s32 @!p0 $0x9  }
0xdc: {  	_ =	swait.ge @!p0 [sflag:s8], $0x2800  }
0xdd: {  	s25 =	rddreg [dreg:$0x13]  }
0xde: {  	s12 =	rddreg [dreg:$0x10];
	s25 =	sadd.s32 $0x1, s25  }
0xdf: {  	p1 =	sne.s32 s25, s12  }
.Ltmp1:
0xe0: {  	_ = 	snop;
	(pc) =	sbr.rel @p1 .LBB2_1-.Ltmp1, $3  }
0xe1: {  	_ =	sdelay $0x1  }
0xe2: {  	[sflag:s8] =	ssyncset.done @!p0 $0x0  }
0xe3: {  	[sflag:s8] =	ssyncadd.s32 @!p0 $0xFFFFD800  }
0xe4: {  	_ =	sfence.sel $0x180000  }
0xe5: {  	[bflag:$0x0] =	sbarrier.arrive $0xFFFF  }
0xe6: {  	_ =	strace $0x9000004D  }
0xe7: {  	s0 =	stileid.u32;
	[bflag:$0x2] =	sbarrier.arrive $0xFFFF  }
0xe8: {  	p0 =	sne.s32 s0, $0x0;
	s0 =	rddreg [dreg:$0x2]  }
0xe9: {  	s0 =	sadd.s32 @!p0 $0x100000, s0  }
0xea: {  	[sflag:s0] =	ssyncadd.tile.s32 @!p0 $0x1;
	_ =	shalt  }
.Lfunc_end2:
_tile_overlayer_lowered:
.L_overlay_start_2:
0xeb: {  	(tag) =	ssettag $0x2  }
0xec: {  	s0 =	rddreg [dreg:$0x0];
	s2 =	stileid.u32  }
0xed: {  	s1 =	rddreg [dreg:$0x1];
	p0 =	sne.s32 s2, $0x0  }
0xee: {  	s3 =	rddreg [dreg:$0x2];
	[bflag:$0x3] =	sbarrier.arrive $0xFFFF;
	s2 =	simm.s32 @!p0 $0x1C09  }
0xef: {  	[timem:s3], [sflag:s2] =	dma.local @!p0 [hbm:s0], s1  }
0xf0: {  	s0 =	simm.s32 @!p0 $0x9  }
0xf1: {  	_ =	swait.ge @!p0 [sflag:s0], s1  }
0xf2: {  	s1 =	ssub.s32 @!p0 $0x0, s1;
	[sflag:s0] =	ssyncset.done @!p0 $0x0  }
0xf3: {  	[sflag:s0] =	ssyncadd.s32 @!p0 s1  }
0xf4: {  	[bflag:$0x3] =	sbarrier.arrive $0xFFFF  }
0xf5: {  	_ =	shalt  }

// kernel: kernel.19.cloned.1.call-start
scs
__scs_entry_jumppad:
0x0: {  	(pc) =	sbr.rel $0x88, $3  }
0x1: {  	(tag) =	ssettag $0x0;
	lr =	simm.s32 $0x1  }
0x2: {  	[smem:$0x3F8B] =	sst lr;
	_ =	strace $0xD0000000  }
0x3: {  	_ = 	snop  }
0x4: {  	_ = 	snop  }
0x5: {  	_ = 	snop  }
0x6: {  	_ = 	snop  }
0x7: {  	_ = 	snop  }
__scs_overlays_trampoline_lowered:
0x8: {  	[smem:$0x3F9A] =	sst s0  }
0x9: {  	[smem:$0x3F9B] =	sst s1  }
0xa: {  	[smem:$0x3F9C] =	sst s2  }
0xb: {  	[smem:$0x3F9D] =	sst s3  }
0xc: {  	[smem:$0x3F9E] =	sst s4  }
0xd: {  	[smem:$0x3F9F] =	sst s5  }
0xe: {  	[smem:$0x3FA0] =	sst s6  }
0xf: {  	[smem:$0x3FA1] =	sst s7  }
0x10: {  	[smem:$0x3FA2] =	sst s8  }
0x11: {  	[smem:$0x3FA3] =	sst s9;
	s0 =	simm.s32 @!p0 $0x0  }
0x12: {  	s1 =	sld [smem:$0x3F89];
	s0 =	simm.s32 @p0 $0x1  }
0x13: {  	[smem:$0x3FA4] =	sst s0;
	s0 =	simm.s32 @!p1 $0x0  }
0x14: {  	s2 =	sld [smem:$0x3F88];
	s0 =	simm.s32 @p1 $0x1  }
0x15: {  	[smem:$0x3FA5] =	sst s0;
	s0 =	simm.s32 @!p2 $0x0  }
0x16: {  	s3 =	sld [smem:$0x3FDB];
	s0 =	simm.s32 @p2 $0x1  }
0x17: {  	s4 =	simm.s32 $0x1BF5;
	[smem:$0x3FA7] =	sst s0  }
0x18: {  	s0 =	sld [smem:$0x3F8A];
	_ =	swait.ge [sflag:s4], $0x0  }
0x19: {  	s7 =	sld [smem:$0x3F8B]  }
0x1a: {  	s8 =	sadd.s32 $0xFFFFE003, lr  }
0x1b: {  	s9 =	sadd.s32 $0xFFFFFEF7, lr;
	s5 =	simm.s32 $0xFFFFFFFF;
	p2 =	slt.u32 s8, $0xFFFFF086  }
0x1c: {  	p1 =	slt.u32 s9, $0xF7A;
	s5 =	simm.s32 @!p2 $0x0  }
0x1d: {  	s5 =	simm.s32 @p1 $0x1;
	p0 =	seq.s32 s7, s2  }
0x1e: {  	s7 =	smul.u32 @!p0 $0xF7A, s2;
	p2 =	seq.s32 @!p0 s5, $0x0  }
0x1f: {  	s9 =	smul.u32 $0xF7A, s1;
	s8 =	simm.s32 @!p0 $0x1BF5;
	p2 =	por !p2, p0  }
0x20: {  	[sflag:s8] =	ssyncset.s32 @!p0 $0xFFFFF086;
	s6 =	sadd.s32 @!p0 s3, s7;
	s7 =	simm.s32 @!p0 $0x108  }
0x21: {  	s3 =	sadd.s32 s3, s9;
	s6 =	sadd.s32 @!p0 $0x88, s6;
	s7 =	simm.s32 @p2 $0x1082  }
0x22: {  	[simem:s7], [sflag:s8] =	dma.local @!p0 [hbm:s6], $0xF7A  }
0x23: {  	s9 =	sor.u32 $0xD0000000, s2;
	s6 =	simm.s32 $0x108;
	_ =	swait.ge @!p0 [sflag:s8], $0x0  }
0x24: {  	s3 =	sadd.s32 $0x88, s3;
	s6 =	simm.s32 @!p1 $0x1082;
	[sflag:s4] =	ssyncset.s32 $0xFFFFF086  }
0x25: {  	[simem:s6], [sflag:s4] =	dma.local [hbm:s3], $0xF7A  }
0x26: {  	[smem:$0x3F8B] =	sst s1;
	(tag) =	ssettag s2;
	_ =	strace s9  }
0x27: {  	s1 =	sld [smem:$0x3F9B]  }
0x28: {  	s2 =	sld [smem:$0x3F9C]  }
0x29: {  	s4 =	sld [smem:$0x3F9E]  }
0x2a: {  	p0 =	seq.s32 s5, $0x0;
	s5 =	sld [smem:$0x3F9F]  }
0x2b: {  	s6 =	sld [smem:$0x3FA0]  }
0x2c: {  	s7 =	sld [smem:$0x3FA1]  }
0x2d: {  	s3 =	simm.s32 $0x108;
	s8 =	sld [smem:$0x3FA2]  }
0x2e: {  	s3 =	simm.s32 @!p0 $0x1082;
	s9 =	sld [smem:$0x3FA3]  }
0x2f: {  	lr =	sadd.s32 s0, s3;
	s0 =	sld [smem:$0x3F9A]  }
0x30: {  	s3 =	sld [smem:$0x3F9D]  }
0x31: {  	[smem:$0x3FA6] =	sst s10  }
0x32: {  	s10 =	sld [smem:$0x3FA4];
	_ =	sdelay $0x3  }
0x33: {  	p0 =	seq.s32 s10, $0x1;
	s10 =	sld [smem:$0x3FA6];
	_ =	sdelay $0x3  }
0x34: {  	[smem:$0x3FA6] =	sst s10  }
0x35: {  	s10 =	sld [smem:$0x3FA5];
	_ =	sdelay $0x3  }
0x36: {  	p1 =	seq.s32 s10, $0x1;
	s10 =	sld [smem:$0x3FA6];
	_ =	sdelay $0x3  }
0x37: {  	[smem:$0x3FA6] =	sst s10  }
0x38: {  	s10 =	sld [smem:$0x3FA7]  }
0x39: {  	_ = 	snop;
	(pc) =	sbr.ind lr, $3  }
0x3a: {  	_ = 	snop  }
0x3b: {  	_ = 	snop  }
0x3c: {  	p2 =	seq.s32 s10, $0x1;
	s10 =	sld [smem:$0x3FA6]  }
0x3d: {  	_ =	shalt  }
0x3e: {  	_ =	shalt  }
0x3f: {  	_ =	shalt  }
0x40: {  	_ =	shalt  }
0x41: {  	_ =	shalt  }
0x42: {  	_ =	shalt  }
0x43: {  	_ =	shalt  }
0x44: {  	_ =	shalt  }
0x45: {  	_ =	shalt  }
0x46: {  	_ =	shalt  }
0x47: {  	_ =	shalt  }
0x48: {  	_ =	shalt  }
0x49: {  	_ =	shalt  }
0x4a: {  	_ =	shalt  }
0x4b: {  	_ =	shalt  }
0x4c: {  	_ =	shalt  }
0x4d: {  	_ =	shalt  }
0x4e: {  	_ =	shalt  }
0x4f: {  	_ =	shalt  }
0x50: {  	_ =	shalt  }
0x51: {  	_ =	shalt  }
0x52: {  	_ =	shalt  }
0x53: {  	_ =	shalt  }
0x54: {  	_ =	shalt  }
0x55: {  	_ =	shalt  }
0x56: {  	_ =	shalt  }
0x57: {  	_ =	shalt  }
0x58: {  	_ =	shalt  }
0x59: {  	_ =	shalt  }
0x5a: {  	_ =	shalt  }
0x5b: {  	_ =	shalt  }
0x5c: {  	_ =	shalt  }
0x5d: {  	_ =	shalt  }
0x5e: {  	_ =	shalt  }
0x5f: {  	_ =	shalt  }
0x60: {  	_ =	shalt  }
0x61: {  	_ =	shalt  }
0x62: {  	_ =	shalt  }
0x63: {  	_ =	shalt  }
0x64: {  	_ =	shalt  }
0x65: {  	_ =	shalt  }
0x66: {  	_ =	shalt  }
0x67: {  	_ =	shalt  }
0x68: {  	_ =	shalt  }
0x69: {  	_ =	shalt  }
0x6a: {  	_ =	shalt  }
0x6b: {  	_ =	shalt  }
0x6c: {  	_ =	shalt  }
0x6d: {  	_ =	shalt  }
0x6e: {  	_ =	shalt  }
0x6f: {  	_ =	shalt  }
0x70: {  	_ =	shalt  }
0x71: {  	_ =	shalt  }
0x72: {  	_ =	shalt  }
0x73: {  	_ =	shalt  }
0x74: {  	_ =	shalt  }
0x75: {  	_ =	shalt  }
0x76: {  	_ =	shalt  }
0x77: {  	_ =	shalt  }
0x78: {  	_ =	shalt  }
0x79: {  	_ =	shalt  }
0x7a: {  	_ =	shalt  }
0x7b: {  	_ =	shalt  }
0x7c: {  	_ =	shalt  }
0x7d: {  	_ =	shalt  }
0x7e: {  	_ =	shalt  }
0x7f: {  	_ =	shalt  }
0x80: {  	_ =	shalt  }
0x81: {  	_ =	shalt  }
0x82: {  	_ =	shalt  }
0x83: {  	_ =	shalt  }
0x84: {  	_ =	shalt  }
0x85: {  	_ =	shalt  }
0x86: {  	_ =	shalt  }
0x87: {  	_ =	shalt  }
.Lfunc_end0:
.L_simem_size_0:
called_computation.3_lowered:
.L_overlay_start_0:
0x88: {  	s2 =	sld [smem:$0x3FD9]  }
0x89: {  	s3 =	sld [smem:$0x3FFE];
	_ =	sdelay $0x1  }
0x8a: {  	s1 =	srdreg.scid  }
0x8b: {  	s0 =	sand.u32 $0x1, s1  }
0x8c: {  	s16 =	sshll.u32 s0, $0xA;
	s2 =	sadd.s32 s3, s2  }
0x8d: {  	s2 =	sadd.s32 s2, s16  }
0x8e: {  	[smem:$0x3FB2] =	sst s2  }
0x8f: {  	_ = 	snop  }
0x90: {  	(tm) =	ssettm $0x1  }
0x91: {  	s17 =	sld [smem:$0x3FFB];
	_ =	sdelay $0x3  }
0x92: {  	_ =	strace s17  }
0x93: {  	s2 =	sld [smem:$0x3FFC];
	_ =	sdelay $0x3  }
0x94: {  	_ =	strace s2  }
0x95: {  	s2 =	sld [smem:$0x3FFD];
	_ =	sdelay $0x3  }
0x96: {  	_ =	strace s2  }
0x97: {  	_ =	strace $0x8FFFFFFF  }
0x98: {  	s18 =	sld [smem:$0x3FDB];
	_ =	sdelay $0x1  }
0x99: {  	s19 =	simm.s32 $_scs_section_size  }
0x9a: {  	s4 =	simm.s32 $_size__tile_overlayer_lowered;
	s5 =	simm.s32 $_tile_overlayer_lowered  }
0x9b: {  	s22 =	simm.s32 $0x1BFF;
	s21 =	sshll.u32 s5, $0x1;
	s2 =	sadd.s32 s19, s18  }
0x9c: {  	s6 =	simm.s32 $0x0;
	s20 =	sshll.u32 s4, $0x1;
	s4 =	sadd.s32 s21, s2  }
0x9d: {  	[timem:s6], [sflag:s22] =	dma.local [hbm:s4], s20  }
0x9e: {  	_ =	swait.ge [sflag:s22], s20  }
0x9f: {  	s3 =	ssub.s32 $0x0, s20;
	[sflag:s22] =	ssyncset.done $0x0  }
0xa0: {  	[sflag:s22] =	ssyncadd.s32 s3;
	_ =	sdelay $0x1  }
0xa1: {  	s23 =	simm.s32 $0x1B8B  }
0xa2: {  	_ =	swait.ge [sflag:s23], $0x1  }
0xa3: {  	[sflag:s23] =	ssyncset.done $0x0  }
0xa4: {  	s25 =	simm.s32 $0x1B8E;
	s24 =	sld [smem:$0x3FFE];
	[sflag:s23] =	ssyncadd.s32 $0xFFFFFFFF  }
0xa5: {  	s26 =	simm.s32 $execute0_lowered;
	[smem:$0x3FD2] =	sst s25  }
0xa6: {  	s4 =	sshll.u32 s26, $0x1;
	_ =	strace $0x8000004F;
	[dreg:$0x1] =	wrdreg $0xFFFFFFFF  }
0xa7: {  	s28 =	simm.s32 $_size_execute0_lowered;
	s2 =	sadd.s32 s2, s4;
	[dreg:$0x0] =	wrdreg $0x0  }
0xa8: {  	s4 =	sshll.u32 s28, $0x1;
	[dreg:$0x2] =	wrdreg s2  }
0xa9: {  	[dreg:$0x3] =	wrdreg s4  }
0xaa: {  	[dreg:$0x4] =	wrdreg $0xC0  }
0xab: {  	_ =	task [dreg:s6], $0x5FFFF  }
0xac: {  	[dreg:$0x1] =	wrdreg $0xFFFFFFFF  }
0xad: {  	[dreg:$0x0] =	wrdreg $0x60  }
0xae: {  	[dreg:$0x2] =	wrdreg s24  }
0xaf: {  	[dreg:$0x3] =	wrdreg $0x9  }
0xb0: {  	_ =	task.clear_ibuf [dreg:s6], $0x4FFFF;
	_ =	strace $0x9000004F  }
0xb1: {  	s29 =	simm.s32 $0x9;
	_ =	strace $0x80000051  }
0xb2: {  	_ =	swait.ge [sflag:s29], $0x1  }
0xb3: {  	[sflag:s29] =	ssyncadd.s32 $0xFFFFFFFF  }
0xb4: {  	_ =	strace $0x90000051  }
0xb5: {  	_ =	sfence  }
0xb6: {  	s30 =	sld [smem:$0x0];
	_ =	sdelay $0x2  }
0xb7: {  	s31 =	sshll.u32 s1, $0xD;
	s1 =	sshrl.u32 s1, $0x2  }
0xb8: {  	s3 =	sand.u32 $0x4000, s31;
	s1 =	sadd.s32 s1, s30  }
0xb9: {  	s0 =	sor.u32 s3, s0;
	s1 =	sshll.u32 s1, $0x11  }
0xba: {  	s0 =	sor.u32 s1, s0  }
0xbb: {  	s0 =	sadd.s32 $0x8F2B, s0  }
0xbc: {  	[sflag:s0] =	ssyncadd.remote.s32 $0x1  }
0xbd: {  	_ =	sfence.sel $0xFFFF  }
0xbe: {  	[dreg:$0x0] =	wrdreg $0xFFFFFFFF;
	(pc) =	sbr.abs _section_cstart, $3  }
0xbf: {  	[dreg:$0x1] =	wrdreg $0xFFFFFFFF  }
0xc0: {  	_ =	task.clear_ibuf [dreg:s6], $0x2FFFF;
	_ =	strace $0x9FFFFFFF  }
0xc1: {  	(tm) =	ssettm $0x7FFFFFFF  }
tec
execute0_lowered:
.L_overlay_start_1:
0x0: {  	(tag) =	ssettag $0x1  }
0x1: {  	s4 =	rddreg [dreg:$0x0]  }
0x2: {  	s1 =	srdreg.scid;
	s0 =	rddreg [dreg:$0x1]  }
0x3: {  	s2 =	simm.s32 $0x0;
	s10 =	simm.s32 $0x1000;
	s11 =	simm.s32 $0x80  }
0x4: {  	s12 =	simm.s32 $0x2000;
	s13 =	simm.s32 $0x6000;
	s14 =	simm.s32 $0x1  }
0x5: {  	s15 =	simm.s32 $0x2;
	s16 =	simm.s32 $0xA000;
	s3 =	sand.u32 $0x1, s1  }
0x6: {  	s1 =	stileid.u32;
	[smem:$0x7FF] =	sst s2;
	s5 =	sshll.u32 s3, $0x4  }
0x7: {  	s17 =	simm.s32 $0x0;
	_ =	strace $0x80000050;
	s7 =	sor.u32 s1, s5  }
0x8: {  	s6 =	ssub.s32 $0x2, s3;
	s3 =	sadd.s32 $0x5200, s4;
	s5 =	sshll.u32 s7, $0x9  }
0x9: {  	s31 =	sshrl.u32 s6, $0x1;
	s7 =	smul.u32 $0xC80, s7;
	s8 =	sadd.s32 s5, s4  }
0xa: {  	s9 =	ssub.s32 s6, s31;
	s4 =	sadd.s32 $0x16FA00, s4;
	s5 =	sadd.s32 $0x16BA00, s8  }
0xb: {  	s6 =	sadd.s32 $0x167A00, s8;
	s8 =	smax.u32 s9, $0x1;
	s9 =	simm.s32 $0x3  }
.LBB2_1:
0xc: {  	[tilespmem:s2], [sflag:$0x3] =	stream.linear.gather [hbm4b:s5+s2], $0x1000, $0x38;
	[tilespmem:$0xE000] =	vst v63  }
0xd: {  	_ =	swait.ge [sflag:s9], $0x1000  }
0xe: {  	[sflag:s9] =	ssyncset.done $0x0  }
0xf: {  	[sflag:s9] =	ssyncadd.s32 $0xFFFFF000  }
0x10: {  	[tilespmem:s10], [sflag:$0x3] =	stream.linear.gather [hbm4b:s6+s2], $0x1000, $0x38;
	[tilespmem:$0xE000] =	vst v63  }
0x11: {  	_ =	swait.ge [sflag:s9], $0x1000  }
0x12: {  	[sflag:s9] =	ssyncset.done $0x0  }
0x13: {  	s18 =	simm.s32 $0x0;
	[sflag:s9] =	ssyncadd.s32 $0xFFFFF000  }
.LBB2_2:
0x14: {  	s19 =	sshll.u32 s18, $0x7  }
0x15: {  	[tilespmem:s12], [sflag:$0x1] =	stream.indirect.gather [hbm4b:s3+s11], $0x80, s19, s11, $0xb8;
	[tilespmem:$0xE000] =	vst v63  }
0x16: {  	s20 =	sadd.s32 $0x1000, s19  }
0x17: {  	[tilespmem:s13], [sflag:$0x2] =	stream.indirect.gather [hbm4b:s3+s11], $0x80, s20, s11, $0xb8;
	[tilespmem:$0xE000] =	vst v63  }
0x18: {  	_ =	swait.ge [sflag:s14], $0x4000  }
0x19: {  	[sflag:s14] =	ssyncset.done $0x0  }
0x1a: {  	[sflag:s14] =	ssyncadd.s32 $0xFFFFC000  }
0x1b: {  	_ =	swait.ge [sflag:s15], $0x4000  }
0x1c: {  	[sflag:s15] =	ssyncset.done $0x0  }
0x1d: {  	s20 =	simm.s32 $0x0;
	[sflag:s15] =	ssyncadd.s32 $0xFFFFC000  }
0x1e: {  	v0 =	vld [tilespmem:s20+$0x2000]  }
0x1f: {  	v1 =	vld [tilespmem:s20+$0x6000]  }
0x20: {  	v2 =	vld [tilespmem:s20+$0x2010]  }
0x21: {  	v3 =	vld [tilespmem:s20+$0x6010]  }
0x22: {  	v4 =	vld [tilespmem:s20+$0x2020]  }
0x23: {  	v5 =	vld [tilespmem:s20+$0x6020]  }
0x24: {  	v6 =	vld [tilespmem:s20+$0x2030]  }
0x25: {  	v7 =	vld [tilespmem:s20+$0x6030]  }
0x26: {  	v0 =	vmul.f32 v1, v0;
	v1 =	vmul.f32 v3, v2;
	v2 =	vld [tilespmem:s20+$0x2040]  }
0x27: {  	v3 =	vld [tilespmem:s20+$0x6040]  }
0x28: {  	v8 =	vld [tilespmem:s20+$0x6050];
	v0 =	vadd.f32 v1, v0;
	v1 =	vmul.f32 v5, v4  }
0x29: {  	v5 =	vld [tilespmem:s20+$0x2050]  }
0x2a: {  	v0 =	vadd.f32 v1, v0;
	v1 =	vmul.f32 v7, v6;
	v6 =	vld [tilespmem:s20+$0x2060]  }
0x2b: {  	v7 =	vld [tilespmem:s20+$0x6060]  }
0x2c: {  	v4 =	vld [tilespmem:s20+$0x6070];
	v2 =	vmul.f32 v3, v2;
	v9 =	vadd.f32 v1, v0  }
0x2d: {  	s21 =	simm.s32 $0x80;
	v1 =	vld [tilespmem:s20+$0x2070]  }
0x2e: {  	v3 =	vld [tilespmem:s21+$0x2010];
	v5 =	vmul.f32 v8, v5;
	v9 =	vadd.f32 v2, v9  }
0x2f: {  	v0 =	vld [tilespmem:s21+$0x2000]  }
0x30: {  	s22 =	simm.s32 $0x400;
	v2 =	vld [tilespmem:s21+$0x6000];
	v6 =	vmul.f32 v7, v6;
	v5 =	vadd.f32 v5, v9  }
.LBB2_3:
0x31: {  	p0 =	sne.s32 s22, $0xFE00;
	v7 =	vld [tilespmem:s21+$0x6010]  }
0x32: {  	v8 =	vld [tilespmem:s21+$0x2020];
	v5 =	vadd.f32 v6, v5;
	v1 =	vmul.f32 v4, v1  }
0x33: {  	v4 =	vld [tilespmem:s21+$0x6020]  }
0x34: {  	v6 =	vld [tilespmem:s21+$0x2030];
	v1 =	vadd.f32 v1, v5  }
0x35: {  	v5 =	vld [tilespmem:s21+$0x6030]  }
0x36: {  	v0 =	vmul.f32 v2, v0;
	v2 =	vmul.f32 v7, v3;
	v3 =	vld [tilespmem:s21+$0x2040];
	[tilespmem:s20+$0xA000] =	vst v1;
	s20 =	smov.u32 s21  }
0x37: {  	v1 =	vld [tilespmem:s20+$0x6040]  }
0x38: {  	v0 =	vadd.f32 v2, v0;
	v2 =	vmul.f32 v4, v8;
	v7 =	vld [tilespmem:s20+$0x2050]  }
0x39: {  	v8 =	vld [tilespmem:s20+$0x6050]  }
0x3a: {  	v0 =	vadd.f32 v2, v0;
	v2 =	vmul.f32 v5, v6;
	v6 =	vld [tilespmem:s20+$0x2060]  }
0x3b: {  	v9 =	vld [tilespmem:s20+$0x6060]  }
.Ltmp0:
0x3c: {  	v2 =	vadd.f32 v2, v0;
	v3 =	vmul.f32 v1, v3;
	v1 =	vld [tilespmem:s20+$0x2070];
	(pc) =	sbr.rel @p0 .LBB2_3-.Ltmp0, $4  }
0x3d: {  	s21 =	sshra.s32 s22, $0x2;
	v4 =	vld [tilespmem:s20+$0x6070]  }
0x3e: {  	v0 =	vld [tilespmem:s21+$0x2000];
	v5 =	vadd.f32 v3, v2;
	v7 =	vmul.f32 v8, v7  }
0x3f: {  	v2 =	vld [tilespmem:s21+$0x6000]  }
0x40: {  	s22 =	sadd.s32 $0x200, s22;
	v3 =	vld [tilespmem:s21+$0x2010];
	v5 =	vadd.f32 v7, v5;
	v6 =	vmul.f32 v9, v6  }
0x41: {  	v7 =	vld [tilespmem:s21+$0x6010]  }
0x42: {  	v8 =	vld [tilespmem:s21+$0x2020];
	v5 =	vadd.f32 v6, v5;
	v1 =	vmul.f32 v4, v1  }
0x43: {  	v49 =	vld [tilespmem:s21+$0x6020]  }
0x44: {  	v50 =	vld [tilespmem:s21+$0x2030];
	v1 =	vadd.f32 v1, v5  }
0x45: {  	v51 =	vld [tilespmem:s21+$0x6030]  }
0x46: {  	v9 =	vld [tilespmem:s21+$0x2040];
	v0 =	vmul.f32 v2, v0;
	v52 =	vmul.f32 v7, v3;
	[tilespmem:s20+$0xA000] =	vst v1  }
0x47: {  	v1 =	vld [tilespmem:s21+$0x6040]  }
0x48: {  	v53 =	vmul.f32 v49, v8;
	v54 =	vld [tilespmem:s21+$0x2050];
	v0 =	vadd.f32 v52, v0  }
0x49: {  	v55 =	vld [tilespmem:s21+$0x6050]  }
0x4a: {  	v56 =	vmul.f32 v51, v50;
	v57 =	vld [tilespmem:s21+$0x2060];
	v0 =	vadd.f32 v53, v0  }
0x4b: {  	v58 =	vld [tilespmem:s21+$0x6060]  }
0x4c: {  	v59 =	vld [tilespmem:s21+$0x2070];
	v0 =	vadd.f32 v56, v0;
	v1 =	vmul.f32 v1, v9  }
0x4d: {  	v60 =	vld [tilespmem:s21+$0x6070]  }
0x4e: {  	v61 =	vmul.f32 v55, v54;
	v0 =	vadd.f32 v1, v0;
	_ =	sdelay $0x1  }
0x4f: {  	v62 =	vmul.f32 v58, v57;
	v0 =	vadd.f32 v61, v0;
	_ =	sdelay $0x1  }
0x50: {  	v63 =	vmul.f32 v60, v59;
	v0 =	vadd.f32 v62, v0;
	_ =	sdelay $0x1  }
0x51: {  	s19 =	sadd.s32 s7, s19;
	s18 =	sadd.s32 $0x1, s18;
	v0 =	vadd.f32 v63, v0  }
0x52: {  	s19 =	sshll.u32 s19, $0x4;
	p0 =	sne.s32 s18, $0x19  }
.Ltmp1:
0x53: {  	s19 =	sadd.s32 s4, s19;
	[tilespmem:s21+$0xA000] =	vst v0;
	(pc) =	sbr.rel @p0 .LBB2_2-.Ltmp1, $4  }
0x54: {  	[hbm4b:s19+s2] =	stream.linear.scatter [tilespmem:s16], [sflag:$0x3], $0x4000, $0x38;
	[tilespmem:$0xE000] =	vst v63  }
0x55: {  	_ =	swait.ge [sflag:s9], $0x4000  }
0x56: {  	[sflag:s9] =	ssyncset.done $0x0  }
0x57: {  	[sflag:s9] =	ssyncadd.s32 $0xFFFFC000  }
0x58: {  	s17 =	sadd.s32 $0x1, s17  }
0x59: {  	p0 =	sne.s32 s17, s8  }
.Ltmp2:
0x5a: {  	_ = 	snop;
	(pc) =	sbr.rel @p0 .LBB2_1-.Ltmp2, $1  }
0x5b: {  	_ =	sdelay $0x3  }
0x5c: {  	_ =	sfence.sel $0x180000  }
0x5d: {  	[bflag:$0x0] =	sbarrier.arrive $0xFFFF  }
0x5e: {  	p0 =	sne.s32 s1, $0x0;
	_ =	strace $0x90000050  }
0x5f: {  	s0 =	sadd.s32 @!p0 $0x100000, s0;
	[bflag:$0x2] =	sbarrier.arrive $0xFFFF  }
0x60: {  	[sflag:s0] =	ssyncadd.tile.s32 @!p0 $0x1;
	_ =	shalt  }
.Lfunc_end2:
_tile_overlayer_lowered:
.L_overlay_start_2:
0x61: {  	(tag) =	ssettag $0x2  }
0x62: {  	s0 =	rddreg [dreg:$0x0];
	s2 =	stileid.u32  }
0x63: {  	s1 =	rddreg [dreg:$0x1];
	p0 =	sne.s32 s2, $0x0  }
0x64: {  	s3 =	rddreg [dreg:$0x2];
	[bflag:$0x3] =	sbarrier.arrive $0xFFFF;
	s2 =	simm.s32 @!p0 $0x1C03  }
0x65: {  	[timem:s3], [sflag:s2] =	dma.local @!p0 [hbm:s0], s1  }
0x66: {  	s0 =	simm.s32 @!p0 $0x3  }
0x67: {  	_ =	swait.ge @!p0 [sflag:s0], s1  }
0x68: {  	s1 =	ssub.s32 @!p0 $0x0, s1;
	[sflag:s0] =	ssyncset.done @!p0 $0x0  }
0x69: {  	[sflag:s0] =	ssyncadd.s32 @!p0 s1  }
0x6a: {  	[bflag:$0x3] =	sbarrier.arrive $0xFFFF  }
0x6b: {  	_ =	shalt  }

</sc_bundles>
